<compile_context>
chip_gen: v7x
topology: tpu7x:2x2x1
jax: 0.10.2.dev20260603
libtpu: 0.0.44.dev20260713+nightly
codegen_flags: <defaults>
</compile_context>

<pallas_src>
import functools

import jax
import jax.numpy as jnp
from jax import lax
from jax.experimental import pallas as pl
from jax.experimental.pallas import tpu as pltpu
from jax.experimental.pallas import tpu_sc as plsc

N = 10000
E = 320000
D = 128
H = 8
HD = 16
ED = 16

NC = 2
NS = 16
NW = NC * NS
EW = E // NW
C = 48
F = EW // C
TAIL = EW - F * C
NTILE = N // NS
C2 = 2000
NCHUNK2 = EW // C2

_SCALE = HD ** -0.5


def _layernorm(xb, g, b):
    m = jnp.mean(xb, axis=-1, keepdims=True)
    v = jnp.mean((xb - m) ** 2, axis=-1, keepdims=True)
    return (xb - m) / jnp.sqrt(v + 1e-5) * g + b


def _tc_pre_body(x_ref, g1_ref, be1_ref, wq_ref, bq_ref, wk_ref, bk_ref,
                 wv_ref, bv_ref, ef_ref, we8_ref, be8_ref,
                 q_ref, k_ref, v_ref, ep_ref):
    xb = x_ref[...]
    xn = _layernorm(xb, g1_ref[...], be1_ref[...])
    dot = lambda a, w: lax.dot_general(a, w, (((1,), (1,)), ((), ())),
                                       preferred_element_type=jnp.float32)
    q_ref[...] = (dot(xn, wq_ref[...]) + bq_ref[...]) * _SCALE
    k_ref[...] = dot(xn, wk_ref[...]) + bk_ref[...]
    v_ref[...] = dot(xn, wv_ref[...]) + bv_ref[...]
    ep_ref[...] = lax.dot_general(ef_ref[...], we8_ref[...],
                                  (((1,), (0,)), ((), ())),
                                  preferred_element_type=jnp.float32) \
        + be8_ref[...]


def _tc_pre(x, g1, be1, Wq, bq, Wk, bk, Wv, bv, ef, We, be):
    GN = 10
    BN = N // GN
    E8 = E // 8
    BE = E8 // GN
    full = lambda shape: pl.BlockSpec(shape, lambda i: (0, 0))
    blk = lambda shape: pl.BlockSpec(shape, lambda i: (i, 0))
    ef8 = ef.reshape(E8, 8 * ED)
    we8 = jnp.kron(jnp.eye(8, dtype=jnp.float32), We.T)
    be8 = jnp.tile(be, 8).reshape(1, 8 * ED)
    return pl.pallas_call(
        _tc_pre_body,
        grid=(GN,),
        in_specs=[
            blk((BN, D)), full((1, D)), full((1, D)),
            full((D, D)), full((1, D)), full((D, D)), full((1, D)),
            full((D, D)), full((1, D)),
            blk((BE, 8 * ED)), full((8 * ED, 8 * ED)), full((1, 8 * ED)),
        ],
        out_specs=[blk((BN, D)), blk((BN, D)), blk((BN, D)),
                   blk((BE, 8 * ED))],
        out_shape=[
            jax.ShapeDtypeStruct((N, D), jnp.float32),
            jax.ShapeDtypeStruct((N, D), jnp.float32),
            jax.ShapeDtypeStruct((N, D), jnp.float32),
            jax.ShapeDtypeStruct((E8, 8 * ED), jnp.float32),
        ],
        compiler_params=pltpu.CompilerParams(
            dimension_semantics=("arbitrary",)),
    )(x, g1.reshape(1, D), be1.reshape(1, D), Wq, bq.reshape(1, D),
      Wk, bk.reshape(1, D), Wv, bv.reshape(1, D), ef8, we8, be8)


def _sc_edge_body(q_hbm, k_hbm, v_hbm, ep_hbm, ew_hbm, src_hbm, dst_hbm,
                  ex_out, agg_out, den_out,
                  srcA, dstA, ewA, epA, qA, kA, vA,
                  srcB, dstB, ewB, epB, qB, kB, vB,
                  srcT, dstT, ex8_v, agg_sp, den_sp,
                  semIA, semIB, semGA, semGB):
    c = lax.axis_index("c")
    s = lax.axis_index("s")
    wid = c * NS + s
    bufA = (srcA, dstA, ewA, epA, qA, kA, vA)
    bufB = (srcB, dstB, ewB, epB, qB, kB, vB)

    zli = lax.iota(jnp.int32, 16) // H
    zlm = lax.iota(jnp.int32, 16) % H

    def _zrow(i, _):
        for jj in range(D // 16):
            qA[i, pl.ds(jj * 16, 16)] = jnp.zeros((16,), jnp.float32)
        return 0
    lax.fori_loop(0, C, _zrow, 0)

    def _zex(i, _):
        plsc.store_scatter(ex8_v, [zli + i * 2, zlm],
                           jnp.zeros((16,), jnp.float32))
        return 0
    lax.fori_loop(0, C // 2, _zex, 0)

    r0 = s * NTILE
    for piece in range(NTILE // C):
        pltpu.sync_copy(qA, agg_sp.at[pl.ds(r0 + piece * C, C)])
        pltpu.sync_copy(ex8_v, den_sp.at[pl.ds(r0 + piece * C, C)])
    rem = NTILE % C
    if rem:
        pltpu.sync_copy(qA.at[pl.ds(0, rem)],
                        agg_sp.at[pl.ds(r0 + (NTILE // C) * C, rem)])
        pltpu.sync_copy(ex8_v.at[pl.ds(0, rem)],
                        den_sp.at[pl.ds(r0 + (NTILE // C) * C, rem)])
    plsc.subcore_barrier()

    lanes = lax.iota(jnp.int32, 16)

    def _fire_idx(ci, buf, sem):
        sv, dv, wv, pv = buf[0], buf[1], buf[2], buf[3]
        base = wid * EW + ci * C
        return (pltpu.async_copy(src_hbm.at[pl.ds(base, C)], sv, sem),
                pltpu.async_copy(dst_hbm.at[pl.ds(base, C)], dv, sem),
                pltpu.async_copy(ew_hbm.at[pl.ds(base, C)], wv, sem),
                pltpu.async_copy(ep_hbm.at[pl.ds(base, C)], pv, sem))

    def _drain_idx(buf, sem):
        pltpu.make_async_copy(src_hbm.at[pl.ds(0, C)], buf[0], sem).wait()
        pltpu.make_async_copy(dst_hbm.at[pl.ds(0, C)], buf[1], sem).wait()
        pltpu.make_async_copy(ew_hbm.at[pl.ds(0, C)], buf[2], sem).wait()
        pltpu.make_async_copy(ep_hbm.at[pl.ds(0, C)], buf[3], sem).wait()

    def _fire_gath(buf, sem):
        return (pltpu.async_copy(q_hbm.at[buf[1]], buf[4], sem),
                pltpu.async_copy(k_hbm.at[buf[0]], buf[5], sem),
                pltpu.async_copy(v_hbm.at[buf[0]], buf[6], sem))

    def _drain_gath(buf, sem):
        pltpu.make_async_copy(q_hbm.at[pl.ds(0, C)], buf[4], sem).wait()
        pltpu.make_async_copy(k_hbm.at[pl.ds(0, C)], buf[5], sem).wait()
        pltpu.make_async_copy(v_hbm.at[pl.ds(0, C)], buf[6], sem).wait()

    def _rot(a, m):
        return a[(lanes ^ m).astype(jnp.int32)]

    def _merge(a, b, m, msk):
        return jnp.where(msk, a + _rot(a, m), b + _rot(b, m))

    msk8 = lanes < 8
    msk4 = (lanes & 4) == 0
    msk2 = (lanes & 2) == 0
    evenm = (lanes & 1) == 0
    pairi = lanes // 2
    colmap = ((pairi & 1) << 2) | (pairi & 2) | ((pairi & 4) >> 2)

    def _compute(buf, nsub):
        ew_v, ep_v, q_v, k_v, v_v = buf[2], buf[3], buf[4], buf[5], buf[6]

        def _subtile(t, _):
            ew_t = ew_v[pl.ds(t * 16, 16)]

            def _one(e2):
                e = t * 16 + e2
                ep_e = ep_v[e, :]
                prods = []
                for h in range(H):
                    qh = q_v[e, pl.ds(h * 16, 16)]
                    kh = k_v[e, pl.ds(h * 16, 16)]
                    prods.append(qh * (kh + ep_e))
                s1 = [_merge(prods[2 * i], prods[2 * i + 1], 8, msk8)
                      for i in range(4)]
                s2 = [_merge(s1[2 * i], s1[2 * i + 1], 4, msk4)
                      for i in range(2)]
                s3 = _merge(s2[0], s2[1], 2, msk2)
                s4 = s3 + _rot(s3, 1)
                ewb = ew_t[lanes * 0 + e2]
                ex = jnp.exp(s4 * ewb)
                plsc.store_scatter(ex8_v, [lanes * 0 + e, colmap], ex,
                                   mask=evenm)
                for h in range(H):
                    hb = ((h & 1) << 2) | (h & 2) | ((h & 4) >> 2)
                    exb = ex[lanes * 0 + 2 * hb]
                    v_v[e, pl.ds(h * 16, 16)] = \
                        v_v[e, pl.ds(h * 16, 16)] * exb
            return 0
        lax.fori_loop(0, nsub, _subtile, 0)

    def _finish(ci, buf):
        base = wid * EW + ci * C
        pltpu.sync_copy(buf[6], agg_sp.at[buf[1]], add=True)
        pltpu.sync_copy(ex8_v, den_sp.at[buf[1]], add=True)
        pltpu.sync_copy(ex8_v, ex_out.at[pl.ds(base, C)])

    for d in _fire_idx(0, bufA, semIA):
        d.wait()
    _fire_gath(bufA, semGA)
    _fire_idx(1, bufB, semIB)

    def _steady(ci2, _):
        a = ci2 * 2
        b = a + 1
        _drain_gath(bufA, semGA)
        _drain_idx(bufB, semIB)
        _fire_gath(bufB, semGB)
        _compute(bufA, C // 16)
        _finish(a, bufA)
        _fire_idx(a + 2, bufA, semIA)
        _drain_gath(bufB, semGB)
        _drain_idx(bufA, semIA)
        _fire_gath(bufA, semGA)
        _compute(bufB, C // 16)
        _finish(b, bufB)
        _fire_idx(b + 2, bufB, semIB)
        return 0
    lax.fori_loop(0, F // 2 - 1, _steady, 0)

    _drain_gath(bufA, semGA)
    _drain_idx(bufB, semIB)
    _fire_gath(bufB, semGB)
    _compute(bufA, C // 16)
    _finish(F - 2, bufA)
    _drain_gath(bufB, semGB)
    _compute(bufB, C // 16)
    _finish(F - 1, bufB)

    tb = wid * EW + F * C
    pltpu.sync_copy(src_hbm.at[pl.ds(tb, TAIL)], srcT)
    pltpu.sync_copy(dst_hbm.at[pl.ds(tb, TAIL)], dstT)
    pltpu.sync_copy(ew_hbm.at[pl.ds(tb, TAIL)], ewA.at[pl.ds(0, TAIL)])
    pltpu.sync_copy(ep_hbm.at[pl.ds(tb, TAIL)], epA.at[pl.ds(0, TAIL)])
    pltpu.sync_copy(q_hbm.at[dstT], qA.at[pl.ds(0, TAIL)])
    pltpu.sync_copy(k_hbm.at[srcT], kA.at[pl.ds(0, TAIL)])
    pltpu.sync_copy(v_hbm.at[srcT], vA.at[pl.ds(0, TAIL)])
    _compute(bufA, TAIL // 16)
    pltpu.sync_copy(vA.at[pl.ds(0, TAIL)], agg_sp.at[dstT], add=True)
    pltpu.sync_copy(ex8_v.at[pl.ds(0, TAIL)], den_sp.at[dstT], add=True)
    pltpu.sync_copy(ex8_v.at[pl.ds(0, TAIL)], ex_out.at[pl.ds(tb, TAIL)])

    plsc.subcore_barrier()
    pltpu.sync_copy(agg_sp.at[pl.ds(r0, NTILE)], agg_out.at[c, pl.ds(r0, NTILE)])
    pltpu.sync_copy(den_sp.at[pl.ds(r0, NTILE)], den_out.at[c, pl.ds(r0, NTILE)])


_SC_PARAMS = pltpu.CompilerParams(needs_layout_passes=False,
                                  use_tc_tiling_on_sc=False)


def _sc_edge(q, k, v, ep, ew, src, dst):
    mesh = plsc.VectorSubcoreMesh(core_axis_name="c", subcore_axis_name="s", num_cores=NC, num_subcores=NS)
    f = pl.kernel(
        _sc_edge_body,
        compiler_params=_SC_PARAMS,
        out_type=(
            jax.ShapeDtypeStruct((E, H), jnp.float32),
            jax.ShapeDtypeStruct((NC, N, D), jnp.float32),
            jax.ShapeDtypeStruct((NC, N, H), jnp.float32),
        ),
        mesh=mesh,
        scratch_types=(
            [pltpu.VMEM((C,), jnp.int32),
             pltpu.VMEM((C,), jnp.int32),
             pltpu.VMEM((C,), jnp.float32),
             pltpu.VMEM((C, ED), jnp.float32),
             pltpu.VMEM((C, D), jnp.float32),
             pltpu.VMEM((C, D), jnp.float32),
             pltpu.VMEM((C, D), jnp.float32)]
            + [pltpu.VMEM((C,), jnp.int32),
               pltpu.VMEM((C,), jnp.int32),
               pltpu.VMEM((C,), jnp.float32),
               pltpu.VMEM((C, ED), jnp.float32),
               pltpu.VMEM((C, D), jnp.float32),
               pltpu.VMEM((C, D), jnp.float32),
               pltpu.VMEM((C, D), jnp.float32)]
            + [pltpu.VMEM((TAIL,), jnp.int32),
               pltpu.VMEM((TAIL,), jnp.int32),
               pltpu.VMEM((C, H), jnp.float32),
               pltpu.VMEM_SHARED((N, D), jnp.float32),
               pltpu.VMEM_SHARED((N, H), jnp.float32),
               pltpu.SemaphoreType.DMA,
               pltpu.SemaphoreType.DMA,
               pltpu.SemaphoreType.DMA,
               pltpu.SemaphoreType.DMA]
        ),
    )
    return f(q, k, v, ep, ew, src, dst)


def _tc_post_body(x_ref, agg_ref, den_ref, wo_ref, bo_ref, w1_ref, b1_ref,
                  w2_ref, b2_ref, g2_ref, be2_ref, ab_ref,
                  out_ref, den8_ref):
    xb = x_ref[...]
    agg_raw = agg_ref[0] + agg_ref[1]
    den8 = den_ref[0] + den_ref[1]
    ri = lax.broadcasted_iota(jnp.int32, (H, D), 0)
    ci = lax.broadcasted_iota(jnp.int32, (H, D), 1)
    expand = (ci // HD == ri).astype(jnp.float32)
    den128 = lax.dot_general(den8, expand, (((1,), (0,)), ((), ())),
                             preferred_element_type=jnp.float32)
    agg = jnp.where(den128 > 0.0, agg_raw / den128, 0.0)
    dot = lambda a, w: lax.dot_general(a, w, (((1,), (1,)), ((), ())),
                                       preferred_element_type=jnp.float32)
    attn = dot(agg, wo_ref[...]) + bo_ref[...]
    alpha = ab_ref[0, 0]
    beta = ab_ref[0, 1]
    x1 = xb + alpha * attn
    xn2 = _layernorm(x1, g2_ref[...], be2_ref[...])
    h1 = dot(xn2, w1_ref[...]) + b1_ref[...]
    g = 0.5 * h1 * (1.0 + lax.erf(h1 * (2.0 ** -0.5)))
    ff = dot(g, w2_ref[...]) + b2_ref[...]
    out_ref[...] = x1 + beta * ff
    den8_ref[...] = den8


def _tc_post(x, agg_p, den_p, Wo, bo, W1, b1, W2, b2, g2, be2, alpha, beta):
    GN = 10
    BN = N // GN
    full = lambda shape: pl.BlockSpec(shape, lambda i: tuple(0 for _ in shape))
    ab = jnp.concatenate([alpha, beta]).reshape(1, 2)
    return pl.pallas_call(
        _tc_post_body,
        grid=(GN,),
        in_specs=[
            pl.BlockSpec((BN, D), lambda i: (i, 0)),
            pl.BlockSpec((NC, BN, D), lambda i: (0, i, 0)),
            pl.BlockSpec((NC, BN, H), lambda i: (0, i, 0)),
            full((D, D)), full((1, D)),
            full((4 * D, D)), full((1, 4 * D)),
            full((D, 4 * D)), full((1, D)),
            full((1, D)), full((1, D)), full((1, 2)),
        ],
        out_specs=[pl.BlockSpec((BN, D), lambda i: (i, 0)),
                   pl.BlockSpec((BN, H), lambda i: (i, 0))],
        out_shape=[jax.ShapeDtypeStruct((N, D), jnp.float32),
                   jax.ShapeDtypeStruct((N, H), jnp.float32)],
        compiler_params=pltpu.CompilerParams(
            dimension_semantics=("arbitrary",)),
    )(x, agg_p, den_p, Wo, bo.reshape(1, D), W1, b1.reshape(1, 4 * D),
      W2, b2.reshape(1, D), g2.reshape(1, D), be2.reshape(1, D), ab)


def _sc_attn_body(ex_hbm, dst_hbm, den_hbm, aw_out,
                  dst_v, ex_v, dr_v, out_v):
    c = lax.axis_index("c")
    s = lax.axis_index("s")
    wid = c * NS + s
    li = lax.iota(jnp.int32, 16) // H
    lm = lax.iota(jnp.int32, 16) % H

    def _chunk(ci, _):
        base = wid * EW + ci * C2
        pltpu.sync_copy(dst_hbm.at[pl.ds(base, C2)], dst_v)
        pltpu.sync_copy(ex_hbm.at[pl.ds(base, C2)], ex_v)
        pltpu.sync_copy(den_hbm.at[dst_v], dr_v)

        def _pair(t, _):
            rowp = li + t * 2
            exp_ = plsc.load_gather(ex_v, [rowp, lm])
            dnp_ = plsc.load_gather(dr_v, [rowp, lm])
            plsc.store_scatter(out_v, [rowp, lm], exp_ / dnp_)
            return 0
        lax.fori_loop(0, C2 // 2, _pair, 0)
        pltpu.sync_copy(out_v, aw_out.at[pl.ds(base, C2)])
        return 0
    lax.fori_loop(0, NCHUNK2, _chunk, 0)


def _sc_attn(ex, dst, den16):
    mesh = plsc.VectorSubcoreMesh(core_axis_name="c", subcore_axis_name="s", num_cores=NC, num_subcores=NS)
    f = pl.kernel(
        _sc_attn_body,
        compiler_params=_SC_PARAMS,
        out_type=jax.ShapeDtypeStruct((E, H), jnp.float32),
        mesh=mesh,
        scratch_types=[
            pltpu.VMEM((C2,), jnp.int32),
            pltpu.VMEM((C2, H), jnp.float32),
            pltpu.VMEM((C2, H), jnp.float32),
            pltpu.VMEM((C2, H), jnp.float32),
        ],
    )
    return f(ex, dst, den16)


def kernel(x, edge_index, edge_features, edge_weights, Wq, bq, Wk, bk,
           Wv, bv, We, be, Wo, bo, W1, b1, W2, b2, g1, be1, g2, be2,
           alpha, beta):
    src = edge_index[0]
    dst = edge_index[1]
    q, k, v, ep8 = _tc_pre(x, g1, be1, Wq, bq, Wk, bk, Wv, bv,
                           edge_features, We, be)
    ep = ep8.reshape(E, ED)
    ex, agg_p, den_p = _sc_edge(q, k, v, ep, edge_weights, src, dst)
    out, den8 = _tc_post(x, agg_p, den_p, Wo, bo, W1, b1, W2, b2,
                         g2, be2, alpha, beta)
    attn_w = _sc_attn(ex, dst, den8)
    return out, attn_w

# --- scband reference (transcript-rebuilt; emitter-appended) ---
"""Pipeline reference for scband-graph-transformer-layer-33011118637080 (READ-ONLY COPY).

The authoritative reference and input builder live on the scoring server;
editing this copy changes nothing except your own understanding.
"""

import jax, jax.numpy as jnp
import numpy as np

N = 10000
E = 320000
D = 128
H = 8
HD = D // H
ED = 16

def _layernorm(x, g, b):
    m = jnp.mean(x, axis=-1, keepdims=True)
    v = jnp.mean((x - m) ** 2, axis=-1, keepdims=True)
    return (x - m) / jnp.sqrt(v + 1e-5) * g + b

def setup_inputs(seed: int = 0):
    key = jax.random.key(seed)
    ks = jax.random.split(key, 20)
    inp = {}
    inp['x'] = jax.random.normal(ks[0], (N, D), jnp.float32)
    inp['edge_index'] = jax.random.randint(ks[1], (2, E), 0, N, jnp.int32)
    inp['edge_features'] = jax.random.normal(ks[2], (E, ED), jnp.float32)
    inp['edge_weights'] = jax.random.uniform(ks[3], (E,), jnp.float32)
    inp['Wq'] = jax.random.normal(ks[4], (D, D), jnp.float32) * 0.02
    inp['bq'] = jnp.zeros((D,), jnp.float32)
    inp['Wk'] = jax.random.normal(ks[5], (D, D), jnp.float32) * 0.02
    inp['bk'] = jnp.zeros((D,), jnp.float32)
    inp['Wv'] = jax.random.normal(ks[6], (D, D), jnp.float32) * 0.02
    inp['bv'] = jnp.zeros((D,), jnp.float32)
    inp['We'] = jax.random.normal(ks[7], (HD, ED), jnp.float32) * 0.02
    inp['be'] = jnp.zeros((HD,), jnp.float32)
    inp['Wo'] = jax.random.normal(ks[8], (D, D), jnp.float32) * 0.02
    inp['bo'] = jnp.zeros((D,), jnp.float32)
    inp['W1'] = jax.random.normal(ks[9], (4 * D, D), jnp.float32) * 0.02
    inp['b1'] = jnp.zeros((4 * D,), jnp.float32)
    inp['W2'] = jax.random.normal(ks[10], (D, 4 * D), jnp.float32) * 0.02
    inp['b2'] = jnp.zeros((D,), jnp.float32)
    inp['g1'] = jnp.ones((D,), jnp.float32)
    inp['be1'] = jnp.zeros((D,), jnp.float32)
    inp['g2'] = jnp.ones((D,), jnp.float32)
    inp['be2'] = jnp.zeros((D,), jnp.float32)
    inp['alpha'] = jnp.ones((1,), jnp.float32)
    inp['beta'] = jnp.ones((1,), jnp.float32)
    return inp

def reference(x, edge_index, edge_features, edge_weights, Wq, bq, Wk, bk, Wv, bv, We, be, Wo, bo, W1, b1, W2, b2, g1, be1, g2, be2, alpha, beta):
    src = edge_index[0]
    dst = edge_index[1]
    xn = _layernorm(x, g1, be1)
    q = (xn @ Wq.T + bq).reshape(N, H, HD)
    k = (xn @ Wk.T + bk).reshape(N, H, HD)
    v = (xn @ Wv.T + bv).reshape(N, H, HD)
    ep = edge_features @ We.T + be
    scores = jnp.sum(q[dst] * (k[src] + ep[:, None, :]), axis=-1) * (HD ** -0.5)
    scores = scores * edge_weights[:, None]
    smax = jax.ops.segment_max(scores, dst, num_segments=N)
    smax = jnp.where(jnp.isfinite(smax), smax, 0.0)
    ex = jnp.exp(scores - smax[dst])
    denom = jax.ops.segment_sum(ex, dst, num_segments=N)
    attn_w = ex / denom[dst]
    agg = jax.ops.segment_sum(attn_w[:, :, None] * v[src], dst, num_segments=N).reshape(N, D)
    attn_out = agg @ Wo.T + bo
    x1 = x + alpha * attn_out
    xn2 = _layernorm(x1, g2, be2)
    ff = jax.nn.gelu(xn2 @ W1.T + b1, approximate=False) @ W2.T + b2
    out = x1 + beta * ff
    return (out, attn_w)

if __name__ == "__main__":
    import jax
    _d = setup_inputs()
    print(jax.jit(kernel)(*tuple(_d.values())))

</pallas_src>

<mosaic_0001>
#map = affine_map<(d0, d1) -> (0, 0)>
#map1 = affine_map<(d0, d1) -> (0)>
#map2 = affine_map<(d0, d1) -> (0, 0, 0)>
module attributes {stable_mosaic.version = 14 : i64} {
  func.func @_sc_edge_body(%arg0: i32, %arg1: i32, %arg2: memref<10000x128xf32, #tpu.memory_space<hbm>>, %arg3: memref<10000x128xf32, #tpu.memory_space<hbm>>, %arg4: memref<10000x128xf32, #tpu.memory_space<hbm>>, %arg5: memref<320000x16xf32, #tpu.memory_space<hbm>>, %arg6: memref<320000xf32, #tpu.memory_space<hbm>>, %arg7: memref<320000xi32, #tpu.memory_space<hbm>>, %arg8: memref<320000xi32, #tpu.memory_space<hbm>>, %arg9: memref<320000x8xf32, #tpu.memory_space<hbm>>, %arg10: memref<2x10000x128xf32, #tpu.memory_space<hbm>>, %arg11: memref<2x10000x8xf32, #tpu.memory_space<hbm>>, %arg12: memref<48xi32, #tpu.memory_space<vmem>>, %arg13: memref<48xi32, #tpu.memory_space<vmem>>, %arg14: memref<48xf32, #tpu.memory_space<vmem>>, %arg15: memref<48x16xf32, #tpu.memory_space<vmem>>, %arg16: memref<48x128xf32, #tpu.memory_space<vmem>>, %arg17: memref<48x128xf32, #tpu.memory_space<vmem>>, %arg18: memref<48x128xf32, #tpu.memory_space<vmem>>, %arg19: memref<48xi32, #tpu.memory_space<vmem>>, %arg20: memref<48xi32, #tpu.memory_space<vmem>>, %arg21: memref<48xf32, #tpu.memory_space<vmem>>, %arg22: memref<48x16xf32, #tpu.memory_space<vmem>>, %arg23: memref<48x128xf32, #tpu.memory_space<vmem>>, %arg24: memref<48x128xf32, #tpu.memory_space<vmem>>, %arg25: memref<48x128xf32, #tpu.memory_space<vmem>>, %arg26: memref<16xi32, #tpu.memory_space<vmem>>, %arg27: memref<16xi32, #tpu.memory_space<vmem>>, %arg28: memref<48x8xf32, #tpu.memory_space<vmem>>, %arg29: memref<10000x128xf32, #tpu.memory_space<vmem_shared>>, %arg30: memref<10000x8xf32, #tpu.memory_space<vmem_shared>>, %arg31: memref<!tpu.dma_semaphore, #tpu.memory_space<semaphore_mem>>, %arg32: memref<!tpu.dma_semaphore, #tpu.memory_space<semaphore_mem>>, %arg33: memref<!tpu.dma_semaphore, #tpu.memory_space<semaphore_mem>>, %arg34: memref<!tpu.dma_semaphore, #tpu.memory_space<semaphore_mem>>) attributes {dimension_semantics = [#tpu.dimension_semantics<core_parallel>, #tpu.dimension_semantics<subcore_parallel>], iteration_bounds = array<i64: 2, 16>, scalar_prefetch = 0 : i64, scratch_operands = 23 : i64, tpu.core_type = #tpu.core_type<sc_vector_subcore>, window_params = [{transform_indices = #map}, {transform_indices = #map}, {transform_indices = #map}, {transform_indices = #map}, {transform_indices = #map1}, {transform_indices = #map1}, {transform_indices = #map1}, {transform_indices = #map}, {transform_indices = #map2}, {transform_indices = #map2}]} {
    %mul3A = arith.constant 16 : i32
    %mul3A_0 = arith.muli %arg0, %mul3A : i32
    %add3A = arith.addi %mul3A_0, %arg1 : i32
    %iota3A = tpu.iota {dimensions = array<i32: 0>} : vector<16xi32>
    %jit3A = arith.constant 8 : i32
    %div3A = vector.broadcast %jit3A : i32 to vector<16xi32>
    %div3A_1 = arith.divsi %iota3A, %div3A : vector<16xi32>
    %sign3A = arith.constant 0 : i32
    %sign3A_2 = vector.broadcast %sign3A : i32 to vector<16xi32>
    %sign3A_3 = arith.cmpi sgt, %iota3A, %sign3A_2 : vector<16xi32>
    %sign3A_4 = arith.extui %sign3A_3 : vector<16xi1> to vector<16xi32>
    %sign3A_5 = arith.constant 0 : i32
    %sign3A_6 = vector.broadcast %sign3A_5 : i32 to vector<16xi32>
    %sign3A_7 = arith.cmpi slt, %iota3A, %sign3A_6 : vector<16xi32>
    %sign3A_8 = arith.extui %sign3A_7 : vector<16xi1> to vector<16xi32>
    %sign3A_9 = arith.subi %sign3A_4, %sign3A_8 : vector<16xi32>
    %sign3A_10 = arith.constant 0 : i32
    %sign3A_11 = arith.cmpi sgt, %jit3A, %sign3A_10 : i32
    %sign3A_12 = arith.extui %sign3A_11 : i1 to i32
    %sign3A_13 = arith.constant 0 : i32
    %sign3A_14 = arith.cmpi slt, %jit3A, %sign3A_13 : i32
    %sign3A_15 = arith.extui %sign3A_14 : i1 to i32
    %sign3A_16 = arith.subi %sign3A_12, %sign3A_15 : i32
    %ne3A = vector.broadcast %sign3A_16 : i32 to vector<16xi32>
    %ne3A_17 = arith.cmpi ne, %sign3A_9, %ne3A : vector<16xi32>
    %rem3A = vector.broadcast %jit3A : i32 to vector<16xi32>
    %rem3A_18 = arith.remsi %iota3A, %rem3A : vector<16xi32>
    %ne3A_19 = arith.constant 0 : i32
    %ne3A_20 = vector.broadcast %ne3A_19 : i32 to vector<16xi32>
    %ne3A_21 = arith.cmpi ne, %rem3A_18, %ne3A_20 : vector<16xi32>
    %and3A = arith.andi %ne3A_17, %ne3A_21 : vector<16xi1>
    %sub3A = arith.constant 1 : i32
    %sub3A_22 = vector.broadcast %sub3A : i32 to vector<16xi32>
    %sub3A_23 = arith.subi %div3A_1, %sub3A_22 : vector<16xi32>
    %select_n3A = arith.select %and3A, %sub3A_23, %div3A_1 : vector<16xi1>, vector<16xi32>
    %iota3A_24 = tpu.iota {dimensions = array<i32: 0>} : vector<16xi32>
    %jit3A_25 = arith.constant 8 : i32
    %eq3A = arith.constant 0 : i32
    %eq3A_26 = arith.cmpi eq, %jit3A_25, %eq3A : i32
    %jit3A_27 = arith.constant 1 : i32
    %select_n3A_28 = arith.select %eq3A_26, %jit3A_27, %jit3A_25 : i32
    %rem3A_29 = vector.broadcast %select_n3A_28 : i32 to vector<16xi32>
    %rem3A_30 = arith.remsi %iota3A_24, %rem3A_29 : vector<16xi32>
    %ne3A_31 = arith.constant 0 : i32
    %ne3A_32 = vector.broadcast %ne3A_31 : i32 to vector<16xi32>
    %ne3A_33 = arith.cmpi ne, %rem3A_30, %ne3A_32 : vector<16xi32>
    %lt3A = arith.constant 0 : i32
    %lt3A_34 = vector.broadcast %lt3A : i32 to vector<16xi32>
    %lt3A_35 = arith.cmpi slt, %rem3A_30, %lt3A_34 : vector<16xi32>
    %lt3A_36 = arith.constant 0 : i32
    %lt3A_37 = arith.cmpi slt, %select_n3A_28, %lt3A_36 : i32
    %ne3A_38 = vector.broadcast %lt3A_37 : i1 to vector<16xi1>
    %ne3A_39 = vector.broadcast %ne3A_38 : vector<16xi1> to vector<16xi1>
    %ne3A_40 = arith.xori %lt3A_35, %ne3A_39 : vector<16xi1>
    %and3A_41 = arith.andi %ne3A_40, %ne3A_33 : vector<16xi1>
    %add3A_42 = vector.broadcast %select_n3A_28 : i32 to vector<16xi32>
    %add3A_43 = arith.addi %rem3A_30, %add3A_42 : vector<16xi32>
    %select_n3A_44 = arith.select %and3A_41, %add3A_43, %rem3A_30 : vector<16xi1>, vector<16xi32>
    %scan3A = arith.constant 0 : i32
    %scan3A_45 = arith.constant 0 : i32
    %scan3A_46 = arith.constant 48 : i32
    %scan3A_47 = arith.addi %scan3A_45, %scan3A_46 : i32
    %scan3A_48 = arith.constant 1 : i32
    %scan3A_49 = scf.for %scan3A_332 = %scan3A_45 to %scan3A_47 step %scan3A_48 iter_args(%scan3A_333 = %scan3A) -> (i32)  : i32 {
      %broadcast_in_dim3A = arith.constant 0.000000e+00 : f32
      %broadcast_in_dim3A_334 = vector.broadcast %broadcast_in_dim3A : f32 to vector<16xf32>
      %swap3A = arith.index_cast %scan3A_332 : i32 to index
      %swap3A_335 = arith.constant 0 : index
      %swap3A_336 = tpu.vector_load %arg16[%swap3A, %swap3A_335] {strides = array<i32>} : memref<48x128xf32, #tpu.memory_space<vmem>>, vector<16xf32>,
      tpu.vector_store %arg16[%swap3A, %swap3A_335], %broadcast_in_dim3A_334 {strides = array<i32>} : memref<48x128xf32, #tpu.memory_space<vmem>>, vector<16xf32>,
      %broadcast_in_dim3A_337 = arith.constant 0.000000e+00 : f32
      %broadcast_in_dim3A_338 = vector.broadcast %broadcast_in_dim3A_337 : f32 to vector<16xf32>
      %swap3A_339 = arith.index_cast %scan3A_332 : i32 to index
      %swap3A_340 = arith.constant 16 : index
      %swap3A_341 = tpu.vector_load %arg16[%swap3A_339, %swap3A_340] {strides = array<i32>} : memref<48x128xf32, #tpu.memory_space<vmem>>, vector<16xf32>,
      tpu.vector_store %arg16[%swap3A_339, %swap3A_340], %broadcast_in_dim3A_338 {strides = array<i32>} : memref<48x128xf32, #tpu.memory_space<vmem>>, vector<16xf32>,
      %broadcast_in_dim3A_342 = arith.constant 0.000000e+00 : f32
      %broadcast_in_dim3A_343 = vector.broadcast %broadcast_in_dim3A_342 : f32 to vector<16xf32>
      %swap3A_344 = arith.index_cast %scan3A_332 : i32 to index
      %swap3A_345 = arith.constant 32 : index
      %swap3A_346 = tpu.vector_load %arg16[%swap3A_344, %swap3A_345] {strides = array<i32>} : memref<48x128xf32, #tpu.memory_space<vmem>>, vector<16xf32>,
      tpu.vector_store %arg16[%swap3A_344, %swap3A_345], %broadcast_in_dim3A_343 {strides = array<i32>} : memref<48x128xf32, #tpu.memory_space<vmem>>, vector<16xf32>,
      %broadcast_in_dim3A_347 = arith.constant 0.000000e+00 : f32
      %broadcast_in_dim3A_348 = vector.broadcast %broadcast_in_dim3A_347 : f32 to vector<16xf32>
      %swap3A_349 = arith.index_cast %scan3A_332 : i32 to index
      %swap3A_350 = arith.constant 48 : index
      %swap3A_351 = tpu.vector_load %arg16[%swap3A_349, %swap3A_350] {strides = array<i32>} : memref<48x128xf32, #tpu.memory_space<vmem>>, vector<16xf32>,
      tpu.vector_store %arg16[%swap3A_349, %swap3A_350], %broadcast_in_dim3A_348 {strides = array<i32>} : memref<48x128xf32, #tpu.memory_space<vmem>>, vector<16xf32>,
      %broadcast_in_dim3A_352 = arith.constant 0.000000e+00 : f32
      %broadcast_in_dim3A_353 = vector.broadcast %broadcast_in_dim3A_352 : f32 to vector<16xf32>
      %swap3A_354 = arith.index_cast %scan3A_332 : i32 to index
      %swap3A_355 = arith.constant 64 : index
      %swap3A_356 = tpu.vector_load %arg16[%swap3A_354, %swap3A_355] {strides = array<i32>} : memref<48x128xf32, #tpu.memory_space<vmem>>, vector<16xf32>,
      tpu.vector_store %arg16[%swap3A_354, %swap3A_355], %broadcast_in_dim3A_353 {strides = array<i32>} : memref<48x128xf32, #tpu.memory_space<vmem>>, vector<16xf32>,
      %broadcast_in_dim3A_357 = arith.constant 0.000000e+00 : f32
      %broadcast_in_dim3A_358 = vector.broadcast %broadcast_in_dim3A_357 : f32 to vector<16xf32>
      %swap3A_359 = arith.index_cast %scan3A_332 : i32 to index
      %swap3A_360 = arith.constant 80 : index
      %swap3A_361 = tpu.vector_load %arg16[%swap3A_359, %swap3A_360] {strides = array<i32>} : memref<48x128xf32, #tpu.memory_space<vmem>>, vector<16xf32>,
      tpu.vector_store %arg16[%swap3A_359, %swap3A_360], %broadcast_in_dim3A_358 {strides = array<i32>} : memref<48x128xf32, #tpu.memory_space<vmem>>, vector<16xf32>,
      %broadcast_in_dim3A_362 = arith.constant 0.000000e+00 : f32
      %broadcast_in_dim3A_363 = vector.broadcast %broadcast_in_dim3A_362 : f32 to vector<16xf32>
      %swap3A_364 = arith.index_cast %scan3A_332 : i32 to index
      %swap3A_365 = arith.constant 96 : index
      %swap3A_366 = tpu.vector_load %arg16[%swap3A_364, %swap3A_365] {strides = array<i32>} : memref<48x128xf32, #tpu.memory_space<vmem>>, vector<16xf32>,
      tpu.vector_store %arg16[%swap3A_364, %swap3A_365], %broadcast_in_dim3A_363 {strides = array<i32>} : memref<48x128xf32, #tpu.memory_space<vmem>>, vector<16xf32>,
      %broadcast_in_dim3A_367 = arith.constant 0.000000e+00 : f32
      %broadcast_in_dim3A_368 = vector.broadcast %broadcast_in_dim3A_367 : f32 to vector<16xf32>
      %swap3A_369 = arith.index_cast %scan3A_332 : i32 to index
      %swap3A_370 = arith.constant 112 : index
      %swap3A_371 = tpu.vector_load %arg16[%swap3A_369, %swap3A_370] {strides = array<i32>} : memref<48x128xf32, #tpu.memory_space<vmem>>, vector<16xf32>,
      tpu.vector_store %arg16[%swap3A_369, %swap3A_370], %broadcast_in_dim3A_368 {strides = array<i32>} : memref<48x128xf32, #tpu.memory_space<vmem>>, vector<16xf32>,
      %scan3A_372 = arith.constant 0 : i32
      scf.yield %scan3A_372 : i32
    }
    %scan3A_50 = arith.constant 48 : i32
    %scan3A_51 = arith.constant 0 : i32
    %scan3A_52 = arith.constant 0 : i32
    %scan3A_53 = arith.constant 24 : i32
    %scan3A_54 = arith.addi %scan3A_52, %scan3A_53 : i32
    %scan3A_55 = arith.constant 1 : i32
    %scan3A_56 = scf.for %scan3A_332 = %scan3A_52 to %scan3A_54 step %scan3A_55 iter_args(%scan3A_333 = %scan3A_51) -> (i32)  : i32 {
      %mul3A_334 = arith.constant 2 : i32
      %mul3A_335 = arith.muli %scan3A_332, %mul3A_334 : i32
      %add3A_336 = vector.broadcast %mul3A_335 : i32 to vector<16xi32>
      %add3A_337 = arith.addi %select_n3A, %add3A_336 : vector<16xi32>
      %broadcast_in_dim3A = arith.constant 0.000000e+00 : f32
      %broadcast_in_dim3A_338 = vector.broadcast %broadcast_in_dim3A : f32 to vector<16xf32>
      tpu.vector_store_idx %arg28[%add3A_337, %select_n3A_44], %broadcast_in_dim3A_338 : memref<48x8xf32, #tpu.memory_space<vmem>>[vector<16xi32>, vector<16xi32>], vector<16xf32>,
      %scan3A_339 = arith.constant 0 : i32
      scf.yield %scan3A_339 : i32
    }
    %scan3A_57 = arith.constant 24 : i32
    %mul3A_58 = arith.constant 625 : i32
    %mul3A_59 = arith.muli %arg1, %mul3A_58 : i32
    %add3A_60 = arith.constant 0 : i32
    %add3A_61 = arith.addi %mul3A_59, %add3A_60 : i32
    "tpu.region"() ({
      %run_scoped3A = tpu.sem_alloc : memref<!tpu.dma_semaphore, #tpu.memory_space<semaphore_mem>>
      %dma_start3A_332 = arith.constant 0 : i32
      %dma_start3A_333 = tpu.memref_slice %arg29[%add3A_61, %dma_start3A_332] : memref<10000x128xf32, #tpu.memory_space<vmem_shared>> -> memref<48x128xf32, #tpu.memory_space<vmem_shared>>
      %dma_start3A_334 = arith.constant 0 : i32
      %dma_start3A_335 = tpu.memref_slice %arg29[%add3A_61, %dma_start3A_334] : memref<10000x128xf32, #tpu.memory_space<vmem_shared>> -> memref<48x128xf32, #tpu.memory_space<vmem_shared>>
      tpu.enqueue_dma source(%arg16 : memref<48x128xf32, #tpu.memory_space<vmem>>) target(%dma_start3A_335 : memref<48x128xf32, #tpu.memory_space<vmem_shared>>) target_semaphore(%run_scoped3A : memref<!tpu.dma_semaphore, #tpu.memory_space<semaphore_mem>>)
      %dma_wait3A_336 = arith.constant 0 : i32
      %dma_wait3A_337 = tpu.memref_slice %arg29[%add3A_61, %dma_wait3A_336] : memref<10000x128xf32, #tpu.memory_space<vmem_shared>> -> memref<48x128xf32, #tpu.memory_space<vmem_shared>>
      %dma_wait3A_338 = arith.constant 0 : i32
      %dma_wait3A_339 = tpu.memref_slice %arg29[%add3A_61, %dma_wait3A_338] : memref<10000x128xf32, #tpu.memory_space<vmem_shared>> -> memref<48x128xf32, #tpu.memory_space<vmem_shared>>
      tpu.wait_dma2 semaphore(%run_scoped3A : memref<!tpu.dma_semaphore, #tpu.memory_space<semaphore_mem>>) src(%arg16 : memref<48x128xf32, #tpu.memory_space<vmem>>) dst(%dma_wait3A_339 : memref<48x128xf32, #tpu.memory_space<vmem_shared>>)
      tpu.yield
    }) : () -> ()
    %add3A_62 = arith.constant 0 : i32
    %add3A_63 = arith.addi %mul3A_59, %add3A_62 : i32
    "tpu.region"() ({
      %run_scoped3A = tpu.sem_alloc : memref<!tpu.dma_semaphore, #tpu.memory_space<semaphore_mem>>
      %dma_start3A_332 = arith.constant 0 : i32
      %dma_start3A_333 = tpu.memref_slice %arg30[%add3A_63, %dma_start3A_332] : memref<10000x8xf32, #tpu.memory_space<vmem_shared>> -> memref<48x8xf32, #tpu.memory_space<vmem_shared>>
      %dma_start3A_334 = arith.constant 0 : i32
      %dma_start3A_335 = tpu.memref_slice %arg30[%add3A_63, %dma_start3A_334] : memref<10000x8xf32, #tpu.memory_space<vmem_shared>> -> memref<48x8xf32, #tpu.memory_space<vmem_shared>>
      tpu.enqueue_dma source(%arg28 : memref<48x8xf32, #tpu.memory_space<vmem>>) target(%dma_start3A_335 : memref<48x8xf32, #tpu.memory_space<vmem_shared>>) target_semaphore(%run_scoped3A : memref<!tpu.dma_semaphore, #tpu.memory_space<semaphore_mem>>)
      %dma_wait3A_336 = arith.constant 0 : i32
      %dma_wait3A_337 = tpu.memref_slice %arg30[%add3A_63, %dma_wait3A_336] : memref<10000x8xf32, #tpu.memory_space<vmem_shared>> -> memref<48x8xf32, #tpu.memory_space<vmem_shared>>
      %dma_wait3A_338 = arith.constant 0 : i32
      %dma_wait3A_339 = tpu.memref_slice %arg30[%add3A_63, %dma_wait3A_338] : memref<10000x8xf32, #tpu.memory_space<vmem_shared>> -> memref<48x8xf32, #tpu.memory_space<vmem_shared>>
      tpu.wait_dma2 semaphore(%run_scoped3A : memref<!tpu.dma_semaphore, #tpu.memory_space<semaphore_mem>>) src(%arg28 : memref<48x8xf32, #tpu.memory_space<vmem>>) dst(%dma_wait3A_339 : memref<48x8xf32, #tpu.memory_space<vmem_shared>>)
      tpu.yield
    }) : () -> ()
    %add3A_64 = arith.constant 48 : i32
    %add3A_65 = arith.addi %mul3A_59, %add3A_64 : i32
    "tpu.region"() ({
      %run_scoped3A = tpu.sem_alloc : memref<!tpu.dma_semaphore, #tpu.memory_space<semaphore_mem>>
      %dma_start3A_332 = arith.constant 0 : i32
      %dma_start3A_333 = tpu.memref_slice %arg29[%add3A_65, %dma_start3A_332] : memref<10000x128xf32, #tpu.memory_space<vmem_shared>> -> memref<48x128xf32, #tpu.memory_space<vmem_shared>>
      %dma_start3A_334 = arith.constant 0 : i32
      %dma_start3A_335 = tpu.memref_slice %arg29[%add3A_65, %dma_start3A_334] : memref<10000x128xf32, #tpu.memory_space<vmem_shared>> -> memref<48x128xf32, #tpu.memory_space<vmem_shared>>
      tpu.enqueue_dma source(%arg16 : memref<48x128xf32, #tpu.memory_space<vmem>>) target(%dma_start3A_335 : memref<48x128xf32, #tpu.memory_space<vmem_shared>>) target_semaphore(%run_scoped3A : memref<!tpu.dma_semaphore, #tpu.memory_space<semaphore_mem>>)
      %dma_wait3A_336 = arith.constant 0 : i32
      %dma_wait3A_337 = tpu.memref_slice %arg29[%add3A_65, %dma_wait3A_336] : memref<10000x128xf32, #tpu.memory_space<vmem_shared>> -> memref<48x128xf32, #tpu.memory_space<vmem_shared>>
      %dma_wait3A_338 = arith.constant 0 : i32
      %dma_wait3A_339 = tpu.memref_slice %arg29[%add3A_65, %dma_wait3A_338] : memref<10000x128xf32, #tpu.memory_space<vmem_shared>> -> memref<48x128xf32, #tpu.memory_space<vmem_shared>>
      tpu.wait_dma2 semaphore(%run_scoped3A : memref<!tpu.dma_semaphore, #tpu.memory_space<semaphore_mem>>) src(%arg16 : memref<48x128xf32, #tpu.memory_space<vmem>>) dst(%dma_wait3A_339 : memref<48x128xf32, #tpu.memory_space<vmem_shared>>)
      tpu.yield
    }) : () -> ()
    %add3A_66 = arith.constant 48 : i32
    %add3A_67 = arith.addi %mul3A_59, %add3A_66 : i32
    "tpu.region"() ({
      %run_scoped3A = tpu.sem_alloc : memref<!tpu.dma_semaphore, #tpu.memory_space<semaphore_mem>>
      %dma_start3A_332 = arith.constant 0 : i32
      %dma_start3A_333 = tpu.memref_slice %arg30[%add3A_67, %dma_start3A_332] : memref<10000x8xf32, #tpu.memory_space<vmem_shared>> -> memref<48x8xf32, #tpu.memory_space<vmem_shared>>
      %dma_start3A_334 = arith.constant 0 : i32
      %dma_start3A_335 = tpu.memref_slice %arg30[%add3A_67, %dma_start3A_334] : memref<10000x8xf32, #tpu.memory_space<vmem_shared>> -> memref<48x8xf32, #tpu.memory_space<vmem_shared>>
      tpu.enqueue_dma source(%arg28 : memref<48x8xf32, #tpu.memory_space<vmem>>) target(%dma_start3A_335 : memref<48x8xf32, #tpu.memory_space<vmem_shared>>) target_semaphore(%run_scoped3A : memref<!tpu.dma_semaphore, #tpu.memory_space<semaphore_mem>>)
      %dma_wait3A_336 = arith.constant 0 : i32
      %dma_wait3A_337 = tpu.memref_slice %arg30[%add3A_67, %dma_wait3A_336] : memref<10000x8xf32, #tpu.memory_space<vmem_shared>> -> memref<48x8xf32, #tpu.memory_space<vmem_shared>>
      %dma_wait3A_338 = arith.constant 0 : i32
      %dma_wait3A_339 = tpu.memref_slice %arg30[%add3A_67, %dma_wait3A_338] : memref<10000x8xf32, #tpu.memory_space<vmem_shared>> -> memref<48x8xf32, #tpu.memory_space<vmem_shared>>
      tpu.wait_dma2 semaphore(%run_scoped3A : memref<!tpu.dma_semaphore, #tpu.memory_space<semaphore_mem>>) src(%arg28 : memref<48x8xf32, #tpu.memory_space<vmem>>) dst(%dma_wait3A_339 : memref<48x8xf32, #tpu.memory_space<vmem_shared>>)
      tpu.yield
    }) : () -> ()
    %add3A_68 = arith.constant 96 : i32
    %add3A_69 = arith.addi %mul3A_59, %add3A_68 : i32
    "tpu.region"() ({
      %run_scoped3A = tpu.sem_alloc : memref<!tpu.dma_semaphore, #tpu.memory_space<semaphore_mem>>
      %dma_start3A_332 = arith.constant 0 : i32
      %dma_start3A_333 = tpu.memref_slice %arg29[%add3A_69, %dma_start3A_332] : memref<10000x128xf32, #tpu.memory_space<vmem_shared>> -> memref<48x128xf32, #tpu.memory_space<vmem_shared>>
      %dma_start3A_334 = arith.constant 0 : i32
      %dma_start3A_335 = tpu.memref_slice %arg29[%add3A_69, %dma_start3A_334] : memref<10000x128xf32, #tpu.memory_space<vmem_shared>> -> memref<48x128xf32, #tpu.memory_space<vmem_shared>>
      tpu.enqueue_dma source(%arg16 : memref<48x128xf32, #tpu.memory_space<vmem>>) target(%dma_start3A_335 : memref<48x128xf32, #tpu.memory_space<vmem_shared>>) target_semaphore(%run_scoped3A : memref<!tpu.dma_semaphore, #tpu.memory_space<semaphore_mem>>)
      %dma_wait3A_336 = arith.constant 0 : i32
      %dma_wait3A_337 = tpu.memref_slice %arg29[%add3A_69, %dma_wait3A_336] : memref<10000x128xf32, #tpu.memory_space<vmem_shared>> -> memref<48x128xf32, #tpu.memory_space<vmem_shared>>
      %dma_wait3A_338 = arith.constant 0 : i32
      %dma_wait3A_339 = tpu.memref_slice %arg29[%add3A_69, %dma_wait3A_338] : memref<10000x128xf32, #tpu.memory_space<vmem_shared>> -> memref<48x128xf32, #tpu.memory_space<vmem_shared>>
      tpu.wait_dma2 semaphore(%run_scoped3A : memref<!tpu.dma_semaphore, #tpu.memory_space<semaphore_mem>>) src(%arg16 : memref<48x128xf32, #tpu.memory_space<vmem>>) dst(%dma_wait3A_339 : memref<48x128xf32, #tpu.memory_space<vmem_shared>>)
      tpu.yield
    }) : () -> ()
    %add3A_70 = arith.constant 96 : i32
    %add3A_71 = arith.addi %mul3A_59, %add3A_70 : i32
    "tpu.region"() ({
      %run_scoped3A = tpu.sem_alloc : memref<!tpu.dma_semaphore, #tpu.memory_space<semaphore_mem>>
      %dma_start3A_332 = arith.constant 0 : i32
      %dma_start3A_333 = tpu.memref_slice %arg30[%add3A_71, %dma_start3A_332] : memref<10000x8xf32, #tpu.memory_space<vmem_shared>> -> memref<48x8xf32, #tpu.memory_space<vmem_shared>>
      %dma_start3A_334 = arith.constant 0 : i32
      %dma_start3A_335 = tpu.memref_slice %arg30[%add3A_71, %dma_start3A_334] : memref<10000x8xf32, #tpu.memory_space<vmem_shared>> -> memref<48x8xf32, #tpu.memory_space<vmem_shared>>
      tpu.enqueue_dma source(%arg28 : memref<48x8xf32, #tpu.memory_space<vmem>>) target(%dma_start3A_335 : memref<48x8xf32, #tpu.memory_space<vmem_shared>>) target_semaphore(%run_scoped3A : memref<!tpu.dma_semaphore, #tpu.memory_space<semaphore_mem>>)
      %dma_wait3A_336 = arith.constant 0 : i32
      %dma_wait3A_337 = tpu.memref_slice %arg30[%add3A_71, %dma_wait3A_336] : memref<10000x8xf32, #tpu.memory_space<vmem_shared>> -> memref<48x8xf32, #tpu.memory_space<vmem_shared>>
      %dma_wait3A_338 = arith.constant 0 : i32
      %dma_wait3A_339 = tpu.memref_slice %arg30[%add3A_71, %dma_wait3A_338] : memref<10000x8xf32, #tpu.memory_space<vmem_shared>> -> memref<48x8xf32, #tpu.memory_space<vmem_shared>>
      tpu.wait_dma2 semaphore(%run_scoped3A : memref<!tpu.dma_semaphore, #tpu.memory_space<semaphore_mem>>) src(%arg28 : memref<48x8xf32, #tpu.memory_space<vmem>>) dst(%dma_wait3A_339 : memref<48x8xf32, #tpu.memory_space<vmem_shared>>)
      tpu.yield
    }) : () -> ()
    %add3A_72 = arith.constant 144 : i32
    %add3A_73 = arith.addi %mul3A_59, %add3A_72 : i32
    "tpu.region"() ({
      %run_scoped3A = tpu.sem_alloc : memref<!tpu.dma_semaphore, #tpu.memory_space<semaphore_mem>>
      %dma_start3A_332 = arith.constant 0 : i32
      %dma_start3A_333 = tpu.memref_slice %arg29[%add3A_73, %dma_start3A_332] : memref<10000x128xf32, #tpu.memory_space<vmem_shared>> -> memref<48x128xf32, #tpu.memory_space<vmem_shared>>
      %dma_start3A_334 = arith.constant 0 : i32
      %dma_start3A_335 = tpu.memref_slice %arg29[%add3A_73, %dma_start3A_334] : memref<10000x128xf32, #tpu.memory_space<vmem_shared>> -> memref<48x128xf32, #tpu.memory_space<vmem_shared>>
      tpu.enqueue_dma source(%arg16 : memref<48x128xf32, #tpu.memory_space<vmem>>) target(%dma_start3A_335 : memref<48x128xf32, #tpu.memory_space<vmem_shared>>) target_semaphore(%run_scoped3A : memref<!tpu.dma_semaphore, #tpu.memory_space<semaphore_mem>>)
      %dma_wait3A_336 = arith.constant 0 : i32
      %dma_wait3A_337 = tpu.memref_slice %arg29[%add3A_73, %dma_wait3A_336] : memref<10000x128xf32, #tpu.memory_space<vmem_shared>> -> memref<48x128xf32, #tpu.memory_space<vmem_shared>>
      %dma_wait3A_338 = arith.constant 0 : i32
      %dma_wait3A_339 = tpu.memref_slice %arg29[%add3A_73, %dma_wait3A_338] : memref<10000x128xf32, #tpu.memory_space<vmem_shared>> -> memref<48x128xf32, #tpu.memory_space<vmem_shared>>
      tpu.wait_dma2 semaphore(%run_scoped3A : memref<!tpu.dma_semaphore, #tpu.memory_space<semaphore_mem>>) src(%arg16 : memref<48x128xf32, #tpu.memory_space<vmem>>) dst(%dma_wait3A_339 : memref<48x128xf32, #tpu.memory_space<vmem_shared>>)
      tpu.yield
    }) : () -> ()
    %add3A_74 = arith.constant 144 : i32
    %add3A_75 = arith.addi %mul3A_59, %add3A_74 : i32
    "tpu.region"() ({
      %run_scoped3A = tpu.sem_alloc : memref<!tpu.dma_semaphore, #tpu.memory_space<semaphore_mem>>
      %dma_start3A_332 = arith.constant 0 : i32
      %dma_start3A_333 = tpu.memref_slice %arg30[%add3A_75, %dma_start3A_332] : memref<10000x8xf32, #tpu.memory_space<vmem_shared>> -> memref<48x8xf32, #tpu.memory_space<vmem_shared>>
      %dma_start3A_334 = arith.constant 0 : i32
      %dma_start3A_335 = tpu.memref_slice %arg30[%add3A_75, %dma_start3A_334] : memref<10000x8xf32, #tpu.memory_space<vmem_shared>> -> memref<48x8xf32, #tpu.memory_space<vmem_shared>>
      tpu.enqueue_dma source(%arg28 : memref<48x8xf32, #tpu.memory_space<vmem>>) target(%dma_start3A_335 : memref<48x8xf32, #tpu.memory_space<vmem_shared>>) target_semaphore(%run_scoped3A : memref<!tpu.dma_semaphore, #tpu.memory_space<semaphore_mem>>)
      %dma_wait3A_336 = arith.constant 0 : i32
      %dma_wait3A_337 = tpu.memref_slice %arg30[%add3A_75, %dma_wait3A_336] : memref<10000x8xf32, #tpu.memory_space<vmem_shared>> -> memref<48x8xf32, #tpu.memory_space<vmem_shared>>
      %dma_wait3A_338 = arith.constant 0 : i32
      %dma_wait3A_339 = tpu.memref_slice %arg30[%add3A_75, %dma_wait3A_338] : memref<10000x8xf32, #tpu.memory_space<vmem_shared>> -> memref<48x8xf32, #tpu.memory_space<vmem_shared>>
      tpu.wait_dma2 semaphore(%run_scoped3A : memref<!tpu.dma_semaphore, #tpu.memory_space<semaphore_mem>>) src(%arg28 : memref<48x8xf32, #tpu.memory_space<vmem>>) dst(%dma_wait3A_339 : memref<48x8xf32, #tpu.memory_space<vmem_shared>>)
      tpu.yield
    }) : () -> ()
    %add3A_76 = arith.constant 192 : i32
    %add3A_77 = arith.addi %mul3A_59, %add3A_76 : i32
    "tpu.region"() ({
      %run_scoped3A = tpu.sem_alloc : memref<!tpu.dma_semaphore, #tpu.memory_space<semaphore_mem>>
      %dma_start3A_332 = arith.constant 0 : i32
      %dma_start3A_333 = tpu.memref_slice %arg29[%add3A_77, %dma_start3A_332] : memref<10000x128xf32, #tpu.memory_space<vmem_shared>> -> memref<48x128xf32, #tpu.memory_space<vmem_shared>>
      %dma_start3A_334 = arith.constant 0 : i32
      %dma_start3A_335 = tpu.memref_slice %arg29[%add3A_77, %dma_start3A_334] : memref<10000x128xf32, #tpu.memory_space<vmem_shared>> -> memref<48x128xf32, #tpu.memory_space<vmem_shared>>
      tpu.enqueue_dma source(%arg16 : memref<48x128xf32, #tpu.memory_space<vmem>>) target(%dma_start3A_335 : memref<48x128xf32, #tpu.memory_space<vmem_shared>>) target_semaphore(%run_scoped3A : memref<!tpu.dma_semaphore, #tpu.memory_space<semaphore_mem>>)
      %dma_wait3A_336 = arith.constant 0 : i32
      %dma_wait3A_337 = tpu.memref_slice %arg29[%add3A_77, %dma_wait3A_336] : memref<10000x128xf32, #tpu.memory_space<vmem_shared>> -> memref<48x128xf32, #tpu.memory_space<vmem_shared>>
      %dma_wait3A_338 = arith.constant 0 : i32
      %dma_wait3A_339 = tpu.memref_slice %arg29[%add3A_77, %dma_wait3A_338] : memref<10000x128xf32, #tpu.memory_space<vmem_shared>> -> memref<48x128xf32, #tpu.memory_space<vmem_shared>>
      tpu.wait_dma2 semaphore(%run_scoped3A : memref<!tpu.dma_semaphore, #tpu.memory_space<semaphore_mem>>) src(%arg16 : memref<48x128xf32, #tpu.memory_space<vmem>>) dst(%dma_wait3A_339 : memref<48x128xf32, #tpu.memory_space<vmem_shared>>)
      tpu.yield
    }) : () -> ()
    %add3A_78 = arith.constant 192 : i32
    %add3A_79 = arith.addi %mul3A_59, %add3A_78 : i32
    "tpu.region"() ({
      %run_scoped3A = tpu.sem_alloc : memref<!tpu.dma_semaphore, #tpu.memory_space<semaphore_mem>>
      %dma_start3A_332 = arith.constant 0 : i32
      %dma_start3A_333 = tpu.memref_slice %arg30[%add3A_79, %dma_start3A_332] : memref<10000x8xf32, #tpu.memory_space<vmem_shared>> -> memref<48x8xf32, #tpu.memory_space<vmem_shared>>
      %dma_start3A_334 = arith.constant 0 : i32
      %dma_start3A_335 = tpu.memref_slice %arg30[%add3A_79, %dma_start3A_334] : memref<10000x8xf32, #tpu.memory_space<vmem_shared>> -> memref<48x8xf32, #tpu.memory_space<vmem_shared>>
      tpu.enqueue_dma source(%arg28 : memref<48x8xf32, #tpu.memory_space<vmem>>) target(%dma_start3A_335 : memref<48x8xf32, #tpu.memory_space<vmem_shared>>) target_semaphore(%run_scoped3A : memref<!tpu.dma_semaphore, #tpu.memory_space<semaphore_mem>>)
      %dma_wait3A_336 = arith.constant 0 : i32
      %dma_wait3A_337 = tpu.memref_slice %arg30[%add3A_79, %dma_wait3A_336] : memref<10000x8xf32, #tpu.memory_space<vmem_shared>> -> memref<48x8xf32, #tpu.memory_space<vmem_shared>>
      %dma_wait3A_338 = arith.constant 0 : i32
      %dma_wait3A_339 = tpu.memref_slice %arg30[%add3A_79, %dma_wait3A_338] : memref<10000x8xf32, #tpu.memory_space<vmem_shared>> -> memref<48x8xf32, #tpu.memory_space<vmem_shared>>
      tpu.wait_dma2 semaphore(%run_scoped3A : memref<!tpu.dma_semaphore, #tpu.memory_space<semaphore_mem>>) src(%arg28 : memref<48x8xf32, #tpu.memory_space<vmem>>) dst(%dma_wait3A_339 : memref<48x8xf32, #tpu.memory_space<vmem_shared>>)
      tpu.yield
    }) : () -> ()
    %add3A_80 = arith.constant 240 : i32
    %add3A_81 = arith.addi %mul3A_59, %add3A_80 : i32
    "tpu.region"() ({
      %run_scoped3A = tpu.sem_alloc : memref<!tpu.dma_semaphore, #tpu.memory_space<semaphore_mem>>
      %dma_start3A_332 = arith.constant 0 : i32
      %dma_start3A_333 = tpu.memref_slice %arg29[%add3A_81, %dma_start3A_332] : memref<10000x128xf32, #tpu.memory_space<vmem_shared>> -> memref<48x128xf32, #tpu.memory_space<vmem_shared>>
      %dma_start3A_334 = arith.constant 0 : i32
      %dma_start3A_335 = tpu.memref_slice %arg29[%add3A_81, %dma_start3A_334] : memref<10000x128xf32, #tpu.memory_space<vmem_shared>> -> memref<48x128xf32, #tpu.memory_space<vmem_shared>>
      tpu.enqueue_dma source(%arg16 : memref<48x128xf32, #tpu.memory_space<vmem>>) target(%dma_start3A_335 : memref<48x128xf32, #tpu.memory_space<vmem_shared>>) target_semaphore(%run_scoped3A : memref<!tpu.dma_semaphore, #tpu.memory_space<semaphore_mem>>)
      %dma_wait3A_336 = arith.constant 0 : i32
      %dma_wait3A_337 = tpu.memref_slice %arg29[%add3A_81, %dma_wait3A_336] : memref<10000x128xf32, #tpu.memory_space<vmem_shared>> -> memref<48x128xf32, #tpu.memory_space<vmem_shared>>
      %dma_wait3A_338 = arith.constant 0 : i32
      %dma_wait3A_339 = tpu.memref_slice %arg29[%add3A_81, %dma_wait3A_338] : memref<10000x128xf32, #tpu.memory_space<vmem_shared>> -> memref<48x128xf32, #tpu.memory_space<vmem_shared>>
      tpu.wait_dma2 semaphore(%run_scoped3A : memref<!tpu.dma_semaphore, #tpu.memory_space<semaphore_mem>>) src(%arg16 : memref<48x128xf32, #tpu.memory_space<vmem>>) dst(%dma_wait3A_339 : memref<48x128xf32, #tpu.memory_space<vmem_shared>>)
      tpu.yield
    }) : () -> ()
    %add3A_82 = arith.constant 240 : i32
    %add3A_83 = arith.addi %mul3A_59, %add3A_82 : i32
    "tpu.region"() ({
      %run_scoped3A = tpu.sem_alloc : memref<!tpu.dma_semaphore, #tpu.memory_space<semaphore_mem>>
      %dma_start3A_332 = arith.constant 0 : i32
      %dma_start3A_333 = tpu.memref_slice %arg30[%add3A_83, %dma_start3A_332] : memref<10000x8xf32, #tpu.memory_space<vmem_shared>> -> memref<48x8xf32, #tpu.memory_space<vmem_shared>>
      %dma_start3A_334 = arith.constant 0 : i32
      %dma_start3A_335 = tpu.memref_slice %arg30[%add3A_83, %dma_start3A_334] : memref<10000x8xf32, #tpu.memory_space<vmem_shared>> -> memref<48x8xf32, #tpu.memory_space<vmem_shared>>
      tpu.enqueue_dma source(%arg28 : memref<48x8xf32, #tpu.memory_space<vmem>>) target(%dma_start3A_335 : memref<48x8xf32, #tpu.memory_space<vmem_shared>>) target_semaphore(%run_scoped3A : memref<!tpu.dma_semaphore, #tpu.memory_space<semaphore_mem>>)
      %dma_wait3A_336 = arith.constant 0 : i32
      %dma_wait3A_337 = tpu.memref_slice %arg30[%add3A_83, %dma_wait3A_336] : memref<10000x8xf32, #tpu.memory_space<vmem_shared>> -> memref<48x8xf32, #tpu.memory_space<vmem_shared>>
      %dma_wait3A_338 = arith.constant 0 : i32
      %dma_wait3A_339 = tpu.memref_slice %arg30[%add3A_83, %dma_wait3A_338] : memref<10000x8xf32, #tpu.memory_space<vmem_shared>> -> memref<48x8xf32, #tpu.memory_space<vmem_shared>>
      tpu.wait_dma2 semaphore(%run_scoped3A : memref<!tpu.dma_semaphore, #tpu.memory_space<semaphore_mem>>) src(%arg28 : memref<48x8xf32, #tpu.memory_space<vmem>>) dst(%dma_wait3A_339 : memref<48x8xf32, #tpu.memory_space<vmem_shared>>)
      tpu.yield
    }) : () -> ()
    %add3A_84 = arith.constant 288 : i32
    %add3A_85 = arith.addi %mul3A_59, %add3A_84 : i32
    "tpu.region"() ({
      %run_scoped3A = tpu.sem_alloc : memref<!tpu.dma_semaphore, #tpu.memory_space<semaphore_mem>>
      %dma_start3A_332 = arith.constant 0 : i32
      %dma_start3A_333 = tpu.memref_slice %arg29[%add3A_85, %dma_start3A_332] : memref<10000x128xf32, #tpu.memory_space<vmem_shared>> -> memref<48x128xf32, #tpu.memory_space<vmem_shared>>
      %dma_start3A_334 = arith.constant 0 : i32
      %dma_start3A_335 = tpu.memref_slice %arg29[%add3A_85, %dma_start3A_334] : memref<10000x128xf32, #tpu.memory_space<vmem_shared>> -> memref<48x128xf32, #tpu.memory_space<vmem_shared>>
      tpu.enqueue_dma source(%arg16 : memref<48x128xf32, #tpu.memory_space<vmem>>) target(%dma_start3A_335 : memref<48x128xf32, #tpu.memory_space<vmem_shared>>) target_semaphore(%run_scoped3A : memref<!tpu.dma_semaphore, #tpu.memory_space<semaphore_mem>>)
      %dma_wait3A_336 = arith.constant 0 : i32
      %dma_wait3A_337 = tpu.memref_slice %arg29[%add3A_85, %dma_wait3A_336] : memref<10000x128xf32, #tpu.memory_space<vmem_shared>> -> memref<48x128xf32, #tpu.memory_space<vmem_shared>>
      %dma_wait3A_338 = arith.constant 0 : i32
      %dma_wait3A_339 = tpu.memref_slice %arg29[%add3A_85, %dma_wait3A_338] : memref<10000x128xf32, #tpu.memory_space<vmem_shared>> -> memref<48x128xf32, #tpu.memory_space<vmem_shared>>
      tpu.wait_dma2 semaphore(%run_scoped3A : memref<!tpu.dma_semaphore, #tpu.memory_space<semaphore_mem>>) src(%arg16 : memref<48x128xf32, #tpu.memory_space<vmem>>) dst(%dma_wait3A_339 : memref<48x128xf32, #tpu.memory_space<vmem_shared>>)
      tpu.yield
    }) : () -> ()
    %add3A_86 = arith.constant 288 : i32
    %add3A_87 = arith.addi %mul3A_59, %add3A_86 : i32
    "tpu.region"() ({
      %run_scoped3A = tpu.sem_alloc : memref<!tpu.dma_semaphore, #tpu.memory_space<semaphore_mem>>
      %dma_start3A_332 = arith.constant 0 : i32
      %dma_start3A_333 = tpu.memref_slice %arg30[%add3A_87, %dma_start3A_332] : memref<10000x8xf32, #tpu.memory_space<vmem_shared>> -> memref<48x8xf32, #tpu.memory_space<vmem_shared>>
      %dma_start3A_334 = arith.constant 0 : i32
      %dma_start3A_335 = tpu.memref_slice %arg30[%add3A_87, %dma_start3A_334] : memref<10000x8xf32, #tpu.memory_space<vmem_shared>> -> memref<48x8xf32, #tpu.memory_space<vmem_shared>>
      tpu.enqueue_dma source(%arg28 : memref<48x8xf32, #tpu.memory_space<vmem>>) target(%dma_start3A_335 : memref<48x8xf32, #tpu.memory_space<vmem_shared>>) target_semaphore(%run_scoped3A : memref<!tpu.dma_semaphore, #tpu.memory_space<semaphore_mem>>)
      %dma_wait3A_336 = arith.constant 0 : i32
      %dma_wait3A_337 = tpu.memref_slice %arg30[%add3A_87, %dma_wait3A_336] : memref<10000x8xf32, #tpu.memory_space<vmem_shared>> -> memref<48x8xf32, #tpu.memory_space<vmem_shared>>
      %dma_wait3A_338 = arith.constant 0 : i32
      %dma_wait3A_339 = tpu.memref_slice %arg30[%add3A_87, %dma_wait3A_338] : memref<10000x8xf32, #tpu.memory_space<vmem_shared>> -> memref<48x8xf32, #tpu.memory_space<vmem_shared>>
      tpu.wait_dma2 semaphore(%run_scoped3A : memref<!tpu.dma_semaphore, #tpu.memory_space<semaphore_mem>>) src(%arg28 : memref<48x8xf32, #tpu.memory_space<vmem>>) dst(%dma_wait3A_339 : memref<48x8xf32, #tpu.memory_space<vmem_shared>>)
      tpu.yield
    }) : () -> ()
    %add3A_88 = arith.constant 336 : i32
    %add3A_89 = arith.addi %mul3A_59, %add3A_88 : i32
    "tpu.region"() ({
      %run_scoped3A = tpu.sem_alloc : memref<!tpu.dma_semaphore, #tpu.memory_space<semaphore_mem>>
      %dma_start3A_332 = arith.constant 0 : i32
      %dma_start3A_333 = tpu.memref_slice %arg29[%add3A_89, %dma_start3A_332] : memref<10000x128xf32, #tpu.memory_space<vmem_shared>> -> memref<48x128xf32, #tpu.memory_space<vmem_shared>>
      %dma_start3A_334 = arith.constant 0 : i32
      %dma_start3A_335 = tpu.memref_slice %arg29[%add3A_89, %dma_start3A_334] : memref<10000x128xf32, #tpu.memory_space<vmem_shared>> -> memref<48x128xf32, #tpu.memory_space<vmem_shared>>
      tpu.enqueue_dma source(%arg16 : memref<48x128xf32, #tpu.memory_space<vmem>>) target(%dma_start3A_335 : memref<48x128xf32, #tpu.memory_space<vmem_shared>>) target_semaphore(%run_scoped3A : memref<!tpu.dma_semaphore, #tpu.memory_space<semaphore_mem>>)
      %dma_wait3A_336 = arith.constant 0 : i32
      %dma_wait3A_337 = tpu.memref_slice %arg29[%add3A_89, %dma_wait3A_336] : memref<10000x128xf32, #tpu.memory_space<vmem_shared>> -> memref<48x128xf32, #tpu.memory_space<vmem_shared>>
      %dma_wait3A_338 = arith.constant 0 : i32
      %dma_wait3A_339 = tpu.memref_slice %arg29[%add3A_89, %dma_wait3A_338] : memref<10000x128xf32, #tpu.memory_space<vmem_shared>> -> memref<48x128xf32, #tpu.memory_space<vmem_shared>>
      tpu.wait_dma2 semaphore(%run_scoped3A : memref<!tpu.dma_semaphore, #tpu.memory_space<semaphore_mem>>) src(%arg16 : memref<48x128xf32, #tpu.memory_space<vmem>>) dst(%dma_wait3A_339 : memref<48x128xf32, #tpu.memory_space<vmem_shared>>)
      tpu.yield
    }) : () -> ()
    %add3A_90 = arith.constant 336 : i32
    %add3A_91 = arith.addi %mul3A_59, %add3A_90 : i32
    "tpu.region"() ({
      %run_scoped3A = tpu.sem_alloc : memref<!tpu.dma_semaphore, #tpu.memory_space<semaphore_mem>>
      %dma_start3A_332 = arith.constant 0 : i32
      %dma_start3A_333 = tpu.memref_slice %arg30[%add3A_91, %dma_start3A_332] : memref<10000x8xf32, #tpu.memory_space<vmem_shared>> -> memref<48x8xf32, #tpu.memory_space<vmem_shared>>
      %dma_start3A_334 = arith.constant 0 : i32
      %dma_start3A_335 = tpu.memref_slice %arg30[%add3A_91, %dma_start3A_334] : memref<10000x8xf32, #tpu.memory_space<vmem_shared>> -> memref<48x8xf32, #tpu.memory_space<vmem_shared>>
      tpu.enqueue_dma source(%arg28 : memref<48x8xf32, #tpu.memory_space<vmem>>) target(%dma_start3A_335 : memref<48x8xf32, #tpu.memory_space<vmem_shared>>) target_semaphore(%run_scoped3A : memref<!tpu.dma_semaphore, #tpu.memory_space<semaphore_mem>>)
      %dma_wait3A_336 = arith.constant 0 : i32
      %dma_wait3A_337 = tpu.memref_slice %arg30[%add3A_91, %dma_wait3A_336] : memref<10000x8xf32, #tpu.memory_space<vmem_shared>> -> memref<48x8xf32, #tpu.memory_space<vmem_shared>>
      %dma_wait3A_338 = arith.constant 0 : i32
      %dma_wait3A_339 = tpu.memref_slice %arg30[%add3A_91, %dma_wait3A_338] : memref<10000x8xf32, #tpu.memory_space<vmem_shared>> -> memref<48x8xf32, #tpu.memory_space<vmem_shared>>
      tpu.wait_dma2 semaphore(%run_scoped3A : memref<!tpu.dma_semaphore, #tpu.memory_space<semaphore_mem>>) src(%arg28 : memref<48x8xf32, #tpu.memory_space<vmem>>) dst(%dma_wait3A_339 : memref<48x8xf32, #tpu.memory_space<vmem_shared>>)
      tpu.yield
    }) : () -> ()
    %add3A_92 = arith.constant 384 : i32
    %add3A_93 = arith.addi %mul3A_59, %add3A_92 : i32
    "tpu.region"() ({
      %run_scoped3A = tpu.sem_alloc : memref<!tpu.dma_semaphore, #tpu.memory_space<semaphore_mem>>
      %dma_start3A_332 = arith.constant 0 : i32
      %dma_start3A_333 = tpu.memref_slice %arg29[%add3A_93, %dma_start3A_332] : memref<10000x128xf32, #tpu.memory_space<vmem_shared>> -> memref<48x128xf32, #tpu.memory_space<vmem_shared>>
      %dma_start3A_334 = arith.constant 0 : i32
      %dma_start3A_335 = tpu.memref_slice %arg29[%add3A_93, %dma_start3A_334] : memref<10000x128xf32, #tpu.memory_space<vmem_shared>> -> memref<48x128xf32, #tpu.memory_space<vmem_shared>>
      tpu.enqueue_dma source(%arg16 : memref<48x128xf32, #tpu.memory_space<vmem>>) target(%dma_start3A_335 : memref<48x128xf32, #tpu.memory_space<vmem_shared>>) target_semaphore(%run_scoped3A : memref<!tpu.dma_semaphore, #tpu.memory_space<semaphore_mem>>)
      %dma_wait3A_336 = arith.constant 0 : i32
      %dma_wait3A_337 = tpu.memref_slice %arg29[%add3A_93, %dma_wait3A_336] : memref<10000x128xf32, #tpu.memory_space<vmem_shared>> -> memref<48x128xf32, #tpu.memory_space<vmem_shared>>
      %dma_wait3A_338 = arith.constant 0 : i32
      %dma_wait3A_339 = tpu.memref_slice %arg29[%add3A_93, %dma_wait3A_338] : memref<10000x128xf32, #tpu.memory_space<vmem_shared>> -> memref<48x128xf32, #tpu.memory_space<vmem_shared>>
      tpu.wait_dma2 semaphore(%run_scoped3A : memref<!tpu.dma_semaphore, #tpu.memory_space<semaphore_mem>>) src(%arg16 : memref<48x128xf32, #tpu.memory_space<vmem>>) dst(%dma_wait3A_339 : memref<48x128xf32, #tpu.memory_space<vmem_shared>>)
      tpu.yield
    }) : () -> ()
    %add3A_94 = arith.constant 384 : i32
    %add3A_95 = arith.addi %mul3A_59, %add3A_94 : i32
    "tpu.region"() ({
      %run_scoped3A = tpu.sem_alloc : memref<!tpu.dma_semaphore, #tpu.memory_space<semaphore_mem>>
      %dma_start3A_332 = arith.constant 0 : i32
      %dma_start3A_333 = tpu.memref_slice %arg30[%add3A_95, %dma_start3A_332] : memref<10000x8xf32, #tpu.memory_space<vmem_shared>> -> memref<48x8xf32, #tpu.memory_space<vmem_shared>>
      %dma_start3A_334 = arith.constant 0 : i32
      %dma_start3A_335 = tpu.memref_slice %arg30[%add3A_95, %dma_start3A_334] : memref<10000x8xf32, #tpu.memory_space<vmem_shared>> -> memref<48x8xf32, #tpu.memory_space<vmem_shared>>
      tpu.enqueue_dma source(%arg28 : memref<48x8xf32, #tpu.memory_space<vmem>>) target(%dma_start3A_335 : memref<48x8xf32, #tpu.memory_space<vmem_shared>>) target_semaphore(%run_scoped3A : memref<!tpu.dma_semaphore, #tpu.memory_space<semaphore_mem>>)
      %dma_wait3A_336 = arith.constant 0 : i32
      %dma_wait3A_337 = tpu.memref_slice %arg30[%add3A_95, %dma_wait3A_336] : memref<10000x8xf32, #tpu.memory_space<vmem_shared>> -> memref<48x8xf32, #tpu.memory_space<vmem_shared>>
      %dma_wait3A_338 = arith.constant 0 : i32
      %dma_wait3A_339 = tpu.memref_slice %arg30[%add3A_95, %dma_wait3A_338] : memref<10000x8xf32, #tpu.memory_space<vmem_shared>> -> memref<48x8xf32, #tpu.memory_space<vmem_shared>>
      tpu.wait_dma2 semaphore(%run_scoped3A : memref<!tpu.dma_semaphore, #tpu.memory_space<semaphore_mem>>) src(%arg28 : memref<48x8xf32, #tpu.memory_space<vmem>>) dst(%dma_wait3A_339 : memref<48x8xf32, #tpu.memory_space<vmem_shared>>)
      tpu.yield
    }) : () -> ()
    %add3A_96 = arith.constant 432 : i32
    %add3A_97 = arith.addi %mul3A_59, %add3A_96 : i32
    "tpu.region"() ({
      %run_scoped3A = tpu.sem_alloc : memref<!tpu.dma_semaphore, #tpu.memory_space<semaphore_mem>>
      %dma_start3A_332 = arith.constant 0 : i32
      %dma_start3A_333 = tpu.memref_slice %arg29[%add3A_97, %dma_start3A_332] : memref<10000x128xf32, #tpu.memory_space<vmem_shared>> -> memref<48x128xf32, #tpu.memory_space<vmem_shared>>
      %dma_start3A_334 = arith.constant 0 : i32
      %dma_start3A_335 = tpu.memref_slice %arg29[%add3A_97, %dma_start3A_334] : memref<10000x128xf32, #tpu.memory_space<vmem_shared>> -> memref<48x128xf32, #tpu.memory_space<vmem_shared>>
      tpu.enqueue_dma source(%arg16 : memref<48x128xf32, #tpu.memory_space<vmem>>) target(%dma_start3A_335 : memref<48x128xf32, #tpu.memory_space<vmem_shared>>) target_semaphore(%run_scoped3A : memref<!tpu.dma_semaphore, #tpu.memory_space<semaphore_mem>>)
      %dma_wait3A_336 = arith.constant 0 : i32
      %dma_wait3A_337 = tpu.memref_slice %arg29[%add3A_97, %dma_wait3A_336] : memref<10000x128xf32, #tpu.memory_space<vmem_shared>> -> memref<48x128xf32, #tpu.memory_space<vmem_shared>>
      %dma_wait3A_338 = arith.constant 0 : i32
      %dma_wait3A_339 = tpu.memref_slice %arg29[%add3A_97, %dma_wait3A_338] : memref<10000x128xf32, #tpu.memory_space<vmem_shared>> -> memref<48x128xf32, #tpu.memory_space<vmem_shared>>
      tpu.wait_dma2 semaphore(%run_scoped3A : memref<!tpu.dma_semaphore, #tpu.memory_space<semaphore_mem>>) src(%arg16 : memref<48x128xf32, #tpu.memory_space<vmem>>) dst(%dma_wait3A_339 : memref<48x128xf32, #tpu.memory_space<vmem_shared>>)
      tpu.yield
    }) : () -> ()
    %add3A_98 = arith.constant 432 : i32
    %add3A_99 = arith.addi %mul3A_59, %add3A_98 : i32
    "tpu.region"() ({
      %run_scoped3A = tpu.sem_alloc : memref<!tpu.dma_semaphore, #tpu.memory_space<semaphore_mem>>
      %dma_start3A_332 = arith.constant 0 : i32
      %dma_start3A_333 = tpu.memref_slice %arg30[%add3A_99, %dma_start3A_332] : memref<10000x8xf32, #tpu.memory_space<vmem_shared>> -> memref<48x8xf32, #tpu.memory_space<vmem_shared>>
      %dma_start3A_334 = arith.constant 0 : i32
      %dma_start3A_335 = tpu.memref_slice %arg30[%add3A_99, %dma_start3A_334] : memref<10000x8xf32, #tpu.memory_space<vmem_shared>> -> memref<48x8xf32, #tpu.memory_space<vmem_shared>>
      tpu.enqueue_dma source(%arg28 : memref<48x8xf32, #tpu.memory_space<vmem>>) target(%dma_start3A_335 : memref<48x8xf32, #tpu.memory_space<vmem_shared>>) target_semaphore(%run_scoped3A : memref<!tpu.dma_semaphore, #tpu.memory_space<semaphore_mem>>)
      %dma_wait3A_336 = arith.constant 0 : i32
      %dma_wait3A_337 = tpu.memref_slice %arg30[%add3A_99, %dma_wait3A_336] : memref<10000x8xf32, #tpu.memory_space<vmem_shared>> -> memref<48x8xf32, #tpu.memory_space<vmem_shared>>
      %dma_wait3A_338 = arith.constant 0 : i32
      %dma_wait3A_339 = tpu.memref_slice %arg30[%add3A_99, %dma_wait3A_338] : memref<10000x8xf32, #tpu.memory_space<vmem_shared>> -> memref<48x8xf32, #tpu.memory_space<vmem_shared>>
      tpu.wait_dma2 semaphore(%run_scoped3A : memref<!tpu.dma_semaphore, #tpu.memory_space<semaphore_mem>>) src(%arg28 : memref<48x8xf32, #tpu.memory_space<vmem>>) dst(%dma_wait3A_339 : memref<48x8xf32, #tpu.memory_space<vmem_shared>>)
      tpu.yield
    }) : () -> ()
    %add3A_100 = arith.constant 480 : i32
    %add3A_101 = arith.addi %mul3A_59, %add3A_100 : i32
    "tpu.region"() ({
      %run_scoped3A = tpu.sem_alloc : memref<!tpu.dma_semaphore, #tpu.memory_space<semaphore_mem>>
      %dma_start3A_332 = arith.constant 0 : i32
      %dma_start3A_333 = tpu.memref_slice %arg29[%add3A_101, %dma_start3A_332] : memref<10000x128xf32, #tpu.memory_space<vmem_shared>> -> memref<48x128xf32, #tpu.memory_space<vmem_shared>>
      %dma_start3A_334 = arith.constant 0 : i32
      %dma_start3A_335 = tpu.memref_slice %arg29[%add3A_101, %dma_start3A_334] : memref<10000x128xf32, #tpu.memory_space<vmem_shared>> -> memref<48x128xf32, #tpu.memory_space<vmem_shared>>
      tpu.enqueue_dma source(%arg16 : memref<48x128xf32, #tpu.memory_space<vmem>>) target(%dma_start3A_335 : memref<48x128xf32, #tpu.memory_space<vmem_shared>>) target_semaphore(%run_scoped3A : memref<!tpu.dma_semaphore, #tpu.memory_space<semaphore_mem>>)
      %dma_wait3A_336 = arith.constant 0 : i32
      %dma_wait3A_337 = tpu.memref_slice %arg29[%add3A_101, %dma_wait3A_336] : memref<10000x128xf32, #tpu.memory_space<vmem_shared>> -> memref<48x128xf32, #tpu.memory_space<vmem_shared>>
      %dma_wait3A_338 = arith.constant 0 : i32
      %dma_wait3A_339 = tpu.memref_slice %arg29[%add3A_101, %dma_wait3A_338] : memref<10000x128xf32, #tpu.memory_space<vmem_shared>> -> memref<48x128xf32, #tpu.memory_space<vmem_shared>>
      tpu.wait_dma2 semaphore(%run_scoped3A : memref<!tpu.dma_semaphore, #tpu.memory_space<semaphore_mem>>) src(%arg16 : memref<48x128xf32, #tpu.memory_space<vmem>>) dst(%dma_wait3A_339 : memref<48x128xf32, #tpu.memory_space<vmem_shared>>)
      tpu.yield
    }) : () -> ()
    %add3A_102 = arith.constant 480 : i32
    %add3A_103 = arith.addi %mul3A_59, %add3A_102 : i32
    "tpu.region"() ({
      %run_scoped3A = tpu.sem_alloc : memref<!tpu.dma_semaphore, #tpu.memory_space<semaphore_mem>>
      %dma_start3A_332 = arith.constant 0 : i32
      %dma_start3A_333 = tpu.memref_slice %arg30[%add3A_103, %dma_start3A_332] : memref<10000x8xf32, #tpu.memory_space<vmem_shared>> -> memref<48x8xf32, #tpu.memory_space<vmem_shared>>
      %dma_start3A_334 = arith.constant 0 : i32
      %dma_start3A_335 = tpu.memref_slice %arg30[%add3A_103, %dma_start3A_334] : memref<10000x8xf32, #tpu.memory_space<vmem_shared>> -> memref<48x8xf32, #tpu.memory_space<vmem_shared>>
      tpu.enqueue_dma source(%arg28 : memref<48x8xf32, #tpu.memory_space<vmem>>) target(%dma_start3A_335 : memref<48x8xf32, #tpu.memory_space<vmem_shared>>) target_semaphore(%run_scoped3A : memref<!tpu.dma_semaphore, #tpu.memory_space<semaphore_mem>>)
      %dma_wait3A_336 = arith.constant 0 : i32
      %dma_wait3A_337 = tpu.memref_slice %arg30[%add3A_103, %dma_wait3A_336] : memref<10000x8xf32, #tpu.memory_space<vmem_shared>> -> memref<48x8xf32, #tpu.memory_space<vmem_shared>>
      %dma_wait3A_338 = arith.constant 0 : i32
      %dma_wait3A_339 = tpu.memref_slice %arg30[%add3A_103, %dma_wait3A_338] : memref<10000x8xf32, #tpu.memory_space<vmem_shared>> -> memref<48x8xf32, #tpu.memory_space<vmem_shared>>
      tpu.wait_dma2 semaphore(%run_scoped3A : memref<!tpu.dma_semaphore, #tpu.memory_space<semaphore_mem>>) src(%arg28 : memref<48x8xf32, #tpu.memory_space<vmem>>) dst(%dma_wait3A_339 : memref<48x8xf32, #tpu.memory_space<vmem_shared>>)
      tpu.yield
    }) : () -> ()
    %add3A_104 = arith.constant 528 : i32
    %add3A_105 = arith.addi %mul3A_59, %add3A_104 : i32
    "tpu.region"() ({
      %run_scoped3A = tpu.sem_alloc : memref<!tpu.dma_semaphore, #tpu.memory_space<semaphore_mem>>
      %dma_start3A_332 = arith.constant 0 : i32
      %dma_start3A_333 = tpu.memref_slice %arg29[%add3A_105, %dma_start3A_332] : memref<10000x128xf32, #tpu.memory_space<vmem_shared>> -> memref<48x128xf32, #tpu.memory_space<vmem_shared>>
      %dma_start3A_334 = arith.constant 0 : i32
      %dma_start3A_335 = tpu.memref_slice %arg29[%add3A_105, %dma_start3A_334] : memref<10000x128xf32, #tpu.memory_space<vmem_shared>> -> memref<48x128xf32, #tpu.memory_space<vmem_shared>>
      tpu.enqueue_dma source(%arg16 : memref<48x128xf32, #tpu.memory_space<vmem>>) target(%dma_start3A_335 : memref<48x128xf32, #tpu.memory_space<vmem_shared>>) target_semaphore(%run_scoped3A : memref<!tpu.dma_semaphore, #tpu.memory_space<semaphore_mem>>)
      %dma_wait3A_336 = arith.constant 0 : i32
      %dma_wait3A_337 = tpu.memref_slice %arg29[%add3A_105, %dma_wait3A_336] : memref<10000x128xf32, #tpu.memory_space<vmem_shared>> -> memref<48x128xf32, #tpu.memory_space<vmem_shared>>
      %dma_wait3A_338 = arith.constant 0 : i32
      %dma_wait3A_339 = tpu.memref_slice %arg29[%add3A_105, %dma_wait3A_338] : memref<10000x128xf32, #tpu.memory_space<vmem_shared>> -> memref<48x128xf32, #tpu.memory_space<vmem_shared>>
      tpu.wait_dma2 semaphore(%run_scoped3A : memref<!tpu.dma_semaphore, #tpu.memory_space<semaphore_mem>>) src(%arg16 : memref<48x128xf32, #tpu.memory_space<vmem>>) dst(%dma_wait3A_339 : memref<48x128xf32, #tpu.memory_space<vmem_shared>>)
      tpu.yield
    }) : () -> ()
    %add3A_106 = arith.constant 528 : i32
    %add3A_107 = arith.addi %mul3A_59, %add3A_106 : i32
    "tpu.region"() ({
      %run_scoped3A = tpu.sem_alloc : memref<!tpu.dma_semaphore, #tpu.memory_space<semaphore_mem>>
      %dma_start3A_332 = arith.constant 0 : i32
      %dma_start3A_333 = tpu.memref_slice %arg30[%add3A_107, %dma_start3A_332] : memref<10000x8xf32, #tpu.memory_space<vmem_shared>> -> memref<48x8xf32, #tpu.memory_space<vmem_shared>>
      %dma_start3A_334 = arith.constant 0 : i32
      %dma_start3A_335 = tpu.memref_slice %arg30[%add3A_107, %dma_start3A_334] : memref<10000x8xf32, #tpu.memory_space<vmem_shared>> -> memref<48x8xf32, #tpu.memory_space<vmem_shared>>
      tpu.enqueue_dma source(%arg28 : memref<48x8xf32, #tpu.memory_space<vmem>>) target(%dma_start3A_335 : memref<48x8xf32, #tpu.memory_space<vmem_shared>>) target_semaphore(%run_scoped3A : memref<!tpu.dma_semaphore, #tpu.memory_space<semaphore_mem>>)
      %dma_wait3A_336 = arith.constant 0 : i32
      %dma_wait3A_337 = tpu.memref_slice %arg30[%add3A_107, %dma_wait3A_336] : memref<10000x8xf32, #tpu.memory_space<vmem_shared>> -> memref<48x8xf32, #tpu.memory_space<vmem_shared>>
      %dma_wait3A_338 = arith.constant 0 : i32
      %dma_wait3A_339 = tpu.memref_slice %arg30[%add3A_107, %dma_wait3A_338] : memref<10000x8xf32, #tpu.memory_space<vmem_shared>> -> memref<48x8xf32, #tpu.memory_space<vmem_shared>>
      tpu.wait_dma2 semaphore(%run_scoped3A : memref<!tpu.dma_semaphore, #tpu.memory_space<semaphore_mem>>) src(%arg28 : memref<48x8xf32, #tpu.memory_space<vmem>>) dst(%dma_wait3A_339 : memref<48x8xf32, #tpu.memory_space<vmem_shared>>)
      tpu.yield
    }) : () -> ()
    %add3A_108 = arith.constant 576 : i32
    %add3A_109 = arith.addi %mul3A_59, %add3A_108 : i32
    "tpu.region"() ({
      %run_scoped3A = tpu.sem_alloc : memref<!tpu.dma_semaphore, #tpu.memory_space<semaphore_mem>>
      %dma_start3A_332 = arith.constant 0 : i32
      %dma_start3A_333 = tpu.memref_slice %arg29[%add3A_109, %dma_start3A_332] : memref<10000x128xf32, #tpu.memory_space<vmem_shared>> -> memref<48x128xf32, #tpu.memory_space<vmem_shared>>
      %dma_start3A_334 = arith.constant 0 : i32
      %dma_start3A_335 = tpu.memref_slice %arg29[%add3A_109, %dma_start3A_334] : memref<10000x128xf32, #tpu.memory_space<vmem_shared>> -> memref<48x128xf32, #tpu.memory_space<vmem_shared>>
      tpu.enqueue_dma source(%arg16 : memref<48x128xf32, #tpu.memory_space<vmem>>) target(%dma_start3A_335 : memref<48x128xf32, #tpu.memory_space<vmem_shared>>) target_semaphore(%run_scoped3A : memref<!tpu.dma_semaphore, #tpu.memory_space<semaphore_mem>>)
      %dma_wait3A_336 = arith.constant 0 : i32
      %dma_wait3A_337 = tpu.memref_slice %arg29[%add3A_109, %dma_wait3A_336] : memref<10000x128xf32, #tpu.memory_space<vmem_shared>> -> memref<48x128xf32, #tpu.memory_space<vmem_shared>>
      %dma_wait3A_338 = arith.constant 0 : i32
      %dma_wait3A_339 = tpu.memref_slice %arg29[%add3A_109, %dma_wait3A_338] : memref<10000x128xf32, #tpu.memory_space<vmem_shared>> -> memref<48x128xf32, #tpu.memory_space<vmem_shared>>
      tpu.wait_dma2 semaphore(%run_scoped3A : memref<!tpu.dma_semaphore, #tpu.memory_space<semaphore_mem>>) src(%arg16 : memref<48x128xf32, #tpu.memory_space<vmem>>) dst(%dma_wait3A_339 : memref<48x128xf32, #tpu.memory_space<vmem_shared>>)
      tpu.yield
    }) : () -> ()
    %add3A_110 = arith.constant 576 : i32
    %add3A_111 = arith.addi %mul3A_59, %add3A_110 : i32
    "tpu.region"() ({
      %run_scoped3A = tpu.sem_alloc : memref<!tpu.dma_semaphore, #tpu.memory_space<semaphore_mem>>
      %dma_start3A_332 = arith.constant 0 : i32
      %dma_start3A_333 = tpu.memref_slice %arg30[%add3A_111, %dma_start3A_332] : memref<10000x8xf32, #tpu.memory_space<vmem_shared>> -> memref<48x8xf32, #tpu.memory_space<vmem_shared>>
      %dma_start3A_334 = arith.constant 0 : i32
      %dma_start3A_335 = tpu.memref_slice %arg30[%add3A_111, %dma_start3A_334] : memref<10000x8xf32, #tpu.memory_space<vmem_shared>> -> memref<48x8xf32, #tpu.memory_space<vmem_shared>>
      tpu.enqueue_dma source(%arg28 : memref<48x8xf32, #tpu.memory_space<vmem>>) target(%dma_start3A_335 : memref<48x8xf32, #tpu.memory_space<vmem_shared>>) target_semaphore(%run_scoped3A : memref<!tpu.dma_semaphore, #tpu.memory_space<semaphore_mem>>)
      %dma_wait3A_336 = arith.constant 0 : i32
      %dma_wait3A_337 = tpu.memref_slice %arg30[%add3A_111, %dma_wait3A_336] : memref<10000x8xf32, #tpu.memory_space<vmem_shared>> -> memref<48x8xf32, #tpu.memory_space<vmem_shared>>
      %dma_wait3A_338 = arith.constant 0 : i32
      %dma_wait3A_339 = tpu.memref_slice %arg30[%add3A_111, %dma_wait3A_338] : memref<10000x8xf32, #tpu.memory_space<vmem_shared>> -> memref<48x8xf32, #tpu.memory_space<vmem_shared>>
      tpu.wait_dma2 semaphore(%run_scoped3A : memref<!tpu.dma_semaphore, #tpu.memory_space<semaphore_mem>>) src(%arg28 : memref<48x8xf32, #tpu.memory_space<vmem>>) dst(%dma_wait3A_339 : memref<48x8xf32, #tpu.memory_space<vmem_shared>>)
      tpu.yield
    }) : () -> ()
    %add3A_112 = arith.constant 624 : i32
    %add3A_113 = arith.addi %mul3A_59, %add3A_112 : i32
    "tpu.region"() ({
      %run_scoped3A = tpu.sem_alloc : memref<!tpu.dma_semaphore, #tpu.memory_space<semaphore_mem>>
      %dma_start3A_332 = arith.constant 0 : i32
      %dma_start3A_333 = arith.constant 0 : i32
      %dma_start3A_334 = tpu.memref_slice %arg16[%dma_start3A_332, %dma_start3A_333] : memref<48x128xf32, #tpu.memory_space<vmem>> -> memref<1x128xf32, #tpu.memory_space<vmem>>
      %dma_start3A_335 = arith.constant 0 : i32
      %dma_start3A_336 = tpu.memref_slice %arg29[%add3A_113, %dma_start3A_335] : memref<10000x128xf32, #tpu.memory_space<vmem_shared>> -> memref<1x128xf32, #tpu.memory_space<vmem_shared>>
      %dma_start3A_337 = arith.constant 0 : i32
      %dma_start3A_338 = tpu.memref_slice %arg29[%add3A_113, %dma_start3A_337] : memref<10000x128xf32, #tpu.memory_space<vmem_shared>> -> memref<1x128xf32, #tpu.memory_space<vmem_shared>>
      %dma_start3A_339 = arith.constant 0 : i32
      %dma_start3A_340 = arith.constant 0 : i32
      %dma_start3A_341 = tpu.memref_slice %arg16[%dma_start3A_339, %dma_start3A_340] : memref<48x128xf32, #tpu.memory_space<vmem>> -> memref<1x128xf32, #tpu.memory_space<vmem>>
      tpu.enqueue_dma source(%dma_start3A_341 : memref<1x128xf32, #tpu.memory_space<vmem>>) target(%dma_start3A_338 : memref<1x128xf32, #tpu.memory_space<vmem_shared>>) target_semaphore(%run_scoped3A : memref<!tpu.dma_semaphore, #tpu.memory_space<semaphore_mem>>)
      %dma_wait3A_342 = arith.constant 0 : i32
      %dma_wait3A_343 = arith.constant 0 : i32
      %dma_wait3A_344 = tpu.memref_slice %arg16[%dma_wait3A_342, %dma_wait3A_343] : memref<48x128xf32, #tpu.memory_space<vmem>> -> memref<1x128xf32, #tpu.memory_space<vmem>>
      %dma_wait3A_345 = arith.constant 0 : i32
      %dma_wait3A_346 = tpu.memref_slice %arg29[%add3A_113, %dma_wait3A_345] : memref<10000x128xf32, #tpu.memory_space<vmem_shared>> -> memref<1x128xf32, #tpu.memory_space<vmem_shared>>
      %dma_wait3A_347 = arith.constant 0 : i32
      %dma_wait3A_348 = tpu.memref_slice %arg29[%add3A_113, %dma_wait3A_347] : memref<10000x128xf32, #tpu.memory_space<vmem_shared>> -> memref<1x128xf32, #tpu.memory_space<vmem_shared>>
      %dma_wait3A_349 = arith.constant 0 : i32
      %dma_wait3A_350 = arith.constant 0 : i32
      %dma_wait3A_351 = tpu.memref_slice %arg16[%dma_wait3A_349, %dma_wait3A_350] : memref<48x128xf32, #tpu.memory_space<vmem>> -> memref<1x128xf32, #tpu.memory_space<vmem>>
      tpu.wait_dma2 semaphore(%run_scoped3A : memref<!tpu.dma_semaphore, #tpu.memory_space<semaphore_mem>>) src(%dma_wait3A_351 : memref<1x128xf32, #tpu.memory_space<vmem>>) dst(%dma_wait3A_348 : memref<1x128xf32, #tpu.memory_space<vmem_shared>>)
      tpu.yield
    }) : () -> ()
    %add3A_114 = arith.constant 624 : i32
    %add3A_115 = arith.addi %mul3A_59, %add3A_114 : i32
    "tpu.region"() ({
      %run_scoped3A = tpu.sem_alloc : memref<!tpu.dma_semaphore, #tpu.memory_space<semaphore_mem>>
      %dma_start3A_332 = arith.constant 0 : i32
      %dma_start3A_333 = arith.constant 0 : i32
      %dma_start3A_334 = tpu.memref_slice %arg28[%dma_start3A_332, %dma_start3A_333] : memref<48x8xf32, #tpu.memory_space<vmem>> -> memref<1x8xf32, #tpu.memory_space<vmem>>
      %dma_start3A_335 = arith.constant 0 : i32
      %dma_start3A_336 = tpu.memref_slice %arg30[%add3A_115, %dma_start3A_335] : memref<10000x8xf32, #tpu.memory_space<vmem_shared>> -> memref<1x8xf32, #tpu.memory_space<vmem_shared>>
      %dma_start3A_337 = arith.constant 0 : i32
      %dma_start3A_338 = tpu.memref_slice %arg30[%add3A_115, %dma_start3A_337] : memref<10000x8xf32, #tpu.memory_space<vmem_shared>> -> memref<1x8xf32, #tpu.memory_space<vmem_shared>>
      %dma_start3A_339 = arith.constant 0 : i32
      %dma_start3A_340 = arith.constant 0 : i32
      %dma_start3A_341 = tpu.memref_slice %arg28[%dma_start3A_339, %dma_start3A_340] : memref<48x8xf32, #tpu.memory_space<vmem>> -> memref<1x8xf32, #tpu.memory_space<vmem>>
      tpu.enqueue_dma source(%dma_start3A_341 : memref<1x8xf32, #tpu.memory_space<vmem>>) target(%dma_start3A_338 : memref<1x8xf32, #tpu.memory_space<vmem_shared>>) target_semaphore(%run_scoped3A : memref<!tpu.dma_semaphore, #tpu.memory_space<semaphore_mem>>)
      %dma_wait3A_342 = arith.constant 0 : i32
      %dma_wait3A_343 = arith.constant 0 : i32
      %dma_wait3A_344 = tpu.memref_slice %arg28[%dma_wait3A_342, %dma_wait3A_343] : memref<48x8xf32, #tpu.memory_space<vmem>> -> memref<1x8xf32, #tpu.memory_space<vmem>>
      %dma_wait3A_345 = arith.constant 0 : i32
      %dma_wait3A_346 = tpu.memref_slice %arg30[%add3A_115, %dma_wait3A_345] : memref<10000x8xf32, #tpu.memory_space<vmem_shared>> -> memref<1x8xf32, #tpu.memory_space<vmem_shared>>
      %dma_wait3A_347 = arith.constant 0 : i32
      %dma_wait3A_348 = tpu.memref_slice %arg30[%add3A_115, %dma_wait3A_347] : memref<10000x8xf32, #tpu.memory_space<vmem_shared>> -> memref<1x8xf32, #tpu.memory_space<vmem_shared>>
      %dma_wait3A_349 = arith.constant 0 : i32
      %dma_wait3A_350 = arith.constant 0 : i32
      %dma_wait3A_351 = tpu.memref_slice %arg28[%dma_wait3A_349, %dma_wait3A_350] : memref<48x8xf32, #tpu.memory_space<vmem>> -> memref<1x8xf32, #tpu.memory_space<vmem>>
      tpu.wait_dma2 semaphore(%run_scoped3A : memref<!tpu.dma_semaphore, #tpu.memory_space<semaphore_mem>>) src(%dma_wait3A_351 : memref<1x8xf32, #tpu.memory_space<vmem>>) dst(%dma_wait3A_348 : memref<1x8xf32, #tpu.memory_space<vmem_shared>>)
      tpu.yield
    }) : () -> ()
    %barrier3A = arith.constant 0 : index
    tpu.barrier barrier_id(%barrier3A)
    %iota3A_116 = tpu.iota {dimensions = array<i32: 0>} : vector<16xi32>
    %lt3A_117 = arith.constant 8 : i32
    %lt3A_118 = vector.broadcast %lt3A_117 : i32 to vector<16xi32>
    %lt3A_119 = arith.cmpi slt, %iota3A_116, %lt3A_118 : vector<16xi32>
    %and3A_120 = arith.constant 4 : i32
    %and3A_121 = vector.broadcast %and3A_120 : i32 to vector<16xi32>
    %and3A_122 = arith.andi %iota3A_116, %and3A_121 : vector<16xi32>
    %eq3A_123 = arith.constant 0 : i32
    %eq3A_124 = vector.broadcast %eq3A_123 : i32 to vector<16xi32>
    %eq3A_125 = arith.cmpi eq, %and3A_122, %eq3A_124 : vector<16xi32>
    %and3A_126 = arith.constant 2 : i32
    %and3A_127 = vector.broadcast %and3A_126 : i32 to vector<16xi32>
    %and3A_128 = arith.andi %iota3A_116, %and3A_127 : vector<16xi32>
    %eq3A_129 = arith.constant 0 : i32
    %eq3A_130 = vector.broadcast %eq3A_129 : i32 to vector<16xi32>
    %eq3A_131 = arith.cmpi eq, %and3A_128, %eq3A_130 : vector<16xi32>
    %and3A_132 = arith.constant 1 : i32
    %and3A_133 = vector.broadcast %and3A_132 : i32 to vector<16xi32>
    %and3A_134 = arith.andi %iota3A_116, %and3A_133 : vector<16xi32>
    %eq3A_135 = arith.constant 0 : i32
    %eq3A_136 = vector.broadcast %eq3A_135 : i32 to vector<16xi32>
    %eq3A_137 = arith.cmpi eq, %and3A_134, %eq3A_136 : vector<16xi32>
    %jit3A_138 = arith.constant 2 : i32
    %div3A_139 = vector.broadcast %jit3A_138 : i32 to vector<16xi32>
    %div3A_140 = arith.divsi %iota3A_116, %div3A_139 : vector<16xi32>
    %sign3A_141 = arith.constant 0 : i32
    %sign3A_142 = vector.broadcast %sign3A_141 : i32 to vector<16xi32>
    %sign3A_143 = arith.cmpi sgt, %iota3A_116, %sign3A_142 : vector<16xi32>
    %sign3A_144 = arith.extui %sign3A_143 : vector<16xi1> to vector<16xi32>
    %sign3A_145 = arith.constant 0 : i32
    %sign3A_146 = vector.broadcast %sign3A_145 : i32 to vector<16xi32>
    %sign3A_147 = arith.cmpi slt, %iota3A_116, %sign3A_146 : vector<16xi32>
    %sign3A_148 = arith.extui %sign3A_147 : vector<16xi1> to vector<16xi32>
    %sign3A_149 = arith.subi %sign3A_144, %sign3A_148 : vector<16xi32>
    %sign3A_150 = arith.constant 0 : i32
    %sign3A_151 = arith.cmpi sgt, %jit3A_138, %sign3A_150 : i32
    %sign3A_152 = arith.extui %sign3A_151 : i1 to i32
    %sign3A_153 = arith.constant 0 : i32
    %sign3A_154 = arith.cmpi slt, %jit3A_138, %sign3A_153 : i32
    %sign3A_155 = arith.extui %sign3A_154 : i1 to i32
    %sign3A_156 = arith.subi %sign3A_152, %sign3A_155 : i32
    %ne3A_157 = vector.broadcast %sign3A_156 : i32 to vector<16xi32>
    %ne3A_158 = arith.cmpi ne, %sign3A_149, %ne3A_157 : vector<16xi32>
    %rem3A_159 = vector.broadcast %jit3A_138 : i32 to vector<16xi32>
    %rem3A_160 = arith.remsi %iota3A_116, %rem3A_159 : vector<16xi32>
    %ne3A_161 = arith.constant 0 : i32
    %ne3A_162 = vector.broadcast %ne3A_161 : i32 to vector<16xi32>
    %ne3A_163 = arith.cmpi ne, %rem3A_160, %ne3A_162 : vector<16xi32>
    %and3A_164 = arith.andi %ne3A_158, %ne3A_163 : vector<16xi1>
    %sub3A_165 = arith.constant 1 : i32
    %sub3A_166 = vector.broadcast %sub3A_165 : i32 to vector<16xi32>
    %sub3A_167 = arith.subi %div3A_140, %sub3A_166 : vector<16xi32>
    %select_n3A_168 = arith.select %and3A_164, %sub3A_167, %div3A_140 : vector<16xi1>, vector<16xi32>
    %and3A_169 = arith.constant 1 : i32
    %and3A_170 = vector.broadcast %and3A_169 : i32 to vector<16xi32>
    %and3A_171 = arith.andi %select_n3A_168, %and3A_170 : vector<16xi32>
    %shift_left3A = arith.constant 2 : i32
    %shift_left3A_172 = vector.broadcast %shift_left3A : i32 to vector<16xi32>
    %shift_left3A_173 = arith.shli %and3A_171, %shift_left3A_172 : vector<16xi32>
    %and3A_174 = arith.constant 2 : i32
    %and3A_175 = vector.broadcast %and3A_174 : i32 to vector<16xi32>
    %and3A_176 = arith.andi %select_n3A_168, %and3A_175 : vector<16xi32>
    %or3A = arith.ori %shift_left3A_173, %and3A_176 : vector<16xi32>
    %and3A_177 = arith.constant 4 : i32
    %and3A_178 = vector.broadcast %and3A_177 : i32 to vector<16xi32>
    %and3A_179 = arith.andi %select_n3A_168, %and3A_178 : vector<16xi32>
    %shift_right_arithmetic3A = arith.constant 2 : i32
    %shift_right_arithmetic3A_180 = vector.broadcast %shift_right_arithmetic3A : i32 to vector<16xi32>
    %shift_right_arithmetic3A_181 = arith.shrsi %and3A_179, %shift_right_arithmetic3A_180 : vector<16xi32>
    %or3A_182 = arith.ori %or3A, %shift_right_arithmetic3A_181 : vector<16xi32>
    %mul3A_183 = arith.constant 10000 : i32
    %mul3A_184 = arith.muli %add3A, %mul3A_183 : i32
    %add3A_185 = arith.constant 0 : i32
    %add3A_186 = arith.addi %mul3A_184, %add3A_185 : i32
    %dma_start3A = tpu.memref_slice %arg7[%add3A_186] : memref<320000xi32, #tpu.memory_space<hbm>> -> memref<48xi32, #tpu.memory_space<hbm>>
    %dma_start3A_187 = tpu.memref_slice %arg7[%add3A_186] : memref<320000xi32, #tpu.memory_space<hbm>> -> memref<48xi32, #tpu.memory_space<hbm>>
    tpu.enqueue_dma source(%dma_start3A_187 : memref<48xi32, #tpu.memory_space<hbm>>) target(%arg12 : memref<48xi32, #tpu.memory_space<vmem>>) target_semaphore(%arg31 : memref<!tpu.dma_semaphore, #tpu.memory_space<semaphore_mem>>)
    %dma_start3A_188 = tpu.memref_slice %arg8[%add3A_186] : memref<320000xi32, #tpu.memory_space<hbm>> -> memref<48xi32, #tpu.memory_space<hbm>>
    %dma_start3A_189 = tpu.memref_slice %arg8[%add3A_186] : memref<320000xi32, #tpu.memory_space<hbm>> -> memref<48xi32, #tpu.memory_space<hbm>>
    tpu.enqueue_dma source(%dma_start3A_189 : memref<48xi32, #tpu.memory_space<hbm>>) target(%arg13 : memref<48xi32, #tpu.memory_space<vmem>>) target_semaphore(%arg31 : memref<!tpu.dma_semaphore, #tpu.memory_space<semaphore_mem>>)
    %dma_start3A_190 = tpu.memref_slice %arg6[%add3A_186] : memref<320000xf32, #tpu.memory_space<hbm>> -> memref<48xf32, #tpu.memory_space<hbm>>
    %dma_start3A_191 = tpu.memref_slice %arg6[%add3A_186] : memref<320000xf32, #tpu.memory_space<hbm>> -> memref<48xf32, #tpu.memory_space<hbm>>
    tpu.enqueue_dma source(%dma_start3A_191 : memref<48xf32, #tpu.memory_space<hbm>>) target(%arg14 : memref<48xf32, #tpu.memory_space<vmem>>) target_semaphore(%arg31 : memref<!tpu.dma_semaphore, #tpu.memory_space<semaphore_mem>>)
    %dma_start3A_192 = arith.constant 0 : i32
    %dma_start3A_193 = tpu.memref_slice %arg5[%add3A_186, %dma_start3A_192] : memref<320000x16xf32, #tpu.memory_space<hbm>> -> memref<48x16xf32, #tpu.memory_space<hbm>>
    %dma_start3A_194 = arith.constant 0 : i32
    %dma_start3A_195 = tpu.memref_slice %arg5[%add3A_186, %dma_start3A_194] : memref<320000x16xf32, #tpu.memory_space<hbm>> -> memref<48x16xf32, #tpu.memory_space<hbm>>
    tpu.enqueue_dma source(%dma_start3A_195 : memref<48x16xf32, #tpu.memory_space<hbm>>) target(%arg15 : memref<48x16xf32, #tpu.memory_space<vmem>>) target_semaphore(%arg31 : memref<!tpu.dma_semaphore, #tpu.memory_space<semaphore_mem>>)
    %dma_wait3A = tpu.memref_slice %arg7[%add3A_186] : memref<320000xi32, #tpu.memory_space<hbm>> -> memref<48xi32, #tpu.memory_space<hbm>>
    %dma_wait3A_196 = tpu.memref_slice %arg7[%add3A_186] : memref<320000xi32, #tpu.memory_space<hbm>> -> memref<48xi32, #tpu.memory_space<hbm>>
    tpu.wait_dma2 semaphore(%arg31 : memref<!tpu.dma_semaphore, #tpu.memory_space<semaphore_mem>>) src(%dma_wait3A_196 : memref<48xi32, #tpu.memory_space<hbm>>) dst(%arg12 : memref<48xi32, #tpu.memory_space<vmem>>)
    %dma_wait3A_197 = tpu.memref_slice %arg8[%add3A_186] : memref<320000xi32, #tpu.memory_space<hbm>> -> memref<48xi32, #tpu.memory_space<hbm>>
    %dma_wait3A_198 = tpu.memref_slice %arg8[%add3A_186] : memref<320000xi32, #tpu.memory_space<hbm>> -> memref<48xi32, #tpu.memory_space<hbm>>
    tpu.wait_dma2 semaphore(%arg31 : memref<!tpu.dma_semaphore, #tpu.memory_space<semaphore_mem>>) src(%dma_wait3A_198 : memref<48xi32, #tpu.memory_space<hbm>>) dst(%arg13 : memref<48xi32, #tpu.memory_space<vmem>>)
    %dma_wait3A_199 = tpu.memref_slice %arg6[%add3A_186] : memref<320000xf32, #tpu.memory_space<hbm>> -> memref<48xf32, #tpu.memory_space<hbm>>
    %dma_wait3A_200 = tpu.memref_slice %arg6[%add3A_186] : memref<320000xf32, #tpu.memory_space<hbm>> -> memref<48xf32, #tpu.memory_space<hbm>>
    tpu.wait_dma2 semaphore(%arg31 : memref<!tpu.dma_semaphore, #tpu.memory_space<semaphore_mem>>) src(%dma_wait3A_200 : memref<48xf32, #tpu.memory_space<hbm>>) dst(%arg14 : memref<48xf32, #tpu.memory_space<vmem>>)
    %dma_wait3A_201 = arith.constant 0 : i32
    %dma_wait3A_202 = tpu.memref_slice %arg5[%add3A_186, %dma_wait3A_201] : memref<320000x16xf32, #tpu.memory_space<hbm>> -> memref<48x16xf32, #tpu.memory_space<hbm>>
    %dma_wait3A_203 = arith.constant 0 : i32
    %dma_wait3A_204 = tpu.memref_slice %arg5[%add3A_186, %dma_wait3A_203] : memref<320000x16xf32, #tpu.memory_space<hbm>> -> memref<48x16xf32, #tpu.memory_space<hbm>>
    tpu.wait_dma2 semaphore(%arg31 : memref<!tpu.dma_semaphore, #tpu.memory_space<semaphore_mem>>) src(%dma_wait3A_204 : memref<48x16xf32, #tpu.memory_space<hbm>>) dst(%arg15 : memref<48x16xf32, #tpu.memory_space<vmem>>)
    %dma_start3A_205 = arith.constant 0 : i32
    %dma_start3A_206 = arith.constant 0 : i32
    %dma_start3A_207 = tpu.memref_slice %arg2[%dma_start3A_205, %dma_start3A_206] : memref<10000x128xf32, #tpu.memory_space<hbm>> -> memref<10000x128xf32, #tpu.memory_space<hbm>>
    tpu.enqueue_indirect_dma source(%dma_start3A_207 : memref<10000x128xf32, #tpu.memory_space<hbm>>) target(%arg16 : memref<48x128xf32, #tpu.memory_space<vmem>>) offsets(%arg13 : memref<48xi32, #tpu.memory_space<vmem>>) semaphore(%arg33 : memref<!tpu.dma_semaphore, #tpu.memory_space<semaphore_mem>>)
    %dma_start3A_208 = arith.constant 0 : i32
    %dma_start3A_209 = arith.constant 0 : i32
    %dma_start3A_210 = tpu.memref_slice %arg3[%dma_start3A_208, %dma_start3A_209] : memref<10000x128xf32, #tpu.memory_space<hbm>> -> memref<10000x128xf32, #tpu.memory_space<hbm>>
    tpu.enqueue_indirect_dma source(%dma_start3A_210 : memref<10000x128xf32, #tpu.memory_space<hbm>>) target(%arg17 : memref<48x128xf32, #tpu.memory_space<vmem>>) offsets(%arg12 : memref<48xi32, #tpu.memory_space<vmem>>) semaphore(%arg33 : memref<!tpu.dma_semaphore, #tpu.memory_space<semaphore_mem>>)
    %dma_start3A_211 = arith.constant 0 : i32
    %dma_start3A_212 = arith.constant 0 : i32
    %dma_start3A_213 = tpu.memref_slice %arg4[%dma_start3A_211, %dma_start3A_212] : memref<10000x128xf32, #tpu.memory_space<hbm>> -> memref<10000x128xf32, #tpu.memory_space<hbm>>
    tpu.enqueue_indirect_dma source(%dma_start3A_213 : memref<10000x128xf32, #tpu.memory_space<hbm>>) target(%arg18 : memref<48x128xf32, #tpu.memory_space<vmem>>) offsets(%arg12 : memref<48xi32, #tpu.memory_space<vmem>>) semaphore(%arg33 : memref<!tpu.dma_semaphore, #tpu.memory_space<semaphore_mem>>)
    %mul3A_214 = arith.constant 10000 : i32
    %mul3A_215 = arith.muli %add3A, %mul3A_214 : i32
    %add3A_216 = arith.constant 48 : i32
    %add3A_217 = arith.addi %mul3A_215, %add3A_216 : i32
    %dma_start3A_218 = tpu.memref_slice %arg7[%add3A_217] : memref<320000xi32, #tpu.memory_space<hbm>> -> memref<48xi32, #tpu.memory_space<hbm>>
    %dma_start3A_219 = tpu.memref_slice %arg7[%add3A_217] : memref<320000xi32, #tpu.memory_space<hbm>> -> memref<48xi32, #tpu.memory_space<hbm>>
    tpu.enqueue_dma source(%dma_start3A_219 : memref<48xi32, #tpu.memory_space<hbm>>) target(%arg19 : memref<48xi32, #tpu.memory_space<vmem>>) target_semaphore(%arg32 : memref<!tpu.dma_semaphore, #tpu.memory_space<semaphore_mem>>)
    %dma_start3A_220 = tpu.memref_slice %arg8[%add3A_217] : memref<320000xi32, #tpu.memory_space<hbm>> -> memref<48xi32, #tpu.memory_space<hbm>>
    %dma_start3A_221 = tpu.memref_slice %arg8[%add3A_217] : memref<320000xi32, #tpu.memory_space<hbm>> -> memref<48xi32, #tpu.memory_space<hbm>>
    tpu.enqueue_dma source(%dma_start3A_221 : memref<48xi32, #tpu.memory_space<hbm>>) target(%arg20 : memref<48xi32, #tpu.memory_space<vmem>>) target_semaphore(%arg32 : memref<!tpu.dma_semaphore, #tpu.memory_space<semaphore_mem>>)
    %dma_start3A_222 = tpu.memref_slice %arg6[%add3A_217] : memref<320000xf32, #tpu.memory_space<hbm>> -> memref<48xf32, #tpu.memory_space<hbm>>
    %dma_start3A_223 = tpu.memref_slice %arg6[%add3A_217] : memref<320000xf32, #tpu.memory_space<hbm>> -> memref<48xf32, #tpu.memory_space<hbm>>
    tpu.enqueue_dma source(%dma_start3A_223 : memref<48xf32, #tpu.memory_space<hbm>>) target(%arg21 : memref<48xf32, #tpu.memory_space<vmem>>) target_semaphore(%arg32 : memref<!tpu.dma_semaphore, #tpu.memory_space<semaphore_mem>>)
    %dma_start3A_224 = arith.constant 0 : i32
    %dma_start3A_225 = tpu.memref_slice %arg5[%add3A_217, %dma_start3A_224] : memref<320000x16xf32, #tpu.memory_space<hbm>> -> memref<48x16xf32, #tpu.memory_space<hbm>>
    %dma_start3A_226 = arith.constant 0 : i32
    %dma_start3A_227 = tpu.memref_slice %arg5[%add3A_217, %dma_start3A_226] : memref<320000x16xf32, #tpu.memory_space<hbm>> -> memref<48x16xf32, #tpu.memory_space<hbm>>
    tpu.enqueue_dma source(%dma_start3A_227 : memref<48x16xf32, #tpu.memory_space<hbm>>) target(%arg22 : memref<48x16xf32, #tpu.memory_space<vmem>>) target_semaphore(%arg32 : memref<!tpu.dma_semaphore, #tpu.memory_space<semaphore_mem>>)
    %scan3A_228 = arith.constant 0 : i32
    %scan3A_229 = arith.constant 0 : i32
    %scan3A_230 = arith.constant 103 : i32
    %scan3A_231 = arith.addi %scan3A_229, %scan3A_230 : i32
    %scan3A_232 = arith.constant 1 : i32
    %scan3A_233 = scf.for %scan3A_332 = %scan3A_229 to %scan3A_231 step %scan3A_232 iter_args(%scan3A_333 = %scan3A_228) -> (i32)  : i32 {
      %mul3A_334 = arith.constant 2 : i32
      %mul3A_335 = arith.muli %scan3A_332, %mul3A_334 : i32
      %add3A_336 = arith.constant 1 : i32
      %add3A_337 = arith.addi %mul3A_335, %add3A_336 : i32
      %dma_wait3A_338 = arith.constant 0 : i32
      %dma_wait3A_339 = arith.constant 0 : i32
      %dma_wait3A_340 = tpu.memref_slice %arg2[%dma_wait3A_338, %dma_wait3A_339] : memref<10000x128xf32, #tpu.memory_space<hbm>> -> memref<48x128xf32, #tpu.memory_space<hbm>>
      %dma_wait3A_341 = arith.constant 0 : i32
      %dma_wait3A_342 = arith.constant 0 : i32
      %dma_wait3A_343 = tpu.memref_slice %arg2[%dma_wait3A_341, %dma_wait3A_342] : memref<10000x128xf32, #tpu.memory_space<hbm>> -> memref<48x128xf32, #tpu.memory_space<hbm>>
      tpu.wait_dma2 semaphore(%arg33 : memref<!tpu.dma_semaphore, #tpu.memory_space<semaphore_mem>>) src(%dma_wait3A_343 : memref<48x128xf32, #tpu.memory_space<hbm>>) dst(%arg16 : memref<48x128xf32, #tpu.memory_space<vmem>>)
      %dma_wait3A_344 = arith.constant 0 : i32
      %dma_wait3A_345 = arith.constant 0 : i32
      %dma_wait3A_346 = tpu.memref_slice %arg3[%dma_wait3A_344, %dma_wait3A_345] : memref<10000x128xf32, #tpu.memory_space<hbm>> -> memref<48x128xf32, #tpu.memory_space<hbm>>
      %dma_wait3A_347 = arith.constant 0 : i32
      %dma_wait3A_348 = arith.constant 0 : i32
      %dma_wait3A_349 = tpu.memref_slice %arg3[%dma_wait3A_347, %dma_wait3A_348] : memref<10000x128xf32, #tpu.memory_space<hbm>> -> memref<48x128xf32, #tpu.memory_space<hbm>>
      tpu.wait_dma2 semaphore(%arg33 : memref<!tpu.dma_semaphore, #tpu.memory_space<semaphore_mem>>) src(%dma_wait3A_349 : memref<48x128xf32, #tpu.memory_space<hbm>>) dst(%arg17 : memref<48x128xf32, #tpu.memory_space<vmem>>)
      %dma_wait3A_350 = arith.constant 0 : i32
      %dma_wait3A_351 = arith.constant 0 : i32
      %dma_wait3A_352 = tpu.memref_slice %arg4[%dma_wait3A_350, %dma_wait3A_351] : memref<10000x128xf32, #tpu.memory_space<hbm>> -> memref<48x128xf32, #tpu.memory_space<hbm>>
      %dma_wait3A_353 = arith.constant 0 : i32
      %dma_wait3A_354 = arith.constant 0 : i32
      %dma_wait3A_355 = tpu.memref_slice %arg4[%dma_wait3A_353, %dma_wait3A_354] : memref<10000x128xf32, #tpu.memory_space<hbm>> -> memref<48x128xf32, #tpu.memory_space<hbm>>
      tpu.wait_dma2 semaphore(%arg33 : memref<!tpu.dma_semaphore, #tpu.memory_space<semaphore_mem>>) src(%dma_wait3A_355 : memref<48x128xf32, #tpu.memory_space<hbm>>) dst(%arg18 : memref<48x128xf32, #tpu.memory_space<vmem>>)
      %dma_wait3A_356 = arith.constant 0 : i32
      %dma_wait3A_357 = tpu.memref_slice %arg7[%dma_wait3A_356] : memref<320000xi32, #tpu.memory_space<hbm>> -> memref<48xi32, #tpu.memory_space<hbm>>
      %dma_wait3A_358 = arith.constant 0 : i32
      %dma_wait3A_359 = tpu.memref_slice %arg7[%dma_wait3A_358] : memref<320000xi32, #tpu.memory_space<hbm>> -> memref<48xi32, #tpu.memory_space<hbm>>
      tpu.wait_dma2 semaphore(%arg32 : memref<!tpu.dma_semaphore, #tpu.memory_space<semaphore_mem>>) src(%dma_wait3A_359 : memref<48xi32, #tpu.memory_space<hbm>>) dst(%arg19 : memref<48xi32, #tpu.memory_space<vmem>>)
      %dma_wait3A_360 = arith.constant 0 : i32
      %dma_wait3A_361 = tpu.memref_slice %arg8[%dma_wait3A_360] : memref<320000xi32, #tpu.memory_space<hbm>> -> memref<48xi32, #tpu.memory_space<hbm>>
      %dma_wait3A_362 = arith.constant 0 : i32
      %dma_wait3A_363 = tpu.memref_slice %arg8[%dma_wait3A_362] : memref<320000xi32, #tpu.memory_space<hbm>> -> memref<48xi32, #tpu.memory_space<hbm>>
      tpu.wait_dma2 semaphore(%arg32 : memref<!tpu.dma_semaphore, #tpu.memory_space<semaphore_mem>>) src(%dma_wait3A_363 : memref<48xi32, #tpu.memory_space<hbm>>) dst(%arg20 : memref<48xi32, #tpu.memory_space<vmem>>)
      %dma_wait3A_364 = arith.constant 0 : i32
      %dma_wait3A_365 = tpu.memref_slice %arg6[%dma_wait3A_364] : memref<320000xf32, #tpu.memory_space<hbm>> -> memref<48xf32, #tpu.memory_space<hbm>>
      %dma_wait3A_366 = arith.constant 0 : i32
      %dma_wait3A_367 = tpu.memref_slice %arg6[%dma_wait3A_366] : memref<320000xf32, #tpu.memory_space<hbm>> -> memref<48xf32, #tpu.memory_space<hbm>>
      tpu.wait_dma2 semaphore(%arg32 : memref<!tpu.dma_semaphore, #tpu.memory_space<semaphore_mem>>) src(%dma_wait3A_367 : memref<48xf32, #tpu.memory_space<hbm>>) dst(%arg21 : memref<48xf32, #tpu.memory_space<vmem>>)
      %dma_wait3A_368 = arith.constant 0 : i32
      %dma_wait3A_369 = arith.constant 0 : i32
      %dma_wait3A_370 = tpu.memref_slice %arg5[%dma_wait3A_368, %dma_wait3A_369] : memref<320000x16xf32, #tpu.memory_space<hbm>> -> memref<48x16xf32, #tpu.memory_space<hbm>>
      %dma_wait3A_371 = arith.constant 0 : i32
      %dma_wait3A_372 = arith.constant 0 : i32
      %dma_wait3A_373 = tpu.memref_slice %arg5[%dma_wait3A_371, %dma_wait3A_372] : memref<320000x16xf32, #tpu.memory_space<hbm>> -> memref<48x16xf32, #tpu.memory_space<hbm>>
      tpu.wait_dma2 semaphore(%arg32 : memref<!tpu.dma_semaphore, #tpu.memory_space<semaphore_mem>>) src(%dma_wait3A_373 : memref<48x16xf32, #tpu.memory_space<hbm>>) dst(%arg22 : memref<48x16xf32, #tpu.memory_space<vmem>>)
      %dma_start3A_374 = arith.constant 0 : i32
      %dma_start3A_375 = arith.constant 0 : i32
      %dma_start3A_376 = tpu.memref_slice %arg2[%dma_start3A_374, %dma_start3A_375] : memref<10000x128xf32, #tpu.memory_space<hbm>> -> memref<10000x128xf32, #tpu.memory_space<hbm>>
      tpu.enqueue_indirect_dma source(%dma_start3A_376 : memref<10000x128xf32, #tpu.memory_space<hbm>>) target(%arg23 : memref<48x128xf32, #tpu.memory_space<vmem>>) offsets(%arg20 : memref<48xi32, #tpu.memory_space<vmem>>) semaphore(%arg34 : memref<!tpu.dma_semaphore, #tpu.memory_space<semaphore_mem>>)
      %dma_start3A_377 = arith.constant 0 : i32
      %dma_start3A_378 = arith.constant 0 : i32
      %dma_start3A_379 = tpu.memref_slice %arg3[%dma_start3A_377, %dma_start3A_378] : memref<10000x128xf32, #tpu.memory_space<hbm>> -> memref<10000x128xf32, #tpu.memory_space<hbm>>
      tpu.enqueue_indirect_dma source(%dma_start3A_379 : memref<10000x128xf32, #tpu.memory_space<hbm>>) target(%arg24 : memref<48x128xf32, #tpu.memory_space<vmem>>) offsets(%arg19 : memref<48xi32, #tpu.memory_space<vmem>>) semaphore(%arg34 : memref<!tpu.dma_semaphore, #tpu.memory_space<semaphore_mem>>)
      %dma_start3A_380 = arith.constant 0 : i32
      %dma_start3A_381 = arith.constant 0 : i32
      %dma_start3A_382 = tpu.memref_slice %arg4[%dma_start3A_380, %dma_start3A_381] : memref<10000x128xf32, #tpu.memory_space<hbm>> -> memref<10000x128xf32, #tpu.memory_space<hbm>>
      tpu.enqueue_indirect_dma source(%dma_start3A_382 : memref<10000x128xf32, #tpu.memory_space<hbm>>) target(%arg25 : memref<48x128xf32, #tpu.memory_space<vmem>>) offsets(%arg19 : memref<48xi32, #tpu.memory_space<vmem>>) semaphore(%arg34 : memref<!tpu.dma_semaphore, #tpu.memory_space<semaphore_mem>>)
      %scan3A_383 = arith.constant 0 : i32
      %scan3A_384 = arith.constant 0 : i32
      %scan3A_385 = arith.constant 3 : i32
      %scan3A_386 = arith.addi %scan3A_384, %scan3A_385 : i32
      %scan3A_387 = arith.constant 1 : i32
      %scan3A_388 = scf.for %scan3A_487 = %scan3A_384 to %scan3A_386 step %scan3A_387 iter_args(%scan3A_488 = %scan3A_383) -> (i32)  : i32 {
        %mul3A_489 = arith.constant 16 : i32
        %mul3A_490 = arith.muli %scan3A_487, %mul3A_489 : i32
        %get3A_491 = arith.index_cast %mul3A_490 : i32 to index
        %get3A_492 = tpu.vector_load %arg14[%get3A_491] {strides = array<i32>} : memref<48xf32, #tpu.memory_space<vmem>>, vector<16xf32>,
        %scan3A_493 = arith.constant 0 : i32
        scf.yield %scan3A_493 : i32
      }
      %scan3A_389 = arith.constant 3 : i32
      %mul3A_390 = arith.constant 10000 : i32
      %mul3A_391 = arith.muli %add3A, %mul3A_390 : i32
      %mul3A_392 = arith.constant 48 : i32
      %mul3A_393 = arith.muli %mul3A_335, %mul3A_392 : i32
      %add3A_394 = arith.addi %mul3A_391, %mul3A_393 : i32
      "tpu.region"() ({
        %run_scoped3A = tpu.sem_alloc : memref<!tpu.dma_semaphore, #tpu.memory_space<semaphore_mem>>
        %dma_start3A_487 = arith.constant 0 : i32
        %dma_start3A_488 = arith.constant 0 : i32
        %dma_start3A_489 = tpu.memref_slice %arg29[%dma_start3A_487, %dma_start3A_488] : memref<10000x128xf32, #tpu.memory_space<vmem_shared>> -> memref<10000x128xf32, #tpu.memory_space<vmem_shared>>
        tpu.enqueue_indirect_dma source(%arg18 : memref<48x128xf32, #tpu.memory_space<vmem>>) target(%dma_start3A_489 : memref<10000x128xf32, #tpu.memory_space<vmem_shared>>) offsets(%arg13 : memref<48xi32, #tpu.memory_space<vmem>>) semaphore(%run_scoped3A : memref<!tpu.dma_semaphore, #tpu.memory_space<semaphore_mem>>) {add = true}
        %dma_wait3A_490 = arith.constant 0 : i32
        %dma_wait3A_491 = arith.constant 0 : i32
        %dma_wait3A_492 = tpu.memref_slice %arg29[%dma_wait3A_490, %dma_wait3A_491] : memref<10000x128xf32, #tpu.memory_space<vmem_shared>> -> memref<10000x128xf32, #tpu.memory_space<vmem_shared>>
        tpu.wait_indirect_dma semaphore(%run_scoped3A : memref<!tpu.dma_semaphore, #tpu.memory_space<semaphore_mem>>) src(%arg18 : memref<48x128xf32, #tpu.memory_space<vmem>>) dst(%dma_wait3A_492 : memref<10000x128xf32, #tpu.memory_space<vmem_shared>>)
        tpu.yield
      }) : () -> ()
      "tpu.region"() ({
        %run_scoped3A = tpu.sem_alloc : memref<!tpu.dma_semaphore, #tpu.memory_space<semaphore_mem>>
        %dma_start3A_487 = arith.constant 0 : i32
        %dma_start3A_488 = arith.constant 0 : i32
        %dma_start3A_489 = tpu.memref_slice %arg30[%dma_start3A_487, %dma_start3A_488] : memref<10000x8xf32, #tpu.memory_space<vmem_shared>> -> memref<10000x8xf32, #tpu.memory_space<vmem_shared>>
        tpu.enqueue_indirect_dma source(%arg28 : memref<48x8xf32, #tpu.memory_space<vmem>>) target(%dma_start3A_489 : memref<10000x8xf32, #tpu.memory_space<vmem_shared>>) offsets(%arg13 : memref<48xi32, #tpu.memory_space<vmem>>) semaphore(%run_scoped3A : memref<!tpu.dma_semaphore, #tpu.memory_space<semaphore_mem>>) {add = true}
        %dma_wait3A_490 = arith.constant 0 : i32
        %dma_wait3A_491 = arith.constant 0 : i32
        %dma_wait3A_492 = tpu.memref_slice %arg30[%dma_wait3A_490, %dma_wait3A_491] : memref<10000x8xf32, #tpu.memory_space<vmem_shared>> -> memref<10000x8xf32, #tpu.memory_space<vmem_shared>>
        tpu.wait_indirect_dma semaphore(%run_scoped3A : memref<!tpu.dma_semaphore, #tpu.memory_space<semaphore_mem>>) src(%arg28 : memref<48x8xf32, #tpu.memory_space<vmem>>) dst(%dma_wait3A_492 : memref<10000x8xf32, #tpu.memory_space<vmem_shared>>)
        tpu.yield
      }) : () -> ()
      "tpu.region"() ({
        %run_scoped3A = tpu.sem_alloc : memref<!tpu.dma_semaphore, #tpu.memory_space<semaphore_mem>>
        %dma_start3A_487 = arith.constant 0 : i32
        %dma_start3A_488 = tpu.memref_slice %arg9[%add3A_394, %dma_start3A_487] : memref<320000x8xf32, #tpu.memory_space<hbm>> -> memref<48x8xf32, #tpu.memory_space<hbm>>
        %dma_start3A_489 = arith.constant 0 : i32
        %dma_start3A_490 = tpu.memref_slice %arg9[%add3A_394, %dma_start3A_489] : memref<320000x8xf32, #tpu.memory_space<hbm>> -> memref<48x8xf32, #tpu.memory_space<hbm>>
        tpu.enqueue_dma source(%arg28 : memref<48x8xf32, #tpu.memory_space<vmem>>) target(%dma_start3A_490 : memref<48x8xf32, #tpu.memory_space<hbm>>) target_semaphore(%run_scoped3A : memref<!tpu.dma_semaphore, #tpu.memory_space<semaphore_mem>>)
        %dma_wait3A_491 = arith.constant 0 : i32
        %dma_wait3A_492 = tpu.memref_slice %arg9[%add3A_394, %dma_wait3A_491] : memref<320000x8xf32, #tpu.memory_space<hbm>> -> memref<48x8xf32, #tpu.memory_space<hbm>>
        %dma_wait3A_493 = arith.constant 0 : i32
        %dma_wait3A_494 = tpu.memref_slice %arg9[%add3A_394, %dma_wait3A_493] : memref<320000x8xf32, #tpu.memory_space<hbm>> -> memref<48x8xf32, #tpu.memory_space<hbm>>
        tpu.wait_dma2 semaphore(%run_scoped3A : memref<!tpu.dma_semaphore, #tpu.memory_space<semaphore_mem>>) src(%arg28 : memref<48x8xf32, #tpu.memory_space<vmem>>) dst(%dma_wait3A_494 : memref<48x8xf32, #tpu.memory_space<hbm>>)
        tpu.yield
      }) : () -> ()
      %add3A_395 = arith.constant 2 : i32
      %add3A_396 = arith.addi %mul3A_335, %add3A_395 : i32
      %mul3A_397 = arith.constant 10000 : i32
      %mul3A_398 = arith.muli %add3A, %mul3A_397 : i32
      %mul3A_399 = arith.constant 48 : i32
      %mul3A_400 = arith.muli %add3A_396, %mul3A_399 : i32
      %add3A_401 = arith.addi %mul3A_398, %mul3A_400 : i32
      %dma_start3A_402 = tpu.memref_slice %arg7[%add3A_401] : memref<320000xi32, #tpu.memory_space<hbm>> -> memref<48xi32, #tpu.memory_space<hbm>>
      %dma_start3A_403 = tpu.memref_slice %arg7[%add3A_401] : memref<320000xi32, #tpu.memory_space<hbm>> -> memref<48xi32, #tpu.memory_space<hbm>>
      tpu.enqueue_dma source(%dma_start3A_403 : memref<48xi32, #tpu.memory_space<hbm>>) target(%arg12 : memref<48xi32, #tpu.memory_space<vmem>>) target_semaphore(%arg31 : memref<!tpu.dma_semaphore, #tpu.memory_space<semaphore_mem>>)
      %dma_start3A_404 = tpu.memref_slice %arg8[%add3A_401] : memref<320000xi32, #tpu.memory_space<hbm>> -> memref<48xi32, #tpu.memory_space<hbm>>
      %dma_start3A_405 = tpu.memref_slice %arg8[%add3A_401] : memref<320000xi32, #tpu.memory_space<hbm>> -> memref<48xi32, #tpu.memory_space<hbm>>
      tpu.enqueue_dma source(%dma_start3A_405 : memref<48xi32, #tpu.memory_space<hbm>>) target(%arg13 : memref<48xi32, #tpu.memory_space<vmem>>) target_semaphore(%arg31 : memref<!tpu.dma_semaphore, #tpu.memory_space<semaphore_mem>>)
      %dma_start3A_406 = tpu.memref_slice %arg6[%add3A_401] : memref<320000xf32, #tpu.memory_space<hbm>> -> memref<48xf32, #tpu.memory_space<hbm>>
      %dma_start3A_407 = tpu.memref_slice %arg6[%add3A_401] : memref<320000xf32, #tpu.memory_space<hbm>> -> memref<48xf32, #tpu.memory_space<hbm>>
      tpu.enqueue_dma source(%dma_start3A_407 : memref<48xf32, #tpu.memory_space<hbm>>) target(%arg14 : memref<48xf32, #tpu.memory_space<vmem>>) target_semaphore(%arg31 : memref<!tpu.dma_semaphore, #tpu.memory_space<semaphore_mem>>)
      %dma_start3A_408 = arith.constant 0 : i32
      %dma_start3A_409 = tpu.memref_slice %arg5[%add3A_401, %dma_start3A_408] : memref<320000x16xf32, #tpu.memory_space<hbm>> -> memref<48x16xf32, #tpu.memory_space<hbm>>
      %dma_start3A_410 = arith.constant 0 : i32
      %dma_start3A_411 = tpu.memref_slice %arg5[%add3A_401, %dma_start3A_410] : memref<320000x16xf32, #tpu.memory_space<hbm>> -> memref<48x16xf32, #tpu.memory_space<hbm>>
      tpu.enqueue_dma source(%dma_start3A_411 : memref<48x16xf32, #tpu.memory_space<hbm>>) target(%arg15 : memref<48x16xf32, #tpu.memory_space<vmem>>) target_semaphore(%arg31 : memref<!tpu.dma_semaphore, #tpu.memory_space<semaphore_mem>>)
      %dma_wait3A_412 = arith.constant 0 : i32
      %dma_wait3A_413 = arith.constant 0 : i32
      %dma_wait3A_414 = tpu.memref_slice %arg2[%dma_wait3A_412, %dma_wait3A_413] : memref<10000x128xf32, #tpu.memory_space<hbm>> -> memref<48x128xf32, #tpu.memory_space<hbm>>
      %dma_wait3A_415 = arith.constant 0 : i32
      %dma_wait3A_416 = arith.constant 0 : i32
      %dma_wait3A_417 = tpu.memref_slice %arg2[%dma_wait3A_415, %dma_wait3A_416] : memref<10000x128xf32, #tpu.memory_space<hbm>> -> memref<48x128xf32, #tpu.memory_space<hbm>>
      tpu.wait_dma2 semaphore(%arg34 : memref<!tpu.dma_semaphore, #tpu.memory_space<semaphore_mem>>) src(%dma_wait3A_417 : memref<48x128xf32, #tpu.memory_space<hbm>>) dst(%arg23 : memref<48x128xf32, #tpu.memory_space<vmem>>)
      %dma_wait3A_418 = arith.constant 0 : i32
      %dma_wait3A_419 = arith.constant 0 : i32
      %dma_wait3A_420 = tpu.memref_slice %arg3[%dma_wait3A_418, %dma_wait3A_419] : memref<10000x128xf32, #tpu.memory_space<hbm>> -> memref<48x128xf32, #tpu.memory_space<hbm>>
      %dma_wait3A_421 = arith.constant 0 : i32
      %dma_wait3A_422 = arith.constant 0 : i32
      %dma_wait3A_423 = tpu.memref_slice %arg3[%dma_wait3A_421, %dma_wait3A_422] : memref<10000x128xf32, #tpu.memory_space<hbm>> -> memref<48x128xf32, #tpu.memory_space<hbm>>
      tpu.wait_dma2 semaphore(%arg34 : memref<!tpu.dma_semaphore, #tpu.memory_space<semaphore_mem>>) src(%dma_wait3A_423 : memref<48x128xf32, #tpu.memory_space<hbm>>) dst(%arg24 : memref<48x128xf32, #tpu.memory_space<vmem>>)
      %dma_wait3A_424 = arith.constant 0 : i32
      %dma_wait3A_425 = arith.constant 0 : i32
      %dma_wait3A_426 = tpu.memref_slice %arg4[%dma_wait3A_424, %dma_wait3A_425] : memref<10000x128xf32, #tpu.memory_space<hbm>> -> memref<48x128xf32, #tpu.memory_space<hbm>>
      %dma_wait3A_427 = arith.constant 0 : i32
      %dma_wait3A_428 = arith.constant 0 : i32
      %dma_wait3A_429 = tpu.memref_slice %arg4[%dma_wait3A_427, %dma_wait3A_428] : memref<10000x128xf32, #tpu.memory_space<hbm>> -> memref<48x128xf32, #tpu.memory_space<hbm>>
      tpu.wait_dma2 semaphore(%arg34 : memref<!tpu.dma_semaphore, #tpu.memory_space<semaphore_mem>>) src(%dma_wait3A_429 : memref<48x128xf32, #tpu.memory_space<hbm>>) dst(%arg25 : memref<48x128xf32, #tpu.memory_space<vmem>>)
      %dma_wait3A_430 = arith.constant 0 : i32
      %dma_wait3A_431 = tpu.memref_slice %arg7[%dma_wait3A_430] : memref<320000xi32, #tpu.memory_space<hbm>> -> memref<48xi32, #tpu.memory_space<hbm>>
      %dma_wait3A_432 = arith.constant 0 : i32
      %dma_wait3A_433 = tpu.memref_slice %arg7[%dma_wait3A_432] : memref<320000xi32, #tpu.memory_space<hbm>> -> memref<48xi32, #tpu.memory_space<hbm>>
      tpu.wait_dma2 semaphore(%arg31 : memref<!tpu.dma_semaphore, #tpu.memory_space<semaphore_mem>>) src(%dma_wait3A_433 : memref<48xi32, #tpu.memory_space<hbm>>) dst(%arg12 : memref<48xi32, #tpu.memory_space<vmem>>)
      %dma_wait3A_434 = arith.constant 0 : i32
      %dma_wait3A_435 = tpu.memref_slice %arg8[%dma_wait3A_434] : memref<320000xi32, #tpu.memory_space<hbm>> -> memref<48xi32, #tpu.memory_space<hbm>>
      %dma_wait3A_436 = arith.constant 0 : i32
      %dma_wait3A_437 = tpu.memref_slice %arg8[%dma_wait3A_436] : memref<320000xi32, #tpu.memory_space<hbm>> -> memref<48xi32, #tpu.memory_space<hbm>>
      tpu.wait_dma2 semaphore(%arg31 : memref<!tpu.dma_semaphore, #tpu.memory_space<semaphore_mem>>) src(%dma_wait3A_437 : memref<48xi32, #tpu.memory_space<hbm>>) dst(%arg13 : memref<48xi32, #tpu.memory_space<vmem>>)
      %dma_wait3A_438 = arith.constant 0 : i32
      %dma_wait3A_439 = tpu.memref_slice %arg6[%dma_wait3A_438] : memref<320000xf32, #tpu.memory_space<hbm>> -> memref<48xf32, #tpu.memory_space<hbm>>
      %dma_wait3A_440 = arith.constant 0 : i32
      %dma_wait3A_441 = tpu.memref_slice %arg6[%dma_wait3A_440] : memref<320000xf32, #tpu.memory_space<hbm>> -> memref<48xf32, #tpu.memory_space<hbm>>
      tpu.wait_dma2 semaphore(%arg31 : memref<!tpu.dma_semaphore, #tpu.memory_space<semaphore_mem>>) src(%dma_wait3A_441 : memref<48xf32, #tpu.memory_space<hbm>>) dst(%arg14 : memref<48xf32, #tpu.memory_space<vmem>>)
      %dma_wait3A_442 = arith.constant 0 : i32
      %dma_wait3A_443 = arith.constant 0 : i32
      %dma_wait3A_444 = tpu.memref_slice %arg5[%dma_wait3A_442, %dma_wait3A_443] : memref<320000x16xf32, #tpu.memory_space<hbm>> -> memref<48x16xf32, #tpu.memory_space<hbm>>
      %dma_wait3A_445 = arith.constant 0 : i32
      %dma_wait3A_446 = arith.constant 0 : i32
      %dma_wait3A_447 = tpu.memref_slice %arg5[%dma_wait3A_445, %dma_wait3A_446] : memref<320000x16xf32, #tpu.memory_space<hbm>> -> memref<48x16xf32, #tpu.memory_space<hbm>>
      tpu.wait_dma2 semaphore(%arg31 : memref<!tpu.dma_semaphore, #tpu.memory_space<semaphore_mem>>) src(%dma_wait3A_447 : memref<48x16xf32, #tpu.memory_space<hbm>>) dst(%arg15 : memref<48x16xf32, #tpu.memory_space<vmem>>)
      %dma_start3A_448 = arith.constant 0 : i32
      %dma_start3A_449 = arith.constant 0 : i32
      %dma_start3A_450 = tpu.memref_slice %arg2[%dma_start3A_448, %dma_start3A_449] : memref<10000x128xf32, #tpu.memory_space<hbm>> -> memref<10000x128xf32, #tpu.memory_space<hbm>>
      tpu.enqueue_indirect_dma source(%dma_start3A_450 : memref<10000x128xf32, #tpu.memory_space<hbm>>) target(%arg16 : memref<48x128xf32, #tpu.memory_space<vmem>>) offsets(%arg13 : memref<48xi32, #tpu.memory_space<vmem>>) semaphore(%arg33 : memref<!tpu.dma_semaphore, #tpu.memory_space<semaphore_mem>>)
      %dma_start3A_451 = arith.constant 0 : i32
      %dma_start3A_452 = arith.constant 0 : i32
      %dma_start3A_453 = tpu.memref_slice %arg3[%dma_start3A_451, %dma_start3A_452] : memref<10000x128xf32, #tpu.memory_space<hbm>> -> memref<10000x128xf32, #tpu.memory_space<hbm>>
      tpu.enqueue_indirect_dma source(%dma_start3A_453 : memref<10000x128xf32, #tpu.memory_space<hbm>>) target(%arg17 : memref<48x128xf32, #tpu.memory_space<vmem>>) offsets(%arg12 : memref<48xi32, #tpu.memory_space<vmem>>) semaphore(%arg33 : memref<!tpu.dma_semaphore, #tpu.memory_space<semaphore_mem>>)
      %dma_start3A_454 = arith.constant 0 : i32
      %dma_start3A_455 = arith.constant 0 : i32
      %dma_start3A_456 = tpu.memref_slice %arg4[%dma_start3A_454, %dma_start3A_455] : memref<10000x128xf32, #tpu.memory_space<hbm>> -> memref<10000x128xf32, #tpu.memory_space<hbm>>
      tpu.enqueue_indirect_dma source(%dma_start3A_456 : memref<10000x128xf32, #tpu.memory_space<hbm>>) target(%arg18 : memref<48x128xf32, #tpu.memory_space<vmem>>) offsets(%arg12 : memref<48xi32, #tpu.memory_space<vmem>>) semaphore(%arg33 : memref<!tpu.dma_semaphore, #tpu.memory_space<semaphore_mem>>)
      %scan3A_457 = arith.constant 0 : i32
      %scan3A_458 = arith.constant 0 : i32
      %scan3A_459 = arith.constant 3 : i32
      %scan3A_460 = arith.addi %scan3A_458, %scan3A_459 : i32
      %scan3A_461 = arith.constant 1 : i32
      %scan3A_462 = scf.for %scan3A_487 = %scan3A_458 to %scan3A_460 step %scan3A_461 iter_args(%scan3A_488 = %scan3A_457) -> (i32)  : i32 {
        %mul3A_489 = arith.constant 16 : i32
        %mul3A_490 = arith.muli %scan3A_487, %mul3A_489 : i32
        %get3A_491 = arith.index_cast %mul3A_490 : i32 to index
        %get3A_492 = tpu.vector_load %arg21[%get3A_491] {strides = array<i32>} : memref<48xf32, #tpu.memory_space<vmem>>, vector<16xf32>,
        %scan3A_493 = arith.constant 0 : i32
        scf.yield %scan3A_493 : i32
      }
      %scan3A_463 = arith.constant 3 : i32
      %mul3A_464 = arith.constant 10000 : i32
      %mul3A_465 = arith.muli %add3A, %mul3A_464 : i32
      %mul3A_466 = arith.constant 48 : i32
      %mul3A_467 = arith.muli %add3A_337, %mul3A_466 : i32
      %add3A_468 = arith.addi %mul3A_465, %mul3A_467 : i32
      "tpu.region"() ({
        %run_scoped3A = tpu.sem_alloc : memref<!tpu.dma_semaphore, #tpu.memory_space<semaphore_mem>>
        %dma_start3A_487 = arith.constant 0 : i32
        %dma_start3A_488 = arith.constant 0 : i32
        %dma_start3A_489 = tpu.memref_slice %arg29[%dma_start3A_487, %dma_start3A_488] : memref<10000x128xf32, #tpu.memory_space<vmem_shared>> -> memref<10000x128xf32, #tpu.memory_space<vmem_shared>>
        tpu.enqueue_indirect_dma source(%arg25 : memref<48x128xf32, #tpu.memory_space<vmem>>) target(%dma_start3A_489 : memref<10000x128xf32, #tpu.memory_space<vmem_shared>>) offsets(%arg20 : memref<48xi32, #tpu.memory_space<vmem>>) semaphore(%run_scoped3A : memref<!tpu.dma_semaphore, #tpu.memory_space<semaphore_mem>>) {add = true}
        %dma_wait3A_490 = arith.constant 0 : i32
        %dma_wait3A_491 = arith.constant 0 : i32
        %dma_wait3A_492 = tpu.memref_slice %arg29[%dma_wait3A_490, %dma_wait3A_491] : memref<10000x128xf32, #tpu.memory_space<vmem_shared>> -> memref<10000x128xf32, #tpu.memory_space<vmem_shared>>
        tpu.wait_indirect_dma semaphore(%run_scoped3A : memref<!tpu.dma_semaphore, #tpu.memory_space<semaphore_mem>>) src(%arg25 : memref<48x128xf32, #tpu.memory_space<vmem>>) dst(%dma_wait3A_492 : memref<10000x128xf32, #tpu.memory_space<vmem_shared>>)
        tpu.yield
      }) : () -> ()
      "tpu.region"() ({
        %run_scoped3A = tpu.sem_alloc : memref<!tpu.dma_semaphore, #tpu.memory_space<semaphore_mem>>
        %dma_start3A_487 = arith.constant 0 : i32
        %dma_start3A_488 = arith.constant 0 : i32
        %dma_start3A_489 = tpu.memref_slice %arg30[%dma_start3A_487, %dma_start3A_488] : memref<10000x8xf32, #tpu.memory_space<vmem_shared>> -> memref<10000x8xf32, #tpu.memory_space<vmem_shared>>
        tpu.enqueue_indirect_dma source(%arg28 : memref<48x8xf32, #tpu.memory_space<vmem>>) target(%dma_start3A_489 : memref<10000x8xf32, #tpu.memory_space<vmem_shared>>) offsets(%arg20 : memref<48xi32, #tpu.memory_space<vmem>>) semaphore(%run_scoped3A : memref<!tpu.dma_semaphore, #tpu.memory_space<semaphore_mem>>) {add = true}
        %dma_wait3A_490 = arith.constant 0 : i32
        %dma_wait3A_491 = arith.constant 0 : i32
        %dma_wait3A_492 = tpu.memref_slice %arg30[%dma_wait3A_490, %dma_wait3A_491] : memref<10000x8xf32, #tpu.memory_space<vmem_shared>> -> memref<10000x8xf32, #tpu.memory_space<vmem_shared>>
        tpu.wait_indirect_dma semaphore(%run_scoped3A : memref<!tpu.dma_semaphore, #tpu.memory_space<semaphore_mem>>) src(%arg28 : memref<48x8xf32, #tpu.memory_space<vmem>>) dst(%dma_wait3A_492 : memref<10000x8xf32, #tpu.memory_space<vmem_shared>>)
        tpu.yield
      }) : () -> ()
      "tpu.region"() ({
        %run_scoped3A = tpu.sem_alloc : memref<!tpu.dma_semaphore, #tpu.memory_space<semaphore_mem>>
        %dma_start3A_487 = arith.constant 0 : i32
        %dma_start3A_488 = tpu.memref_slice %arg9[%add3A_468, %dma_start3A_487] : memref<320000x8xf32, #tpu.memory_space<hbm>> -> memref<48x8xf32, #tpu.memory_space<hbm>>
        %dma_start3A_489 = arith.constant 0 : i32
        %dma_start3A_490 = tpu.memref_slice %arg9[%add3A_468, %dma_start3A_489] : memref<320000x8xf32, #tpu.memory_space<hbm>> -> memref<48x8xf32, #tpu.memory_space<hbm>>
        tpu.enqueue_dma source(%arg28 : memref<48x8xf32, #tpu.memory_space<vmem>>) target(%dma_start3A_490 : memref<48x8xf32, #tpu.memory_space<hbm>>) target_semaphore(%run_scoped3A : memref<!tpu.dma_semaphore, #tpu.memory_space<semaphore_mem>>)
        %dma_wait3A_491 = arith.constant 0 : i32
        %dma_wait3A_492 = tpu.memref_slice %arg9[%add3A_468, %dma_wait3A_491] : memref<320000x8xf32, #tpu.memory_space<hbm>> -> memref<48x8xf32, #tpu.memory_space<hbm>>
        %dma_wait3A_493 = arith.constant 0 : i32
        %dma_wait3A_494 = tpu.memref_slice %arg9[%add3A_468, %dma_wait3A_493] : memref<320000x8xf32, #tpu.memory_space<hbm>> -> memref<48x8xf32, #tpu.memory_space<hbm>>
        tpu.wait_dma2 semaphore(%run_scoped3A : memref<!tpu.dma_semaphore, #tpu.memory_space<semaphore_mem>>) src(%arg28 : memref<48x8xf32, #tpu.memory_space<vmem>>) dst(%dma_wait3A_494 : memref<48x8xf32, #tpu.memory_space<hbm>>)
        tpu.yield
      }) : () -> ()
      %add3A_469 = arith.constant 2 : i32
      %add3A_470 = arith.addi %add3A_337, %add3A_469 : i32
      %mul3A_471 = arith.constant 10000 : i32
      %mul3A_472 = arith.muli %add3A, %mul3A_471 : i32
      %mul3A_473 = arith.constant 48 : i32
      %mul3A_474 = arith.muli %add3A_470, %mul3A_473 : i32
      %add3A_475 = arith.addi %mul3A_472, %mul3A_474 : i32
      %dma_start3A_476 = tpu.memref_slice %arg7[%add3A_475] : memref<320000xi32, #tpu.memory_space<hbm>> -> memref<48xi32, #tpu.memory_space<hbm>>
      %dma_start3A_477 = tpu.memref_slice %arg7[%add3A_475] : memref<320000xi32, #tpu.memory_space<hbm>> -> memref<48xi32, #tpu.memory_space<hbm>>
      tpu.enqueue_dma source(%dma_start3A_477 : memref<48xi32, #tpu.memory_space<hbm>>) target(%arg19 : memref<48xi32, #tpu.memory_space<vmem>>) target_semaphore(%arg32 : memref<!tpu.dma_semaphore, #tpu.memory_space<semaphore_mem>>)
      %dma_start3A_478 = tpu.memref_slice %arg8[%add3A_475] : memref<320000xi32, #tpu.memory_space<hbm>> -> memref<48xi32, #tpu.memory_space<hbm>>
      %dma_start3A_479 = tpu.memref_slice %arg8[%add3A_475] : memref<320000xi32, #tpu.memory_space<hbm>> -> memref<48xi32, #tpu.memory_space<hbm>>
      tpu.enqueue_dma source(%dma_start3A_479 : memref<48xi32, #tpu.memory_space<hbm>>) target(%arg20 : memref<48xi32, #tpu.memory_space<vmem>>) target_semaphore(%arg32 : memref<!tpu.dma_semaphore, #tpu.memory_space<semaphore_mem>>)
      %dma_start3A_480 = tpu.memref_slice %arg6[%add3A_475] : memref<320000xf32, #tpu.memory_space<hbm>> -> memref<48xf32, #tpu.memory_space<hbm>>
      %dma_start3A_481 = tpu.memref_slice %arg6[%add3A_475] : memref<320000xf32, #tpu.memory_space<hbm>> -> memref<48xf32, #tpu.memory_space<hbm>>
      tpu.enqueue_dma source(%dma_start3A_481 : memref<48xf32, #tpu.memory_space<hbm>>) target(%arg21 : memref<48xf32, #tpu.memory_space<vmem>>) target_semaphore(%arg32 : memref<!tpu.dma_semaphore, #tpu.memory_space<semaphore_mem>>)
      %dma_start3A_482 = arith.constant 0 : i32
      %dma_start3A_483 = tpu.memref_slice %arg5[%add3A_475, %dma_start3A_482] : memref<320000x16xf32, #tpu.memory_space<hbm>> -> memref<48x16xf32, #tpu.memory_space<hbm>>
      %dma_start3A_484 = arith.constant 0 : i32
      %dma_start3A_485 = tpu.memref_slice %arg5[%add3A_475, %dma_start3A_484] : memref<320000x16xf32, #tpu.memory_space<hbm>> -> memref<48x16xf32, #tpu.memory_space<hbm>>
      tpu.enqueue_dma source(%dma_start3A_485 : memref<48x16xf32, #tpu.memory_space<hbm>>) target(%arg22 : memref<48x16xf32, #tpu.memory_space<vmem>>) target_semaphore(%arg32 : memref<!tpu.dma_semaphore, #tpu.memory_space<semaphore_mem>>)
      %scan3A_486 = arith.constant 0 : i32
      scf.yield %scan3A_486 : i32
    }
    %scan3A_234 = arith.constant 103 : i32
    %dma_wait3A_235 = arith.constant 0 : i32
    %dma_wait3A_236 = arith.constant 0 : i32
    %dma_wait3A_237 = tpu.memref_slice %arg2[%dma_wait3A_235, %dma_wait3A_236] : memref<10000x128xf32, #tpu.memory_space<hbm>> -> memref<48x128xf32, #tpu.memory_space<hbm>>
    %dma_wait3A_238 = arith.constant 0 : i32
    %dma_wait3A_239 = arith.constant 0 : i32
    %dma_wait3A_240 = tpu.memref_slice %arg2[%dma_wait3A_238, %dma_wait3A_239] : memref<10000x128xf32, #tpu.memory_space<hbm>> -> memref<48x128xf32, #tpu.memory_space<hbm>>
    tpu.wait_dma2 semaphore(%arg33 : memref<!tpu.dma_semaphore, #tpu.memory_space<semaphore_mem>>) src(%dma_wait3A_240 : memref<48x128xf32, #tpu.memory_space<hbm>>) dst(%arg16 : memref<48x128xf32, #tpu.memory_space<vmem>>)
    %dma_wait3A_241 = arith.constant 0 : i32
    %dma_wait3A_242 = arith.constant 0 : i32
    %dma_wait3A_243 = tpu.memref_slice %arg3[%dma_wait3A_241, %dma_wait3A_242] : memref<10000x128xf32, #tpu.memory_space<hbm>> -> memref<48x128xf32, #tpu.memory_space<hbm>>
    %dma_wait3A_244 = arith.constant 0 : i32
    %dma_wait3A_245 = arith.constant 0 : i32
    %dma_wait3A_246 = tpu.memref_slice %arg3[%dma_wait3A_244, %dma_wait3A_245] : memref<10000x128xf32, #tpu.memory_space<hbm>> -> memref<48x128xf32, #tpu.memory_space<hbm>>
    tpu.wait_dma2 semaphore(%arg33 : memref<!tpu.dma_semaphore, #tpu.memory_space<semaphore_mem>>) src(%dma_wait3A_246 : memref<48x128xf32, #tpu.memory_space<hbm>>) dst(%arg17 : memref<48x128xf32, #tpu.memory_space<vmem>>)
    %dma_wait3A_247 = arith.constant 0 : i32
    %dma_wait3A_248 = arith.constant 0 : i32
    %dma_wait3A_249 = tpu.memref_slice %arg4[%dma_wait3A_247, %dma_wait3A_248] : memref<10000x128xf32, #tpu.memory_space<hbm>> -> memref<48x128xf32, #tpu.memory_space<hbm>>
    %dma_wait3A_250 = arith.constant 0 : i32
    %dma_wait3A_251 = arith.constant 0 : i32
    %dma_wait3A_252 = tpu.memref_slice %arg4[%dma_wait3A_250, %dma_wait3A_251] : memref<10000x128xf32, #tpu.memory_space<hbm>> -> memref<48x128xf32, #tpu.memory_space<hbm>>
    tpu.wait_dma2 semaphore(%arg33 : memref<!tpu.dma_semaphore, #tpu.memory_space<semaphore_mem>>) src(%dma_wait3A_252 : memref<48x128xf32, #tpu.memory_space<hbm>>) dst(%arg18 : memref<48x128xf32, #tpu.memory_space<vmem>>)
    %dma_wait3A_253 = arith.constant 0 : i32
    %dma_wait3A_254 = tpu.memref_slice %arg7[%dma_wait3A_253] : memref<320000xi32, #tpu.memory_space<hbm>> -> memref<48xi32, #tpu.memory_space<hbm>>
    %dma_wait3A_255 = arith.constant 0 : i32
    %dma_wait3A_256 = tpu.memref_slice %arg7[%dma_wait3A_255] : memref<320000xi32, #tpu.memory_space<hbm>> -> memref<48xi32, #tpu.memory_space<hbm>>
    tpu.wait_dma2 semaphore(%arg32 : memref<!tpu.dma_semaphore, #tpu.memory_space<semaphore_mem>>) src(%dma_wait3A_256 : memref<48xi32, #tpu.memory_space<hbm>>) dst(%arg19 : memref<48xi32, #tpu.memory_space<vmem>>)
    %dma_wait3A_257 = arith.constant 0 : i32
    %dma_wait3A_258 = tpu.memref_slice %arg8[%dma_wait3A_257] : memref<320000xi32, #tpu.memory_space<hbm>> -> memref<48xi32, #tpu.memory_space<hbm>>
    %dma_wait3A_259 = arith.constant 0 : i32
    %dma_wait3A_260 = tpu.memref_slice %arg8[%dma_wait3A_259] : memref<320000xi32, #tpu.memory_space<hbm>> -> memref<48xi32, #tpu.memory_space<hbm>>
    tpu.wait_dma2 semaphore(%arg32 : memref<!tpu.dma_semaphore, #tpu.memory_space<semaphore_mem>>) src(%dma_wait3A_260 : memref<48xi32, #tpu.memory_space<hbm>>) dst(%arg20 : memref<48xi32, #tpu.memory_space<vmem>>)
    %dma_wait3A_261 = arith.constant 0 : i32
    %dma_wait3A_262 = tpu.memref_slice %arg6[%dma_wait3A_261] : memref<320000xf32, #tpu.memory_space<hbm>> -> memref<48xf32, #tpu.memory_space<hbm>>
    %dma_wait3A_263 = arith.constant 0 : i32
    %dma_wait3A_264 = tpu.memref_slice %arg6[%dma_wait3A_263] : memref<320000xf32, #tpu.memory_space<hbm>> -> memref<48xf32, #tpu.memory_space<hbm>>
    tpu.wait_dma2 semaphore(%arg32 : memref<!tpu.dma_semaphore, #tpu.memory_space<semaphore_mem>>) src(%dma_wait3A_264 : memref<48xf32, #tpu.memory_space<hbm>>) dst(%arg21 : memref<48xf32, #tpu.memory_space<vmem>>)
    %dma_wait3A_265 = arith.constant 0 : i32
    %dma_wait3A_266 = arith.constant 0 : i32
    %dma_wait3A_267 = tpu.memref_slice %arg5[%dma_wait3A_265, %dma_wait3A_266] : memref<320000x16xf32, #tpu.memory_space<hbm>> -> memref<48x16xf32, #tpu.memory_space<hbm>>
    %dma_wait3A_268 = arith.constant 0 : i32
    %dma_wait3A_269 = arith.constant 0 : i32
    %dma_wait3A_270 = tpu.memref_slice %arg5[%dma_wait3A_268, %dma_wait3A_269] : memref<320000x16xf32, #tpu.memory_space<hbm>> -> memref<48x16xf32, #tpu.memory_space<hbm>>
    tpu.wait_dma2 semaphore(%arg32 : memref<!tpu.dma_semaphore, #tpu.memory_space<semaphore_mem>>) src(%dma_wait3A_270 : memref<48x16xf32, #tpu.memory_space<hbm>>) dst(%arg22 : memref<48x16xf32, #tpu.memory_space<vmem>>)
    %dma_start3A_271 = arith.constant 0 : i32
    %dma_start3A_272 = arith.constant 0 : i32
    %dma_start3A_273 = tpu.memref_slice %arg2[%dma_start3A_271, %dma_start3A_272] : memref<10000x128xf32, #tpu.memory_space<hbm>> -> memref<10000x128xf32, #tpu.memory_space<hbm>>
    tpu.enqueue_indirect_dma source(%dma_start3A_273 : memref<10000x128xf32, #tpu.memory_space<hbm>>) target(%arg23 : memref<48x128xf32, #tpu.memory_space<vmem>>) offsets(%arg20 : memref<48xi32, #tpu.memory_space<vmem>>) semaphore(%arg34 : memref<!tpu.dma_semaphore, #tpu.memory_space<semaphore_mem>>)
    %dma_start3A_274 = arith.constant 0 : i32
    %dma_start3A_275 = arith.constant 0 : i32
    %dma_start3A_276 = tpu.memref_slice %arg3[%dma_start3A_274, %dma_start3A_275] : memref<10000x128xf32, #tpu.memory_space<hbm>> -> memref<10000x128xf32, #tpu.memory_space<hbm>>
    tpu.enqueue_indirect_dma source(%dma_start3A_276 : memref<10000x128xf32, #tpu.memory_space<hbm>>) target(%arg24 : memref<48x128xf32, #tpu.memory_space<vmem>>) offsets(%arg19 : memref<48xi32, #tpu.memory_space<vmem>>) semaphore(%arg34 : memref<!tpu.dma_semaphore, #tpu.memory_space<semaphore_mem>>)
    %dma_start3A_277 = arith.constant 0 : i32
    %dma_start3A_278 = arith.constant 0 : i32
    %dma_start3A_279 = tpu.memref_slice %arg4[%dma_start3A_277, %dma_start3A_278] : memref<10000x128xf32, #tpu.memory_space<hbm>> -> memref<10000x128xf32, #tpu.memory_space<hbm>>
    tpu.enqueue_indirect_dma source(%dma_start3A_279 : memref<10000x128xf32, #tpu.memory_space<hbm>>) target(%arg25 : memref<48x128xf32, #tpu.memory_space<vmem>>) offsets(%arg19 : memref<48xi32, #tpu.memory_space<vmem>>) semaphore(%arg34 : memref<!tpu.dma_semaphore, #tpu.memory_space<semaphore_mem>>)
    %scan3A_280 = arith.constant 0 : i32
    %scan3A_281 = arith.constant 0 : i32
    %scan3A_282 = arith.constant 3 : i32
    %scan3A_283 = arith.addi %scan3A_281, %scan3A_282 : i32
    %scan3A_284 = arith.constant 1 : i32
    %scan3A_285 = scf.for %scan3A_332 = %scan3A_281 to %scan3A_283 step %scan3A_284 iter_args(%scan3A_333 = %scan3A_280) -> (i32)  : i32 {
      %mul3A_334 = arith.constant 16 : i32
      %mul3A_335 = arith.muli %scan3A_332, %mul3A_334 : i32
      %get3A_336 = arith.index_cast %mul3A_335 : i32 to index
      %get3A_337 = tpu.vector_load %arg14[%get3A_336] {strides = array<i32>} : memref<48xf32, #tpu.memory_space<vmem>>, vector<16xf32>,
      %scan3A_338 = arith.constant 0 : i32
      scf.yield %scan3A_338 : i32
    }
    %scan3A_286 = arith.constant 3 : i32
    %mul3A_287 = arith.constant 10000 : i32
    %mul3A_288 = arith.muli %add3A, %mul3A_287 : i32
    %add3A_289 = arith.constant 9888 : i32
    %add3A_290 = arith.addi %mul3A_288, %add3A_289 : i32
    "tpu.region"() ({
      %run_scoped3A = tpu.sem_alloc : memref<!tpu.dma_semaphore, #tpu.memory_space<semaphore_mem>>
      %dma_start3A_332 = arith.constant 0 : i32
      %dma_start3A_333 = arith.constant 0 : i32
      %dma_start3A_334 = tpu.memref_slice %arg29[%dma_start3A_332, %dma_start3A_333] : memref<10000x128xf32, #tpu.memory_space<vmem_shared>> -> memref<10000x128xf32, #tpu.memory_space<vmem_shared>>
      tpu.enqueue_indirect_dma source(%arg18 : memref<48x128xf32, #tpu.memory_space<vmem>>) target(%dma_start3A_334 : memref<10000x128xf32, #tpu.memory_space<vmem_shared>>) offsets(%arg13 : memref<48xi32, #tpu.memory_space<vmem>>) semaphore(%run_scoped3A : memref<!tpu.dma_semaphore, #tpu.memory_space<semaphore_mem>>) {add = true}
      %dma_wait3A_335 = arith.constant 0 : i32
      %dma_wait3A_336 = arith.constant 0 : i32
      %dma_wait3A_337 = tpu.memref_slice %arg29[%dma_wait3A_335, %dma_wait3A_336] : memref<10000x128xf32, #tpu.memory_space<vmem_shared>> -> memref<10000x128xf32, #tpu.memory_space<vmem_shared>>
      tpu.wait_indirect_dma semaphore(%run_scoped3A : memref<!tpu.dma_semaphore, #tpu.memory_space<semaphore_mem>>) src(%arg18 : memref<48x128xf32, #tpu.memory_space<vmem>>) dst(%dma_wait3A_337 : memref<10000x128xf32, #tpu.memory_space<vmem_shared>>)
      tpu.yield
    }) : () -> ()
    "tpu.region"() ({
      %run_scoped3A = tpu.sem_alloc : memref<!tpu.dma_semaphore, #tpu.memory_space<semaphore_mem>>
      %dma_start3A_332 = arith.constant 0 : i32
      %dma_start3A_333 = arith.constant 0 : i32
      %dma_start3A_334 = tpu.memref_slice %arg30[%dma_start3A_332, %dma_start3A_333] : memref<10000x8xf32, #tpu.memory_space<vmem_shared>> -> memref<10000x8xf32, #tpu.memory_space<vmem_shared>>
      tpu.enqueue_indirect_dma source(%arg28 : memref<48x8xf32, #tpu.memory_space<vmem>>) target(%dma_start3A_334 : memref<10000x8xf32, #tpu.memory_space<vmem_shared>>) offsets(%arg13 : memref<48xi32, #tpu.memory_space<vmem>>) semaphore(%run_scoped3A : memref<!tpu.dma_semaphore, #tpu.memory_space<semaphore_mem>>) {add = true}
      %dma_wait3A_335 = arith.constant 0 : i32
      %dma_wait3A_336 = arith.constant 0 : i32
      %dma_wait3A_337 = tpu.memref_slice %arg30[%dma_wait3A_335, %dma_wait3A_336] : memref<10000x8xf32, #tpu.memory_space<vmem_shared>> -> memref<10000x8xf32, #tpu.memory_space<vmem_shared>>
      tpu.wait_indirect_dma semaphore(%run_scoped3A : memref<!tpu.dma_semaphore, #tpu.memory_space<semaphore_mem>>) src(%arg28 : memref<48x8xf32, #tpu.memory_space<vmem>>) dst(%dma_wait3A_337 : memref<10000x8xf32, #tpu.memory_space<vmem_shared>>)
      tpu.yield
    }) : () -> ()
    "tpu.region"() ({
      %run_scoped3A = tpu.sem_alloc : memref<!tpu.dma_semaphore, #tpu.memory_space<semaphore_mem>>
      %dma_start3A_332 = arith.constant 0 : i32
      %dma_start3A_333 = tpu.memref_slice %arg9[%add3A_290, %dma_start3A_332] : memref<320000x8xf32, #tpu.memory_space<hbm>> -> memref<48x8xf32, #tpu.memory_space<hbm>>
      %dma_start3A_334 = arith.constant 0 : i32
      %dma_start3A_335 = tpu.memref_slice %arg9[%add3A_290, %dma_start3A_334] : memref<320000x8xf32, #tpu.memory_space<hbm>> -> memref<48x8xf32, #tpu.memory_space<hbm>>
      tpu.enqueue_dma source(%arg28 : memref<48x8xf32, #tpu.memory_space<vmem>>) target(%dma_start3A_335 : memref<48x8xf32, #tpu.memory_space<hbm>>) target_semaphore(%run_scoped3A : memref<!tpu.dma_semaphore, #tpu.memory_space<semaphore_mem>>)
      %dma_wait3A_336 = arith.constant 0 : i32
      %dma_wait3A_337 = tpu.memref_slice %arg9[%add3A_290, %dma_wait3A_336] : memref<320000x8xf32, #tpu.memory_space<hbm>> -> memref<48x8xf32, #tpu.memory_space<hbm>>
      %dma_wait3A_338 = arith.constant 0 : i32
      %dma_wait3A_339 = tpu.memref_slice %arg9[%add3A_290, %dma_wait3A_338] : memref<320000x8xf32, #tpu.memory_space<hbm>> -> memref<48x8xf32, #tpu.memory_space<hbm>>
      tpu.wait_dma2 semaphore(%run_scoped3A : memref<!tpu.dma_semaphore, #tpu.memory_space<semaphore_mem>>) src(%arg28 : memref<48x8xf32, #tpu.memory_space<vmem>>) dst(%dma_wait3A_339 : memref<48x8xf32, #tpu.memory_space<hbm>>)
      tpu.yield
    }) : () -> ()
    %dma_wait3A_291 = arith.constant 0 : i32
    %dma_wait3A_292 = arith.constant 0 : i32
    %dma_wait3A_293 = tpu.memref_slice %arg2[%dma_wait3A_291, %dma_wait3A_292] : memref<10000x128xf32, #tpu.memory_space<hbm>> -> memref<48x128xf32, #tpu.memory_space<hbm>>
    %dma_wait3A_294 = arith.constant 0 : i32
    %dma_wait3A_295 = arith.constant 0 : i32
    %dma_wait3A_296 = tpu.memref_slice %arg2[%dma_wait3A_294, %dma_wait3A_295] : memref<10000x128xf32, #tpu.memory_space<hbm>> -> memref<48x128xf32, #tpu.memory_space<hbm>>
    tpu.wait_dma2 semaphore(%arg34 : memref<!tpu.dma_semaphore, #tpu.memory_space<semaphore_mem>>) src(%dma_wait3A_296 : memref<48x128xf32, #tpu.memory_space<hbm>>) dst(%arg23 : memref<48x128xf32, #tpu.memory_space<vmem>>)
    %dma_wait3A_297 = arith.constant 0 : i32
    %dma_wait3A_298 = arith.constant 0 : i32
    %dma_wait3A_299 = tpu.memref_slice %arg3[%dma_wait3A_297, %dma_wait3A_298] : memref<10000x128xf32, #tpu.memory_space<hbm>> -> memref<48x128xf32, #tpu.memory_space<hbm>>
    %dma_wait3A_300 = arith.constant 0 : i32
    %dma_wait3A_301 = arith.constant 0 : i32
    %dma_wait3A_302 = tpu.memref_slice %arg3[%dma_wait3A_300, %dma_wait3A_301] : memref<10000x128xf32, #tpu.memory_space<hbm>> -> memref<48x128xf32, #tpu.memory_space<hbm>>
    tpu.wait_dma2 semaphore(%arg34 : memref<!tpu.dma_semaphore, #tpu.memory_space<semaphore_mem>>) src(%dma_wait3A_302 : memref<48x128xf32, #tpu.memory_space<hbm>>) dst(%arg24 : memref<48x128xf32, #tpu.memory_space<vmem>>)
    %dma_wait3A_303 = arith.constant 0 : i32
    %dma_wait3A_304 = arith.constant 0 : i32
    %dma_wait3A_305 = tpu.memref_slice %arg4[%dma_wait3A_303, %dma_wait3A_304] : memref<10000x128xf32, #tpu.memory_space<hbm>> -> memref<48x128xf32, #tpu.memory_space<hbm>>
    %dma_wait3A_306 = arith.constant 0 : i32
    %dma_wait3A_307 = arith.constant 0 : i32
    %dma_wait3A_308 = tpu.memref_slice %arg4[%dma_wait3A_306, %dma_wait3A_307] : memref<10000x128xf32, #tpu.memory_space<hbm>> -> memref<48x128xf32, #tpu.memory_space<hbm>>
    tpu.wait_dma2 semaphore(%arg34 : memref<!tpu.dma_semaphore, #tpu.memory_space<semaphore_mem>>) src(%dma_wait3A_308 : memref<48x128xf32, #tpu.memory_space<hbm>>) dst(%arg25 : memref<48x128xf32, #tpu.memory_space<vmem>>)
    %scan3A_309 = arith.constant 0 : i32
    %scan3A_310 = arith.constant 0 : i32
    %scan3A_311 = arith.constant 3 : i32
    %scan3A_312 = arith.addi %scan3A_310, %scan3A_311 : i32
    %scan3A_313 = arith.constant 1 : i32
    %scan3A_314 = scf.for %scan3A_332 = %scan3A_310 to %scan3A_312 step %scan3A_313 iter_args(%scan3A_333 = %scan3A_309) -> (i32)  : i32 {
      %mul3A_334 = arith.constant 16 : i32
      %mul3A_335 = arith.muli %scan3A_332, %mul3A_334 : i32
      %get3A_336 = arith.index_cast %mul3A_335 : i32 to index
      %get3A_337 = tpu.vector_load %arg21[%get3A_336] {strides = array<i32>} : memref<48xf32, #tpu.memory_space<vmem>>, vector<16xf32>,
      %scan3A_338 = arith.constant 0 : i32
      scf.yield %scan3A_338 : i32
    }
    %scan3A_315 = arith.constant 3 : i32
    %mul3A_316 = arith.constant 10000 : i32
    %mul3A_317 = arith.muli %add3A, %mul3A_316 : i32
    %add3A_318 = arith.constant 9936 : i32
    %add3A_319 = arith.addi %mul3A_317, %add3A_318 : i32
    "tpu.region"() ({
      %run_scoped3A = tpu.sem_alloc : memref<!tpu.dma_semaphore, #tpu.memory_space<semaphore_mem>>
      %dma_start3A_332 = arith.constant 0 : i32
      %dma_start3A_333 = arith.constant 0 : i32
      %dma_start3A_334 = tpu.memref_slice %arg29[%dma_start3A_332, %dma_start3A_333] : memref<10000x128xf32, #tpu.memory_space<vmem_shared>> -> memref<10000x128xf32, #tpu.memory_space<vmem_shared>>
      tpu.enqueue_indirect_dma source(%arg25 : memref<48x128xf32, #tpu.memory_space<vmem>>) target(%dma_start3A_334 : memref<10000x128xf32, #tpu.memory_space<vmem_shared>>) offsets(%arg20 : memref<48xi32, #tpu.memory_space<vmem>>) semaphore(%run_scoped3A : memref<!tpu.dma_semaphore, #tpu.memory_space<semaphore_mem>>) {add = true}
      %dma_wait3A_335 = arith.constant 0 : i32
      %dma_wait3A_336 = arith.constant 0 : i32
      %dma_wait3A_337 = tpu.memref_slice %arg29[%dma_wait3A_335, %dma_wait3A_336] : memref<10000x128xf32, #tpu.memory_space<vmem_shared>> -> memref<10000x128xf32, #tpu.memory_space<vmem_shared>>
      tpu.wait_indirect_dma semaphore(%run_scoped3A : memref<!tpu.dma_semaphore, #tpu.memory_space<semaphore_mem>>) src(%arg25 : memref<48x128xf32, #tpu.memory_space<vmem>>) dst(%dma_wait3A_337 : memref<10000x128xf32, #tpu.memory_space<vmem_shared>>)
      tpu.yield
    }) : () -> ()
    "tpu.region"() ({
      %run_scoped3A = tpu.sem_alloc : memref<!tpu.dma_semaphore, #tpu.memory_space<semaphore_mem>>
      %dma_start3A_332 = arith.constant 0 : i32
      %dma_start3A_333 = arith.constant 0 : i32
      %dma_start3A_334 = tpu.memref_slice %arg30[%dma_start3A_332, %dma_start3A_333] : memref<10000x8xf32, #tpu.memory_space<vmem_shared>> -> memref<10000x8xf32, #tpu.memory_space<vmem_shared>>
      tpu.enqueue_indirect_dma source(%arg28 : memref<48x8xf32, #tpu.memory_space<vmem>>) target(%dma_start3A_334 : memref<10000x8xf32, #tpu.memory_space<vmem_shared>>) offsets(%arg20 : memref<48xi32, #tpu.memory_space<vmem>>) semaphore(%run_scoped3A : memref<!tpu.dma_semaphore, #tpu.memory_space<semaphore_mem>>) {add = true}
      %dma_wait3A_335 = arith.constant 0 : i32
      %dma_wait3A_336 = arith.constant 0 : i32
      %dma_wait3A_337 = tpu.memref_slice %arg30[%dma_wait3A_335, %dma_wait3A_336] : memref<10000x8xf32, #tpu.memory_space<vmem_shared>> -> memref<10000x8xf32, #tpu.memory_space<vmem_shared>>
      tpu.wait_indirect_dma semaphore(%run_scoped3A : memref<!tpu.dma_semaphore, #tpu.memory_space<semaphore_mem>>) src(%arg28 : memref<48x8xf32, #tpu.memory_space<vmem>>) dst(%dma_wait3A_337 : memref<10000x8xf32, #tpu.memory_space<vmem_shared>>)
      tpu.yield
    }) : () -> ()
    "tpu.region"() ({
      %run_scoped3A = tpu.sem_alloc : memref<!tpu.dma_semaphore, #tpu.memory_space<semaphore_mem>>
      %dma_start3A_332 = arith.constant 0 : i32
      %dma_start3A_333 = tpu.memref_slice %arg9[%add3A_319, %dma_start3A_332] : memref<320000x8xf32, #tpu.memory_space<hbm>> -> memref<48x8xf32, #tpu.memory_space<hbm>>
      %dma_start3A_334 = arith.constant 0 : i32
      %dma_start3A_335 = tpu.memref_slice %arg9[%add3A_319, %dma_start3A_334] : memref<320000x8xf32, #tpu.memory_space<hbm>> -> memref<48x8xf32, #tpu.memory_space<hbm>>
      tpu.enqueue_dma source(%arg28 : memref<48x8xf32, #tpu.memory_space<vmem>>) target(%dma_start3A_335 : memref<48x8xf32, #tpu.memory_space<hbm>>) target_semaphore(%run_scoped3A : memref<!tpu.dma_semaphore, #tpu.memory_space<semaphore_mem>>)
      %dma_wait3A_336 = arith.constant 0 : i32
      %dma_wait3A_337 = tpu.memref_slice %arg9[%add3A_319, %dma_wait3A_336] : memref<320000x8xf32, #tpu.memory_space<hbm>> -> memref<48x8xf32, #tpu.memory_space<hbm>>
      %dma_wait3A_338 = arith.constant 0 : i32
      %dma_wait3A_339 = tpu.memref_slice %arg9[%add3A_319, %dma_wait3A_338] : memref<320000x8xf32, #tpu.memory_space<hbm>> -> memref<48x8xf32, #tpu.memory_space<hbm>>
      tpu.wait_dma2 semaphore(%run_scoped3A : memref<!tpu.dma_semaphore, #tpu.memory_space<semaphore_mem>>) src(%arg28 : memref<48x8xf32, #tpu.memory_space<vmem>>) dst(%dma_wait3A_339 : memref<48x8xf32, #tpu.memory_space<hbm>>)
      tpu.yield
    }) : () -> ()
    %mul3A_320 = arith.constant 10000 : i32
    %mul3A_321 = arith.muli %add3A, %mul3A_320 : i32
    %add3A_322 = arith.constant 9984 : i32
    %add3A_323 = arith.addi %mul3A_321, %add3A_322 : i32
    "tpu.region"() ({
      %run_scoped3A = tpu.sem_alloc : memref<!tpu.dma_semaphore, #tpu.memory_space<semaphore_mem>>
      %dma_start3A_332 = tpu.memref_slice %arg7[%add3A_323] : memref<320000xi32, #tpu.memory_space<hbm>> -> memref<16xi32, #tpu.memory_space<hbm>>
      %dma_start3A_333 = tpu.memref_slice %arg7[%add3A_323] : memref<320000xi32, #tpu.memory_space<hbm>> -> memref<16xi32, #tpu.memory_space<hbm>>
      tpu.enqueue_dma source(%dma_start3A_333 : memref<16xi32, #tpu.memory_space<hbm>>) target(%arg26 : memref<16xi32, #tpu.memory_space<vmem>>) target_semaphore(%run_scoped3A : memref<!tpu.dma_semaphore, #tpu.memory_space<semaphore_mem>>)
      %dma_wait3A_334 = tpu.memref_slice %arg7[%add3A_323] : memref<320000xi32, #tpu.memory_space<hbm>> -> memref<16xi32, #tpu.memory_space<hbm>>
      %dma_wait3A_335 = tpu.memref_slice %arg7[%add3A_323] : memref<320000xi32, #tpu.memory_space<hbm>> -> memref<16xi32, #tpu.memory_space<hbm>>
      tpu.wait_dma2 semaphore(%run_scoped3A : memref<!tpu.dma_semaphore, #tpu.memory_space<semaphore_mem>>) src(%dma_wait3A_335 : memref<16xi32, #tpu.memory_space<hbm>>) dst(%arg26 : memref<16xi32, #tpu.memory_space<vmem>>)
      tpu.yield
    }) : () -> ()
    "tpu.region"() ({
      %run_scoped3A = tpu.sem_alloc : memref<!tpu.dma_semaphore, #tpu.memory_space<semaphore_mem>>
      %dma_start3A_332 = tpu.memref_slice %arg8[%add3A_323] : memref<320000xi32, #tpu.memory_space<hbm>> -> memref<16xi32, #tpu.memory_space<hbm>>
      %dma_start3A_333 = tpu.memref_slice %arg8[%add3A_323] : memref<320000xi32, #tpu.memory_space<hbm>> -> memref<16xi32, #tpu.memory_space<hbm>>
      tpu.enqueue_dma source(%dma_start3A_333 : memref<16xi32, #tpu.memory_space<hbm>>) target(%arg27 : memref<16xi32, #tpu.memory_space<vmem>>) target_semaphore(%run_scoped3A : memref<!tpu.dma_semaphore, #tpu.memory_space<semaphore_mem>>)
      %dma_wait3A_334 = tpu.memref_slice %arg8[%add3A_323] : memref<320000xi32, #tpu.memory_space<hbm>> -> memref<16xi32, #tpu.memory_space<hbm>>
      %dma_wait3A_335 = tpu.memref_slice %arg8[%add3A_323] : memref<320000xi32, #tpu.memory_space<hbm>> -> memref<16xi32, #tpu.memory_space<hbm>>
      tpu.wait_dma2 semaphore(%run_scoped3A : memref<!tpu.dma_semaphore, #tpu.memory_space<semaphore_mem>>) src(%dma_wait3A_335 : memref<16xi32, #tpu.memory_space<hbm>>) dst(%arg27 : memref<16xi32, #tpu.memory_space<vmem>>)
      tpu.yield
    }) : () -> ()
    "tpu.region"() ({
      %run_scoped3A = tpu.sem_alloc : memref<!tpu.dma_semaphore, #tpu.memory_space<semaphore_mem>>
      %dma_start3A_332 = arith.constant 0 : i32
      %dma_start3A_333 = tpu.memref_slice %arg14[%dma_start3A_332] : memref<48xf32, #tpu.memory_space<vmem>> -> memref<16xf32, #tpu.memory_space<vmem>>
      %dma_start3A_334 = tpu.memref_slice %arg6[%add3A_323] : memref<320000xf32, #tpu.memory_space<hbm>> -> memref<16xf32, #tpu.memory_space<hbm>>
      %dma_start3A_335 = arith.constant 0 : i32
      %dma_start3A_336 = tpu.memref_slice %arg14[%dma_start3A_335] : memref<48xf32, #tpu.memory_space<vmem>> -> memref<16xf32, #tpu.memory_space<vmem>>
      %dma_start3A_337 = tpu.memref_slice %arg6[%add3A_323] : memref<320000xf32, #tpu.memory_space<hbm>> -> memref<16xf32, #tpu.memory_space<hbm>>
      tpu.enqueue_dma source(%dma_start3A_337 : memref<16xf32, #tpu.memory_space<hbm>>) target(%dma_start3A_336 : memref<16xf32, #tpu.memory_space<vmem>>) target_semaphore(%run_scoped3A : memref<!tpu.dma_semaphore, #tpu.memory_space<semaphore_mem>>)
      %dma_wait3A_338 = arith.constant 0 : i32
      %dma_wait3A_339 = tpu.memref_slice %arg14[%dma_wait3A_338] : memref<48xf32, #tpu.memory_space<vmem>> -> memref<16xf32, #tpu.memory_space<vmem>>
      %dma_wait3A_340 = tpu.memref_slice %arg6[%add3A_323] : memref<320000xf32, #tpu.memory_space<hbm>> -> memref<16xf32, #tpu.memory_space<hbm>>
      %dma_wait3A_341 = arith.constant 0 : i32
      %dma_wait3A_342 = tpu.memref_slice %arg14[%dma_wait3A_341] : memref<48xf32, #tpu.memory_space<vmem>> -> memref<16xf32, #tpu.memory_space<vmem>>
      %dma_wait3A_343 = tpu.memref_slice %arg6[%add3A_323] : memref<320000xf32, #tpu.memory_space<hbm>> -> memref<16xf32, #tpu.memory_space<hbm>>
      tpu.wait_dma2 semaphore(%run_scoped3A : memref<!tpu.dma_semaphore, #tpu.memory_space<semaphore_mem>>) src(%dma_wait3A_343 : memref<16xf32, #tpu.memory_space<hbm>>) dst(%dma_wait3A_342 : memref<16xf32, #tpu.memory_space<vmem>>)
      tpu.yield
    }) : () -> ()
    "tpu.region"() ({
      %run_scoped3A = tpu.sem_alloc : memref<!tpu.dma_semaphore, #tpu.memory_space<semaphore_mem>>
      %dma_start3A_332 = arith.constant 0 : i32
      %dma_start3A_333 = arith.constant 0 : i32
      %dma_start3A_334 = tpu.memref_slice %arg15[%dma_start3A_332, %dma_start3A_333] : memref<48x16xf32, #tpu.memory_space<vmem>> -> memref<16x16xf32, #tpu.memory_space<vmem>>
      %dma_start3A_335 = arith.constant 0 : i32
      %dma_start3A_336 = tpu.memref_slice %arg5[%add3A_323, %dma_start3A_335] : memref<320000x16xf32, #tpu.memory_space<hbm>> -> memref<16x16xf32, #tpu.memory_space<hbm>>
      %dma_start3A_337 = arith.constant 0 : i32
      %dma_start3A_338 = arith.constant 0 : i32
      %dma_start3A_339 = tpu.memref_slice %arg15[%dma_start3A_337, %dma_start3A_338] : memref<48x16xf32, #tpu.memory_space<vmem>> -> memref<16x16xf32, #tpu.memory_space<vmem>>
      %dma_start3A_340 = arith.constant 0 : i32
      %dma_start3A_341 = tpu.memref_slice %arg5[%add3A_323, %dma_start3A_340] : memref<320000x16xf32, #tpu.memory_space<hbm>> -> memref<16x16xf32, #tpu.memory_space<hbm>>
      tpu.enqueue_dma source(%dma_start3A_341 : memref<16x16xf32, #tpu.memory_space<hbm>>) target(%dma_start3A_339 : memref<16x16xf32, #tpu.memory_space<vmem>>) target_semaphore(%run_scoped3A : memref<!tpu.dma_semaphore, #tpu.memory_space<semaphore_mem>>)
      %dma_wait3A_342 = arith.constant 0 : i32
      %dma_wait3A_343 = arith.constant 0 : i32
      %dma_wait3A_344 = tpu.memref_slice %arg15[%dma_wait3A_342, %dma_wait3A_343] : memref<48x16xf32, #tpu.memory_space<vmem>> -> memref<16x16xf32, #tpu.memory_space<vmem>>
      %dma_wait3A_345 = arith.constant 0 : i32
      %dma_wait3A_346 = tpu.memref_slice %arg5[%add3A_323, %dma_wait3A_345] : memref<320000x16xf32, #tpu.memory_space<hbm>> -> memref<16x16xf32, #tpu.memory_space<hbm>>
      %dma_wait3A_347 = arith.constant 0 : i32
      %dma_wait3A_348 = arith.constant 0 : i32
      %dma_wait3A_349 = tpu.memref_slice %arg15[%dma_wait3A_347, %dma_wait3A_348] : memref<48x16xf32, #tpu.memory_space<vmem>> -> memref<16x16xf32, #tpu.memory_space<vmem>>
      %dma_wait3A_350 = arith.constant 0 : i32
      %dma_wait3A_351 = tpu.memref_slice %arg5[%add3A_323, %dma_wait3A_350] : memref<320000x16xf32, #tpu.memory_space<hbm>> -> memref<16x16xf32, #tpu.memory_space<hbm>>
      tpu.wait_dma2 semaphore(%run_scoped3A : memref<!tpu.dma_semaphore, #tpu.memory_space<semaphore_mem>>) src(%dma_wait3A_351 : memref<16x16xf32, #tpu.memory_space<hbm>>) dst(%dma_wait3A_349 : memref<16x16xf32, #tpu.memory_space<vmem>>)
      tpu.yield
    }) : () -> ()
    "tpu.region"() ({
      %run_scoped3A = tpu.sem_alloc : memref<!tpu.dma_semaphore, #tpu.memory_space<semaphore_mem>>
      %dma_start3A_332 = arith.constant 0 : i32
      %dma_start3A_333 = arith.constant 0 : i32
      %dma_start3A_334 = tpu.memref_slice %arg16[%dma_start3A_332, %dma_start3A_333] : memref<48x128xf32, #tpu.memory_space<vmem>> -> memref<16x128xf32, #tpu.memory_space<vmem>>
      %dma_start3A_335 = arith.constant 0 : i32
      %dma_start3A_336 = arith.constant 0 : i32
      %dma_start3A_337 = tpu.memref_slice %arg2[%dma_start3A_335, %dma_start3A_336] : memref<10000x128xf32, #tpu.memory_space<hbm>> -> memref<10000x128xf32, #tpu.memory_space<hbm>>
      tpu.enqueue_indirect_dma source(%dma_start3A_337 : memref<10000x128xf32, #tpu.memory_space<hbm>>) target(%dma_start3A_334 : memref<16x128xf32, #tpu.memory_space<vmem>>) offsets(%arg27 : memref<16xi32, #tpu.memory_space<vmem>>) semaphore(%run_scoped3A : memref<!tpu.dma_semaphore, #tpu.memory_space<semaphore_mem>>)
      %dma_wait3A_338 = arith.constant 0 : i32
      %dma_wait3A_339 = arith.constant 0 : i32
      %dma_wait3A_340 = tpu.memref_slice %arg16[%dma_wait3A_338, %dma_wait3A_339] : memref<48x128xf32, #tpu.memory_space<vmem>> -> memref<16x128xf32, #tpu.memory_space<vmem>>
      %dma_wait3A_341 = arith.constant 0 : i32
      %dma_wait3A_342 = arith.constant 0 : i32
      %dma_wait3A_343 = tpu.memref_slice %arg2[%dma_wait3A_341, %dma_wait3A_342] : memref<10000x128xf32, #tpu.memory_space<hbm>> -> memref<10000x128xf32, #tpu.memory_space<hbm>>
      tpu.wait_indirect_dma semaphore(%run_scoped3A : memref<!tpu.dma_semaphore, #tpu.memory_space<semaphore_mem>>) src(%dma_wait3A_343 : memref<10000x128xf32, #tpu.memory_space<hbm>>) dst(%dma_wait3A_340 : memref<16x128xf32, #tpu.memory_space<vmem>>)
      tpu.yield
    }) : () -> ()
    "tpu.region"() ({
      %run_scoped3A = tpu.sem_alloc : memref<!tpu.dma_semaphore, #tpu.memory_space<semaphore_mem>>
      %dma_start3A_332 = arith.constant 0 : i32
      %dma_start3A_333 = arith.constant 0 : i32
      %dma_start3A_334 = tpu.memref_slice %arg17[%dma_start3A_332, %dma_start3A_333] : memref<48x128xf32, #tpu.memory_space<vmem>> -> memref<16x128xf32, #tpu.memory_space<vmem>>
      %dma_start3A_335 = arith.constant 0 : i32
      %dma_start3A_336 = arith.constant 0 : i32
      %dma_start3A_337 = tpu.memref_slice %arg3[%dma_start3A_335, %dma_start3A_336] : memref<10000x128xf32, #tpu.memory_space<hbm>> -> memref<10000x128xf32, #tpu.memory_space<hbm>>
      tpu.enqueue_indirect_dma source(%dma_start3A_337 : memref<10000x128xf32, #tpu.memory_space<hbm>>) target(%dma_start3A_334 : memref<16x128xf32, #tpu.memory_space<vmem>>) offsets(%arg26 : memref<16xi32, #tpu.memory_space<vmem>>) semaphore(%run_scoped3A : memref<!tpu.dma_semaphore, #tpu.memory_space<semaphore_mem>>)
      %dma_wait3A_338 = arith.constant 0 : i32
      %dma_wait3A_339 = arith.constant 0 : i32
      %dma_wait3A_340 = tpu.memref_slice %arg17[%dma_wait3A_338, %dma_wait3A_339] : memref<48x128xf32, #tpu.memory_space<vmem>> -> memref<16x128xf32, #tpu.memory_space<vmem>>
      %dma_wait3A_341 = arith.constant 0 : i32
      %dma_wait3A_342 = arith.constant 0 : i32
      %dma_wait3A_343 = tpu.memref_slice %arg3[%dma_wait3A_341, %dma_wait3A_342] : memref<10000x128xf32, #tpu.memory_space<hbm>> -> memref<10000x128xf32, #tpu.memory_space<hbm>>
      tpu.wait_indirect_dma semaphore(%run_scoped3A : memref<!tpu.dma_semaphore, #tpu.memory_space<semaphore_mem>>) src(%dma_wait3A_343 : memref<10000x128xf32, #tpu.memory_space<hbm>>) dst(%dma_wait3A_340 : memref<16x128xf32, #tpu.memory_space<vmem>>)
      tpu.yield
    }) : () -> ()
    "tpu.region"() ({
      %run_scoped3A = tpu.sem_alloc : memref<!tpu.dma_semaphore, #tpu.memory_space<semaphore_mem>>
      %dma_start3A_332 = arith.constant 0 : i32
      %dma_start3A_333 = arith.constant 0 : i32
      %dma_start3A_334 = tpu.memref_slice %arg18[%dma_start3A_332, %dma_start3A_333] : memref<48x128xf32, #tpu.memory_space<vmem>> -> memref<16x128xf32, #tpu.memory_space<vmem>>
      %dma_start3A_335 = arith.constant 0 : i32
      %dma_start3A_336 = arith.constant 0 : i32
      %dma_start3A_337 = tpu.memref_slice %arg4[%dma_start3A_335, %dma_start3A_336] : memref<10000x128xf32, #tpu.memory_space<hbm>> -> memref<10000x128xf32, #tpu.memory_space<hbm>>
      tpu.enqueue_indirect_dma source(%dma_start3A_337 : memref<10000x128xf32, #tpu.memory_space<hbm>>) target(%dma_start3A_334 : memref<16x128xf32, #tpu.memory_space<vmem>>) offsets(%arg26 : memref<16xi32, #tpu.memory_space<vmem>>) semaphore(%run_scoped3A : memref<!tpu.dma_semaphore, #tpu.memory_space<semaphore_mem>>)
      %dma_wait3A_338 = arith.constant 0 : i32
      %dma_wait3A_339 = arith.constant 0 : i32
      %dma_wait3A_340 = tpu.memref_slice %arg18[%dma_wait3A_338, %dma_wait3A_339] : memref<48x128xf32, #tpu.memory_space<vmem>> -> memref<16x128xf32, #tpu.memory_space<vmem>>
      %dma_wait3A_341 = arith.constant 0 : i32
      %dma_wait3A_342 = arith.constant 0 : i32
      %dma_wait3A_343 = tpu.memref_slice %arg4[%dma_wait3A_341, %dma_wait3A_342] : memref<10000x128xf32, #tpu.memory_space<hbm>> -> memref<10000x128xf32, #tpu.memory_space<hbm>>
      tpu.wait_indirect_dma semaphore(%run_scoped3A : memref<!tpu.dma_semaphore, #tpu.memory_space<semaphore_mem>>) src(%dma_wait3A_343 : memref<10000x128xf32, #tpu.memory_space<hbm>>) dst(%dma_wait3A_340 : memref<16x128xf32, #tpu.memory_space<vmem>>)
      tpu.yield
    }) : () -> ()
    %scan3A_324 = arith.constant 0 : i32
    %scan3A_325 = arith.constant 0 : i32
    %mul3A_326 = arith.constant 16 : i32
    %mul3A_327 = arith.muli %scan3A_325, %mul3A_326 : i32
    %get3A = arith.index_cast %mul3A_327 : i32 to index
    %get3A_328 = tpu.vector_load %arg14[%get3A] {strides = array<i32>} : memref<48xf32, #tpu.memory_space<vmem>>, vector<16xf32>,
    %scan3A_329 = arith.constant 0 : i32
    %scan3A_330 = arith.constant 1 : i32
    "tpu.region"() ({
      %run_scoped3A = tpu.sem_alloc : memref<!tpu.dma_semaphore, #tpu.memory_space<semaphore_mem>>
      %dma_start3A_332 = arith.constant 0 : i32
      %dma_start3A_333 = arith.constant 0 : i32
      %dma_start3A_334 = tpu.memref_slice %arg18[%dma_start3A_332, %dma_start3A_333] : memref<48x128xf32, #tpu.memory_space<vmem>> -> memref<16x128xf32, #tpu.memory_space<vmem>>
      %dma_start3A_335 = arith.constant 0 : i32
      %dma_start3A_336 = arith.constant 0 : i32
      %dma_start3A_337 = tpu.memref_slice %arg29[%dma_start3A_335, %dma_start3A_336] : memref<10000x128xf32, #tpu.memory_space<vmem_shared>> -> memref<10000x128xf32, #tpu.memory_space<vmem_shared>>
      tpu.enqueue_indirect_dma source(%dma_start3A_334 : memref<16x128xf32, #tpu.memory_space<vmem>>) target(%dma_start3A_337 : memref<10000x128xf32, #tpu.memory_space<vmem_shared>>) offsets(%arg27 : memref<16xi32, #tpu.memory_space<vmem>>) semaphore(%run_scoped3A : memref<!tpu.dma_semaphore, #tpu.memory_space<semaphore_mem>>) {add = true}
      %dma_wait3A_338 = arith.constant 0 : i32
      %dma_wait3A_339 = arith.constant 0 : i32
      %dma_wait3A_340 = tpu.memref_slice %arg18[%dma_wait3A_338, %dma_wait3A_339] : memref<48x128xf32, #tpu.memory_space<vmem>> -> memref<16x128xf32, #tpu.memory_space<vmem>>
      %dma_wait3A_341 = arith.constant 0 : i32
      %dma_wait3A_342 = arith.constant 0 : i32
      %dma_wait3A_343 = tpu.memref_slice %arg29[%dma_wait3A_341, %dma_wait3A_342] : memref<10000x128xf32, #tpu.memory_space<vmem_shared>> -> memref<10000x128xf32, #tpu.memory_space<vmem_shared>>
      tpu.wait_indirect_dma semaphore(%run_scoped3A : memref<!tpu.dma_semaphore, #tpu.memory_space<semaphore_mem>>) src(%dma_wait3A_340 : memref<16x128xf32, #tpu.memory_space<vmem>>) dst(%dma_wait3A_343 : memref<10000x128xf32, #tpu.memory_space<vmem_shared>>)
      tpu.yield
    }) : () -> ()
    "tpu.region"() ({
      %run_scoped3A = tpu.sem_alloc : memref<!tpu.dma_semaphore, #tpu.memory_space<semaphore_mem>>
      %dma_start3A_332 = arith.constant 0 : i32
      %dma_start3A_333 = arith.constant 0 : i32
      %dma_start3A_334 = tpu.memref_slice %arg28[%dma_start3A_332, %dma_start3A_333] : memref<48x8xf32, #tpu.memory_space<vmem>> -> memref<16x8xf32, #tpu.memory_space<vmem>>
      %dma_start3A_335 = arith.constant 0 : i32
      %dma_start3A_336 = arith.constant 0 : i32
      %dma_start3A_337 = tpu.memref_slice %arg30[%dma_start3A_335, %dma_start3A_336] : memref<10000x8xf32, #tpu.memory_space<vmem_shared>> -> memref<10000x8xf32, #tpu.memory_space<vmem_shared>>
      tpu.enqueue_indirect_dma source(%dma_start3A_334 : memref<16x8xf32, #tpu.memory_space<vmem>>) target(%dma_start3A_337 : memref<10000x8xf32, #tpu.memory_space<vmem_shared>>) offsets(%arg27 : memref<16xi32, #tpu.memory_space<vmem>>) semaphore(%run_scoped3A : memref<!tpu.dma_semaphore, #tpu.memory_space<semaphore_mem>>) {add = true}
      %dma_wait3A_338 = arith.constant 0 : i32
      %dma_wait3A_339 = arith.constant 0 : i32
      %dma_wait3A_340 = tpu.memref_slice %arg28[%dma_wait3A_338, %dma_wait3A_339] : memref<48x8xf32, #tpu.memory_space<vmem>> -> memref<16x8xf32, #tpu.memory_space<vmem>>
      %dma_wait3A_341 = arith.constant 0 : i32
      %dma_wait3A_342 = arith.constant 0 : i32
      %dma_wait3A_343 = tpu.memref_slice %arg30[%dma_wait3A_341, %dma_wait3A_342] : memref<10000x8xf32, #tpu.memory_space<vmem_shared>> -> memref<10000x8xf32, #tpu.memory_space<vmem_shared>>
      tpu.wait_indirect_dma semaphore(%run_scoped3A : memref<!tpu.dma_semaphore, #tpu.memory_space<semaphore_mem>>) src(%dma_wait3A_340 : memref<16x8xf32, #tpu.memory_space<vmem>>) dst(%dma_wait3A_343 : memref<10000x8xf32, #tpu.memory_space<vmem_shared>>)
      tpu.yield
    }) : () -> ()
    "tpu.region"() ({
      %run_scoped3A = tpu.sem_alloc : memref<!tpu.dma_semaphore, #tpu.memory_space<semaphore_mem>>
      %dma_start3A_332 = arith.constant 0 : i32
      %dma_start3A_333 = arith.constant 0 : i32
      %dma_start3A_334 = tpu.memref_slice %arg28[%dma_start3A_332, %dma_start3A_333] : memref<48x8xf32, #tpu.memory_space<vmem>> -> memref<16x8xf32, #tpu.memory_space<vmem>>
      %dma_start3A_335 = arith.constant 0 : i32
      %dma_start3A_336 = tpu.memref_slice %arg9[%add3A_323, %dma_start3A_335] : memref<320000x8xf32, #tpu.memory_space<hbm>> -> memref<16x8xf32, #tpu.memory_space<hbm>>
      %dma_start3A_337 = arith.constant 0 : i32
      %dma_start3A_338 = tpu.memref_slice %arg9[%add3A_323, %dma_start3A_337] : memref<320000x8xf32, #tpu.memory_space<hbm>> -> memref<16x8xf32, #tpu.memory_space<hbm>>
      %dma_start3A_339 = arith.constant 0 : i32
      %dma_start3A_340 = arith.constant 0 : i32
      %dma_start3A_341 = tpu.memref_slice %arg28[%dma_start3A_339, %dma_start3A_340] : memref<48x8xf32, #tpu.memory_space<vmem>> -> memref<16x8xf32, #tpu.memory_space<vmem>>
      tpu.enqueue_dma source(%dma_start3A_341 : memref<16x8xf32, #tpu.memory_space<vmem>>) target(%dma_start3A_338 : memref<16x8xf32, #tpu.memory_space<hbm>>) target_semaphore(%run_scoped3A : memref<!tpu.dma_semaphore, #tpu.memory_space<semaphore_mem>>)
      %dma_wait3A_342 = arith.constant 0 : i32
      %dma_wait3A_343 = arith.constant 0 : i32
      %dma_wait3A_344 = tpu.memref_slice %arg28[%dma_wait3A_342, %dma_wait3A_343] : memref<48x8xf32, #tpu.memory_space<vmem>> -> memref<16x8xf32, #tpu.memory_space<vmem>>
      %dma_wait3A_345 = arith.constant 0 : i32
      %dma_wait3A_346 = tpu.memref_slice %arg9[%add3A_323, %dma_wait3A_345] : memref<320000x8xf32, #tpu.memory_space<hbm>> -> memref<16x8xf32, #tpu.memory_space<hbm>>
      %dma_wait3A_347 = arith.constant 0 : i32
      %dma_wait3A_348 = tpu.memref_slice %arg9[%add3A_323, %dma_wait3A_347] : memref<320000x8xf32, #tpu.memory_space<hbm>> -> memref<16x8xf32, #tpu.memory_space<hbm>>
      %dma_wait3A_349 = arith.constant 0 : i32
      %dma_wait3A_350 = arith.constant 0 : i32
      %dma_wait3A_351 = tpu.memref_slice %arg28[%dma_wait3A_349, %dma_wait3A_350] : memref<48x8xf32, #tpu.memory_space<vmem>> -> memref<16x8xf32, #tpu.memory_space<vmem>>
      tpu.wait_dma2 semaphore(%run_scoped3A : memref<!tpu.dma_semaphore, #tpu.memory_space<semaphore_mem>>) src(%dma_wait3A_351 : memref<16x8xf32, #tpu.memory_space<vmem>>) dst(%dma_wait3A_348 : memref<16x8xf32, #tpu.memory_space<hbm>>)
      tpu.yield
    }) : () -> ()
    %barrier3A_331 = arith.constant 0 : index
    tpu.barrier barrier_id(%barrier3A_331)
    "tpu.region"() ({
      %run_scoped3A = tpu.sem_alloc : memref<!tpu.dma_semaphore, #tpu.memory_space<semaphore_mem>>
      %dma_start3A_332 = arith.constant 0 : i32
      %dma_start3A_333 = tpu.memref_slice %arg10[%arg0, %mul3A_59, %dma_start3A_332] : memref<2x10000x128xf32, #tpu.memory_space<hbm>> -> memref<1x625x128xf32, #tpu.memory_space<hbm>>
      %dma_start3A_334 = tpu.memref_squeeze %dma_start3A_333 : memref<1x625x128xf32, #tpu.memory_space<hbm>> -> memref<625x128xf32, #tpu.memory_space<hbm>>
      %dma_start3A_335 = arith.constant 0 : i32
      %dma_start3A_336 = tpu.memref_slice %arg29[%mul3A_59, %dma_start3A_335] : memref<10000x128xf32, #tpu.memory_space<vmem_shared>> -> memref<625x128xf32, #tpu.memory_space<vmem_shared>>
      tpu.enqueue_dma source(%dma_start3A_336 : memref<625x128xf32, #tpu.memory_space<vmem_shared>>) target(%dma_start3A_334 : memref<625x128xf32, #tpu.memory_space<hbm>>) target_semaphore(%run_scoped3A : memref<!tpu.dma_semaphore, #tpu.memory_space<semaphore_mem>>)
      %dma_wait3A_337 = arith.constant 0 : i32
      %dma_wait3A_338 = tpu.memref_slice %arg10[%arg0, %mul3A_59, %dma_wait3A_337] : memref<2x10000x128xf32, #tpu.memory_space<hbm>> -> memref<1x625x128xf32, #tpu.memory_space<hbm>>
      %dma_wait3A_339 = tpu.memref_squeeze %dma_wait3A_338 : memref<1x625x128xf32, #tpu.memory_space<hbm>> -> memref<625x128xf32, #tpu.memory_space<hbm>>
      %dma_wait3A_340 = arith.constant 0 : i32
      %dma_wait3A_341 = tpu.memref_slice %arg29[%mul3A_59, %dma_wait3A_340] : memref<10000x128xf32, #tpu.memory_space<vmem_shared>> -> memref<625x128xf32, #tpu.memory_space<vmem_shared>>
      tpu.wait_dma2 semaphore(%run_scoped3A : memref<!tpu.dma_semaphore, #tpu.memory_space<semaphore_mem>>) src(%dma_wait3A_341 : memref<625x128xf32, #tpu.memory_space<vmem_shared>>) dst(%dma_wait3A_339 : memref<625x128xf32, #tpu.memory_space<hbm>>)
      tpu.yield
    }) : () -> ()
    "tpu.region"() ({
      %run_scoped3A = tpu.sem_alloc : memref<!tpu.dma_semaphore, #tpu.memory_space<semaphore_mem>>
      %dma_start3A_332 = arith.constant 0 : i32
      %dma_start3A_333 = tpu.memref_slice %arg11[%arg0, %mul3A_59, %dma_start3A_332] : memref<2x10000x8xf32, #tpu.memory_space<hbm>> -> memref<1x625x8xf32, #tpu.memory_space<hbm>>
      %dma_start3A_334 = tpu.memref_squeeze %dma_start3A_333 : memref<1x625x8xf32, #tpu.memory_space<hbm>> -> memref<625x8xf32, #tpu.memory_space<hbm>>
      %dma_start3A_335 = arith.constant 0 : i32
      %dma_start3A_336 = tpu.memref_slice %arg30[%mul3A_59, %dma_start3A_335] : memref<10000x8xf32, #tpu.memory_space<vmem_shared>> -> memref<625x8xf32, #tpu.memory_space<vmem_shared>>
      tpu.enqueue_dma source(%dma_start3A_336 : memref<625x8xf32, #tpu.memory_space<vmem_shared>>) target(%dma_start3A_334 : memref<625x8xf32, #tpu.memory_space<hbm>>) target_semaphore(%run_scoped3A : memref<!tpu.dma_semaphore, #tpu.memory_space<semaphore_mem>>)
      %dma_wait3A_337 = arith.constant 0 : i32
      %dma_wait3A_338 = tpu.memref_slice %arg11[%arg0, %mul3A_59, %dma_wait3A_337] : memref<2x10000x8xf32, #tpu.memory_space<hbm>> -> memref<1x625x8xf32, #tpu.memory_space<hbm>>
      %dma_wait3A_339 = tpu.memref_squeeze %dma_wait3A_338 : memref<1x625x8xf32, #tpu.memory_space<hbm>> -> memref<625x8xf32, #tpu.memory_space<hbm>>
      %dma_wait3A_340 = arith.constant 0 : i32
      %dma_wait3A_341 = tpu.memref_slice %arg30[%mul3A_59, %dma_wait3A_340] : memref<10000x8xf32, #tpu.memory_space<vmem_shared>> -> memref<625x8xf32, #tpu.memory_space<vmem_shared>>
      tpu.wait_dma2 semaphore(%run_scoped3A : memref<!tpu.dma_semaphore, #tpu.memory_space<semaphore_mem>>) src(%dma_wait3A_341 : memref<625x8xf32, #tpu.memory_space<vmem_shared>>) dst(%dma_wait3A_339 : memref<625x8xf32, #tpu.memory_space<hbm>>)
      tpu.yield
    }) : () -> ()
    return
  }
}

#map = affine_map<(d0, d1) -> (0, 0)>
#map1 = affine_map<(d0, d1) -> (0)>
module attributes {stable_mosaic.version = 14 : i64} {
  func.func @_sc_attn_body(%arg0: i32, %arg1: i32, %arg2: memref<320000x8xf32, #tpu.memory_space<hbm>>, %arg3: memref<320000xi32, #tpu.memory_space<hbm>>, %arg4: memref<10000x8xf32, #tpu.memory_space<hbm>>, %arg5: memref<320000x8xf32, #tpu.memory_space<hbm>>, %arg6: memref<2000xi32, #tpu.memory_space<vmem>>, %arg7: memref<2000x8xf32, #tpu.memory_space<vmem>>, %arg8: memref<2000x8xf32, #tpu.memory_space<vmem>>, %arg9: memref<2000x8xf32, #tpu.memory_space<vmem>>) attributes {dimension_semantics = [#tpu.dimension_semantics<core_parallel>, #tpu.dimension_semantics<subcore_parallel>], iteration_bounds = array<i64: 2, 16>, scalar_prefetch = 0 : i64, scratch_operands = 4 : i64, tpu.core_type = #tpu.core_type<sc_vector_subcore>, window_params = [{transform_indices = #map}, {transform_indices = #map1}, {transform_indices = #map}, {transform_indices = #map}]} {
    %mul3A = arith.constant 16 : i32
    %mul3A_0 = arith.muli %arg0, %mul3A : i32
    %add3A = arith.addi %mul3A_0, %arg1 : i32
    %iota3A = tpu.iota {dimensions = array<i32: 0>} : vector<16xi32>
    %jit3A = arith.constant 8 : i32
    %div3A = vector.broadcast %jit3A : i32 to vector<16xi32>
    %div3A_1 = arith.divsi %iota3A, %div3A : vector<16xi32>
    %sign3A = arith.constant 0 : i32
    %sign3A_2 = vector.broadcast %sign3A : i32 to vector<16xi32>
    %sign3A_3 = arith.cmpi sgt, %iota3A, %sign3A_2 : vector<16xi32>
    %sign3A_4 = arith.extui %sign3A_3 : vector<16xi1> to vector<16xi32>
    %sign3A_5 = arith.constant 0 : i32
    %sign3A_6 = vector.broadcast %sign3A_5 : i32 to vector<16xi32>
    %sign3A_7 = arith.cmpi slt, %iota3A, %sign3A_6 : vector<16xi32>
    %sign3A_8 = arith.extui %sign3A_7 : vector<16xi1> to vector<16xi32>
    %sign3A_9 = arith.subi %sign3A_4, %sign3A_8 : vector<16xi32>
    %sign3A_10 = arith.constant 0 : i32
    %sign3A_11 = arith.cmpi sgt, %jit3A, %sign3A_10 : i32
    %sign3A_12 = arith.extui %sign3A_11 : i1 to i32
    %sign3A_13 = arith.constant 0 : i32
    %sign3A_14 = arith.cmpi slt, %jit3A, %sign3A_13 : i32
    %sign3A_15 = arith.extui %sign3A_14 : i1 to i32
    %sign3A_16 = arith.subi %sign3A_12, %sign3A_15 : i32
    %ne3A = vector.broadcast %sign3A_16 : i32 to vector<16xi32>
    %ne3A_17 = arith.cmpi ne, %sign3A_9, %ne3A : vector<16xi32>
    %rem3A = vector.broadcast %jit3A : i32 to vector<16xi32>
    %rem3A_18 = arith.remsi %iota3A, %rem3A : vector<16xi32>
    %ne3A_19 = arith.constant 0 : i32
    %ne3A_20 = vector.broadcast %ne3A_19 : i32 to vector<16xi32>
    %ne3A_21 = arith.cmpi ne, %rem3A_18, %ne3A_20 : vector<16xi32>
    %and3A = arith.andi %ne3A_17, %ne3A_21 : vector<16xi1>
    %sub3A = arith.constant 1 : i32
    %sub3A_22 = vector.broadcast %sub3A : i32 to vector<16xi32>
    %sub3A_23 = arith.subi %div3A_1, %sub3A_22 : vector<16xi32>
    %select_n3A = arith.select %and3A, %sub3A_23, %div3A_1 : vector<16xi1>, vector<16xi32>
    %iota3A_24 = tpu.iota {dimensions = array<i32: 0>} : vector<16xi32>
    %jit3A_25 = arith.constant 8 : i32
    %eq3A = arith.constant 0 : i32
    %eq3A_26 = arith.cmpi eq, %jit3A_25, %eq3A : i32
    %jit3A_27 = arith.constant 1 : i32
    %select_n3A_28 = arith.select %eq3A_26, %jit3A_27, %jit3A_25 : i32
    %rem3A_29 = vector.broadcast %select_n3A_28 : i32 to vector<16xi32>
    %rem3A_30 = arith.remsi %iota3A_24, %rem3A_29 : vector<16xi32>
    %ne3A_31 = arith.constant 0 : i32
    %ne3A_32 = vector.broadcast %ne3A_31 : i32 to vector<16xi32>
    %ne3A_33 = arith.cmpi ne, %rem3A_30, %ne3A_32 : vector<16xi32>
    %lt3A = arith.constant 0 : i32
    %lt3A_34 = vector.broadcast %lt3A : i32 to vector<16xi32>
    %lt3A_35 = arith.cmpi slt, %rem3A_30, %lt3A_34 : vector<16xi32>
    %lt3A_36 = arith.constant 0 : i32
    %lt3A_37 = arith.cmpi slt, %select_n3A_28, %lt3A_36 : i32
    %ne3A_38 = vector.broadcast %lt3A_37 : i1 to vector<16xi1>
    %ne3A_39 = vector.broadcast %ne3A_38 : vector<16xi1> to vector<16xi1>
    %ne3A_40 = arith.xori %lt3A_35, %ne3A_39 : vector<16xi1>
    %and3A_41 = arith.andi %ne3A_40, %ne3A_33 : vector<16xi1>
    %add3A_42 = vector.broadcast %select_n3A_28 : i32 to vector<16xi32>
    %add3A_43 = arith.addi %rem3A_30, %add3A_42 : vector<16xi32>
    %select_n3A_44 = arith.select %and3A_41, %add3A_43, %rem3A_30 : vector<16xi1>, vector<16xi32>
    %scan3A = arith.constant 0 : i32
    %scan3A_45 = arith.constant 0 : i32
    %scan3A_46 = arith.constant 5 : i32
    %scan3A_47 = arith.addi %scan3A_45, %scan3A_46 : i32
    %scan3A_48 = arith.constant 1 : i32
    %scan3A_49 = scf.for %scan3A_51 = %scan3A_45 to %scan3A_47 step %scan3A_48 iter_args(%scan3A_52 = %scan3A) -> (i32)  : i32 {
      %mul3A_53 = arith.constant 10000 : i32
      %mul3A_54 = arith.muli %add3A, %mul3A_53 : i32
      %mul3A_55 = arith.constant 2000 : i32
      %mul3A_56 = arith.muli %scan3A_51, %mul3A_55 : i32
      %add3A_57 = arith.addi %mul3A_54, %mul3A_56 : i32
      "tpu.region"() ({
        %run_scoped3A = tpu.sem_alloc : memref<!tpu.dma_semaphore, #tpu.memory_space<semaphore_mem>>
        %dma_start3A = tpu.memref_slice %arg3[%add3A_57] : memref<320000xi32, #tpu.memory_space<hbm>> -> memref<2000xi32, #tpu.memory_space<hbm>>
        %dma_start3A_66 = tpu.memref_slice %arg3[%add3A_57] : memref<320000xi32, #tpu.memory_space<hbm>> -> memref<2000xi32, #tpu.memory_space<hbm>>
        tpu.enqueue_dma source(%dma_start3A_66 : memref<2000xi32, #tpu.memory_space<hbm>>) target(%arg6 : memref<2000xi32, #tpu.memory_space<vmem>>) target_semaphore(%run_scoped3A : memref<!tpu.dma_semaphore, #tpu.memory_space<semaphore_mem>>)
        %dma_wait3A = tpu.memref_slice %arg3[%add3A_57] : memref<320000xi32, #tpu.memory_space<hbm>> -> memref<2000xi32, #tpu.memory_space<hbm>>
        %dma_wait3A_67 = tpu.memref_slice %arg3[%add3A_57] : memref<320000xi32, #tpu.memory_space<hbm>> -> memref<2000xi32, #tpu.memory_space<hbm>>
        tpu.wait_dma2 semaphore(%run_scoped3A : memref<!tpu.dma_semaphore, #tpu.memory_space<semaphore_mem>>) src(%dma_wait3A_67 : memref<2000xi32, #tpu.memory_space<hbm>>) dst(%arg6 : memref<2000xi32, #tpu.memory_space<vmem>>)
        tpu.yield
      }) : () -> ()
      "tpu.region"() ({
        %run_scoped3A = tpu.sem_alloc : memref<!tpu.dma_semaphore, #tpu.memory_space<semaphore_mem>>
        %dma_start3A = arith.constant 0 : i32
        %dma_start3A_66 = tpu.memref_slice %arg2[%add3A_57, %dma_start3A] : memref<320000x8xf32, #tpu.memory_space<hbm>> -> memref<2000x8xf32, #tpu.memory_space<hbm>>
        %dma_start3A_67 = arith.constant 0 : i32
        %dma_start3A_68 = tpu.memref_slice %arg2[%add3A_57, %dma_start3A_67] : memref<320000x8xf32, #tpu.memory_space<hbm>> -> memref<2000x8xf32, #tpu.memory_space<hbm>>
        tpu.enqueue_dma source(%dma_start3A_68 : memref<2000x8xf32, #tpu.memory_space<hbm>>) target(%arg7 : memref<2000x8xf32, #tpu.memory_space<vmem>>) target_semaphore(%run_scoped3A : memref<!tpu.dma_semaphore, #tpu.memory_space<semaphore_mem>>)
        %dma_wait3A = arith.constant 0 : i32
        %dma_wait3A_69 = tpu.memref_slice %arg2[%add3A_57, %dma_wait3A] : memref<320000x8xf32, #tpu.memory_space<hbm>> -> memref<2000x8xf32, #tpu.memory_space<hbm>>
        %dma_wait3A_70 = arith.constant 0 : i32
        %dma_wait3A_71 = tpu.memref_slice %arg2[%add3A_57, %dma_wait3A_70] : memref<320000x8xf32, #tpu.memory_space<hbm>> -> memref<2000x8xf32, #tpu.memory_space<hbm>>
        tpu.wait_dma2 semaphore(%run_scoped3A : memref<!tpu.dma_semaphore, #tpu.memory_space<semaphore_mem>>) src(%dma_wait3A_71 : memref<2000x8xf32, #tpu.memory_space<hbm>>) dst(%arg7 : memref<2000x8xf32, #tpu.memory_space<vmem>>)
        tpu.yield
      }) : () -> ()
      "tpu.region"() ({
        %run_scoped3A = tpu.sem_alloc : memref<!tpu.dma_semaphore, #tpu.memory_space<semaphore_mem>>
        %dma_start3A = arith.constant 0 : i32
        %dma_start3A_66 = arith.constant 0 : i32
        %dma_start3A_67 = tpu.memref_slice %arg4[%dma_start3A, %dma_start3A_66] : memref<10000x8xf32, #tpu.memory_space<hbm>> -> memref<10000x8xf32, #tpu.memory_space<hbm>>
        tpu.enqueue_indirect_dma source(%dma_start3A_67 : memref<10000x8xf32, #tpu.memory_space<hbm>>) target(%arg8 : memref<2000x8xf32, #tpu.memory_space<vmem>>) offsets(%arg6 : memref<2000xi32, #tpu.memory_space<vmem>>) semaphore(%run_scoped3A : memref<!tpu.dma_semaphore, #tpu.memory_space<semaphore_mem>>)
        %dma_wait3A = arith.constant 0 : i32
        %dma_wait3A_68 = arith.constant 0 : i32
        %dma_wait3A_69 = tpu.memref_slice %arg4[%dma_wait3A, %dma_wait3A_68] : memref<10000x8xf32, #tpu.memory_space<hbm>> -> memref<10000x8xf32, #tpu.memory_space<hbm>>
        tpu.wait_indirect_dma semaphore(%run_scoped3A : memref<!tpu.dma_semaphore, #tpu.memory_space<semaphore_mem>>) src(%dma_wait3A_69 : memref<10000x8xf32, #tpu.memory_space<hbm>>) dst(%arg8 : memref<2000x8xf32, #tpu.memory_space<vmem>>)
        tpu.yield
      }) : () -> ()
      %scan3A_58 = arith.constant 0 : i32
      %scan3A_59 = arith.constant 0 : i32
      %scan3A_60 = arith.constant 1000 : i32
      %scan3A_61 = arith.addi %scan3A_59, %scan3A_60 : i32
      %scan3A_62 = arith.constant 1 : i32
      %scan3A_63 = scf.for %scan3A_66 = %scan3A_59 to %scan3A_61 step %scan3A_62 iter_args(%scan3A_67 = %scan3A_58) -> (i32)  : i32 {
        %mul3A_68 = arith.constant 2 : i32
        %mul3A_69 = arith.muli %scan3A_66, %mul3A_68 : i32
        %add3A_70 = vector.broadcast %mul3A_69 : i32 to vector<16xi32>
        %add3A_71 = arith.addi %select_n3A, %add3A_70 : vector<16xi32>
        %gather3A = tpu.vector_load_idx %arg7[%add3A_71, %select_n3A_44] : memref<2000x8xf32, #tpu.memory_space<vmem>>[vector<16xi32>, vector<16xi32>], vector<16xf32>,
        %gather3A_72 = tpu.vector_load_idx %arg8[%add3A_71, %select_n3A_44] : memref<2000x8xf32, #tpu.memory_space<vmem>>[vector<16xi32>, vector<16xi32>], vector<16xf32>,
        %div3A_73 = arith.divf %gather3A, %gather3A_72 : vector<16xf32>
        tpu.vector_store_idx %arg9[%add3A_71, %select_n3A_44], %div3A_73 : memref<2000x8xf32, #tpu.memory_space<vmem>>[vector<16xi32>, vector<16xi32>], vector<16xf32>,
        %scan3A_74 = arith.constant 0 : i32
        scf.yield %scan3A_74 : i32
      }
      %scan3A_64 = arith.constant 1000 : i32
      "tpu.region"() ({
        %run_scoped3A = tpu.sem_alloc : memref<!tpu.dma_semaphore, #tpu.memory_space<semaphore_mem>>
        %dma_start3A = arith.constant 0 : i32
        %dma_start3A_66 = tpu.memref_slice %arg5[%add3A_57, %dma_start3A] : memref<320000x8xf32, #tpu.memory_space<hbm>> -> memref<2000x8xf32, #tpu.memory_space<hbm>>
        %dma_start3A_67 = arith.constant 0 : i32
        %dma_start3A_68 = tpu.memref_slice %arg5[%add3A_57, %dma_start3A_67] : memref<320000x8xf32, #tpu.memory_space<hbm>> -> memref<2000x8xf32, #tpu.memory_space<hbm>>
        tpu.enqueue_dma source(%arg9 : memref<2000x8xf32, #tpu.memory_space<vmem>>) target(%dma_start3A_68 : memref<2000x8xf32, #tpu.memory_space<hbm>>) target_semaphore(%run_scoped3A : memref<!tpu.dma_semaphore, #tpu.memory_space<semaphore_mem>>)
        %dma_wait3A = arith.constant 0 : i32
        %dma_wait3A_69 = tpu.memref_slice %arg5[%add3A_57, %dma_wait3A] : memref<320000x8xf32, #tpu.memory_space<hbm>> -> memref<2000x8xf32, #tpu.memory_space<hbm>>
        %dma_wait3A_70 = arith.constant 0 : i32
        %dma_wait3A_71 = tpu.memref_slice %arg5[%add3A_57, %dma_wait3A_70] : memref<320000x8xf32, #tpu.memory_space<hbm>> -> memref<2000x8xf32, #tpu.memory_space<hbm>>
        tpu.wait_dma2 semaphore(%run_scoped3A : memref<!tpu.dma_semaphore, #tpu.memory_space<semaphore_mem>>) src(%arg9 : memref<2000x8xf32, #tpu.memory_space<vmem>>) dst(%dma_wait3A_71 : memref<2000x8xf32, #tpu.memory_space<hbm>>)
        tpu.yield
      }) : () -> ()
      %scan3A_65 = arith.constant 0 : i32
      scf.yield %scan3A_65 : i32
    }
    %scan3A_50 = arith.constant 5 : i32
    return
  }
}

module attributes {stable_mosaic.version = 14 : i64} {
  func.func @_tc_pre_body(%arg0: i32, %arg1: memref<1000x128xf32, #tpu.memory_space<vmem>>, %arg2: memref<1x128xf32, #tpu.memory_space<vmem>>, %arg3: memref<1x128xf32, #tpu.memory_space<vmem>>, %arg4: memref<128x128xf32, #tpu.memory_space<vmem>>, %arg5: memref<1x128xf32, #tpu.memory_space<vmem>>, %arg6: memref<128x128xf32, #tpu.memory_space<vmem>>, %arg7: memref<1x128xf32, #tpu.memory_space<vmem>>, %arg8: memref<128x128xf32, #tpu.memory_space<vmem>>, %arg9: memref<1x128xf32, #tpu.memory_space<vmem>>, %arg10: memref<4000x128xf32, #tpu.memory_space<vmem>>, %arg11: memref<128x128xf32, #tpu.memory_space<vmem>>, %arg12: memref<1x128xf32, #tpu.memory_space<vmem>>, %arg13: memref<1000x128xf32, #tpu.memory_space<vmem>>, %arg14: memref<1000x128xf32, #tpu.memory_space<vmem>>, %arg15: memref<1000x128xf32, #tpu.memory_space<vmem>>, %arg16: memref<4000x128xf32, #tpu.memory_space<vmem>>) attributes {dimension_semantics = [#tpu.dimension_semantics<arbitrary>], iteration_bounds = array<i64: 10>, scalar_prefetch = 0 : i64, scratch_operands = 0 : i64, tpu.core_type = #tpu.core_type<tc>, window_params = [{transform_indices = @transform_0, window_bounds = array<i64: 1000, 128>}, {pipeline_mode = #tpu.pipeline_mode<synchronous>, transform_indices = @transform_1, window_bounds = array<i64: 1, 128>}, {pipeline_mode = #tpu.pipeline_mode<synchronous>, transform_indices = @transform_2, window_bounds = array<i64: 1, 128>}, {pipeline_mode = #tpu.pipeline_mode<synchronous>, transform_indices = @transform_3, window_bounds = array<i64: 128, 128>}, {pipeline_mode = #tpu.pipeline_mode<synchronous>, transform_indices = @transform_4, window_bounds = array<i64: 1, 128>}, {pipeline_mode = #tpu.pipeline_mode<synchronous>, transform_indices = @transform_5, window_bounds = array<i64: 128, 128>}, {pipeline_mode = #tpu.pipeline_mode<synchronous>, transform_indices = @transform_6, window_bounds = array<i64: 1, 128>}, {pipeline_mode = #tpu.pipeline_mode<synchronous>, transform_indices = @transform_7, window_bounds = array<i64: 128, 128>}, {pipeline_mode = #tpu.pipeline_mode<synchronous>, transform_indices = @transform_8, window_bounds = array<i64: 1, 128>}, {transform_indices = @transform_9, window_bounds = array<i64: 4000, 128>}, {pipeline_mode = #tpu.pipeline_mode<synchronous>, transform_indices = @transform_10, window_bounds = array<i64: 128, 128>}, {pipeline_mode = #tpu.pipeline_mode<synchronous>, transform_indices = @transform_11, window_bounds = array<i64: 1, 128>}, {transform_indices = @transform_12, window_bounds = array<i64: 1000, 128>}, {transform_indices = @transform_13, window_bounds = array<i64: 1000, 128>}, {transform_indices = @transform_14, window_bounds = array<i64: 1000, 128>}, {transform_indices = @transform_15, window_bounds = array<i64: 4000, 128>}]} {
    %get3A = arith.constant 0 : index
    %get3A_0 = arith.constant 0 : index
    %get3A_1 = vector.load %arg1[%get3A, %get3A_0] : memref<1000x128xf32, #tpu.memory_space<vmem>>, vector<1000x128xf32>
    %get3A_2 = arith.constant 0 : index
    %get3A_3 = arith.constant 0 : index
    %get3A_4 = vector.load %arg2[%get3A_2, %get3A_3] : memref<1x128xf32, #tpu.memory_space<vmem>>, vector<1x128xf32>
    %get3A_5 = arith.constant 0 : index
    %get3A_6 = arith.constant 0 : index
    %get3A_7 = vector.load %arg3[%get3A_5, %get3A_6] : memref<1x128xf32, #tpu.memory_space<vmem>>, vector<1x128xf32>
    %reduce_sum3A = arith.constant dense<0.000000e+00> : vector<1000xf32>
    %reduce_sum3A_8 = vector.multi_reduction <add>, %get3A_1, %reduce_sum3A [1] : vector<1000x128xf32> to vector<1000xf32>
    %broadcast_in_dim3A = vector.shape_cast %reduce_sum3A_8 : vector<1000xf32> to vector<1000x1xf32>
    %div3A = arith.constant 1.280000e+02 : f32
    %div3A_9 = vector.broadcast %div3A : f32 to vector<1000x1xf32>
    %div3A_10 = arith.divf %broadcast_in_dim3A, %div3A_9 : vector<1000x1xf32>
    %sub3A = vector.broadcast %div3A_10 : vector<1000x1xf32> to vector<1000x128xf32>
    %sub3A_11 = arith.subf %get3A_1, %sub3A : vector<1000x128xf32>
    %integer_pow3A = arith.mulf %sub3A_11, %sub3A_11 : vector<1000x128xf32>
    %reduce_sum3A_12 = arith.constant dense<0.000000e+00> : vector<1000xf32>
    %reduce_sum3A_13 = vector.multi_reduction <add>, %integer_pow3A, %reduce_sum3A_12 [1] : vector<1000x128xf32> to vector<1000xf32>
    %broadcast_in_dim3A_14 = vector.shape_cast %reduce_sum3A_13 : vector<1000xf32> to vector<1000x1xf32>
    %div3A_15 = arith.constant 1.280000e+02 : f32
    %div3A_16 = vector.broadcast %div3A_15 : f32 to vector<1000x1xf32>
    %div3A_17 = arith.divf %broadcast_in_dim3A_14, %div3A_16 : vector<1000x1xf32>
    %sub3A_18 = vector.broadcast %div3A_10 : vector<1000x1xf32> to vector<1000x128xf32>
    %sub3A_19 = arith.subf %get3A_1, %sub3A_18 : vector<1000x128xf32>
    %add3A = arith.constant 9.99999974E-6 : f32
    %add3A_20 = vector.broadcast %add3A : f32 to vector<1000x1xf32>
    %add3A_21 = arith.addf %div3A_17, %add3A_20 : vector<1000x1xf32>
    %sqrt3A = math.sqrt %add3A_21 : vector<1000x1xf32>
    %div3A_22 = vector.broadcast %sqrt3A : vector<1000x1xf32> to vector<1000x128xf32>
    %div3A_23 = arith.divf %sub3A_19, %div3A_22 : vector<1000x128xf32>
    %mul3A = vector.broadcast %get3A_4 : vector<1x128xf32> to vector<1000x128xf32>
    %mul3A_24 = arith.mulf %div3A_23, %mul3A : vector<1000x128xf32>
    %add3A_25 = vector.broadcast %get3A_7 : vector<1x128xf32> to vector<1000x128xf32>
    %add3A_26 = arith.addf %mul3A_24, %add3A_25 : vector<1000x128xf32>
    %get3A_27 = arith.constant 0 : index
    %get3A_28 = arith.constant 0 : index
    %get3A_29 = vector.load %arg4[%get3A_27, %get3A_28] : memref<128x128xf32, #tpu.memory_space<vmem>>, vector<128x128xf32>
    %dot_general3A = arith.constant dense<0.000000e+00> : vector<1000x128xf32>
    %dot_general3A_30 = tpu.matmul %add3A_26, %get3A_29, %dot_general3A {dimension_numbers = #tpu.dot_dimension_numbers<[1], [1], [0], [0], [0, 0, 1, 0], [], []>, transpose_lhs_hint = false} : vector<1000x128xf32>, vector<128x128xf32>, vector<1000x128xf32> -> vector<1000x128xf32>
    %get3A_31 = arith.constant 0 : index
    %get3A_32 = arith.constant 0 : index
    %get3A_33 = vector.load %arg5[%get3A_31, %get3A_32] : memref<1x128xf32, #tpu.memory_space<vmem>>, vector<1x128xf32>
    %add3A_34 = vector.broadcast %get3A_33 : vector<1x128xf32> to vector<1000x128xf32>
    %add3A_35 = arith.addf %dot_general3A_30, %add3A_34 : vector<1000x128xf32>
    %mul3A_36 = arith.constant 2.500000e-01 : f32
    %mul3A_37 = vector.broadcast %mul3A_36 : f32 to vector<1000x128xf32>
    %mul3A_38 = arith.mulf %add3A_35, %mul3A_37 : vector<1000x128xf32>
    %swap3A = arith.constant 0 : index
    %swap3A_39 = arith.constant 0 : index
    %swap3A_40 = vector.load %arg13[%swap3A, %swap3A_39] : memref<1000x128xf32, #tpu.memory_space<vmem>>, vector<1000x128xf32>
    tpu.vector_store %arg13[%swap3A, %swap3A_39], %mul3A_38 {strides = array<i32>} : memref<1000x128xf32, #tpu.memory_space<vmem>>, vector<1000x128xf32>,
    %get3A_41 = arith.constant 0 : index
    %get3A_42 = arith.constant 0 : index
    %get3A_43 = vector.load %arg6[%get3A_41, %get3A_42] : memref<128x128xf32, #tpu.memory_space<vmem>>, vector<128x128xf32>
    %dot_general3A_44 = arith.constant dense<0.000000e+00> : vector<1000x128xf32>
    %dot_general3A_45 = tpu.matmul %add3A_26, %get3A_43, %dot_general3A_44 {dimension_numbers = #tpu.dot_dimension_numbers<[1], [1], [0], [0], [0, 0, 1, 0], [], []>, transpose_lhs_hint = false} : vector<1000x128xf32>, vector<128x128xf32>, vector<1000x128xf32> -> vector<1000x128xf32>
    %get3A_46 = arith.constant 0 : index
    %get3A_47 = arith.constant 0 : index
    %get3A_48 = vector.load %arg7[%get3A_46, %get3A_47] : memref<1x128xf32, #tpu.memory_space<vmem>>, vector<1x128xf32>
    %add3A_49 = vector.broadcast %get3A_48 : vector<1x128xf32> to vector<1000x128xf32>
    %add3A_50 = arith.addf %dot_general3A_45, %add3A_49 : vector<1000x128xf32>
    %swap3A_51 = arith.constant 0 : index
    %swap3A_52 = arith.constant 0 : index
    %swap3A_53 = vector.load %arg14[%swap3A_51, %swap3A_52] : memref<1000x128xf32, #tpu.memory_space<vmem>>, vector<1000x128xf32>
    tpu.vector_store %arg14[%swap3A_51, %swap3A_52], %add3A_50 {strides = array<i32>} : memref<1000x128xf32, #tpu.memory_space<vmem>>, vector<1000x128xf32>,
    %get3A_54 = arith.constant 0 : index
    %get3A_55 = arith.constant 0 : index
    %get3A_56 = vector.load %arg8[%get3A_54, %get3A_55] : memref<128x128xf32, #tpu.memory_space<vmem>>, vector<128x128xf32>
    %dot_general3A_57 = arith.constant dense<0.000000e+00> : vector<1000x128xf32>
    %dot_general3A_58 = tpu.matmul %add3A_26, %get3A_56, %dot_general3A_57 {dimension_numbers = #tpu.dot_dimension_numbers<[1], [1], [0], [0], [0, 0, 1, 0], [], []>, transpose_lhs_hint = false} : vector<1000x128xf32>, vector<128x128xf32>, vector<1000x128xf32> -> vector<1000x128xf32>
    %get3A_59 = arith.constant 0 : index
    %get3A_60 = arith.constant 0 : index
    %get3A_61 = vector.load %arg9[%get3A_59, %get3A_60] : memref<1x128xf32, #tpu.memory_space<vmem>>, vector<1x128xf32>
    %add3A_62 = vector.broadcast %get3A_61 : vector<1x128xf32> to vector<1000x128xf32>
    %add3A_63 = arith.addf %dot_general3A_58, %add3A_62 : vector<1000x128xf32>
    %swap3A_64 = arith.constant 0 : index
    %swap3A_65 = arith.constant 0 : index
    %swap3A_66 = vector.load %arg15[%swap3A_64, %swap3A_65] : memref<1000x128xf32, #tpu.memory_space<vmem>>, vector<1000x128xf32>
    tpu.vector_store %arg15[%swap3A_64, %swap3A_65], %add3A_63 {strides = array<i32>} : memref<1000x128xf32, #tpu.memory_space<vmem>>, vector<1000x128xf32>,
    %get3A_67 = arith.constant 0 : index
    %get3A_68 = arith.constant 0 : index
    %get3A_69 = vector.load %arg10[%get3A_67, %get3A_68] : memref<4000x128xf32, #tpu.memory_space<vmem>>, vector<4000x128xf32>
    %get3A_70 = arith.constant 0 : index
    %get3A_71 = arith.constant 0 : index
    %get3A_72 = vector.load %arg11[%get3A_70, %get3A_71] : memref<128x128xf32, #tpu.memory_space<vmem>>, vector<128x128xf32>
    %dot_general3A_73 = arith.constant dense<0.000000e+00> : vector<4000x128xf32>
    %dot_general3A_74 = tpu.matmul %get3A_69, %get3A_72, %dot_general3A_73 {dimension_numbers = #tpu.dot_dimension_numbers<[1], [0], [0], [1], [0, 0, 1, 1], [], []>, transpose_lhs_hint = false} : vector<4000x128xf32>, vector<128x128xf32>, vector<4000x128xf32> -> vector<4000x128xf32>
    %get3A_75 = arith.constant 0 : index
    %get3A_76 = arith.constant 0 : index
    %get3A_77 = vector.load %arg12[%get3A_75, %get3A_76] : memref<1x128xf32, #tpu.memory_space<vmem>>, vector<1x128xf32>
    %add3A_78 = vector.broadcast %get3A_77 : vector<1x128xf32> to vector<4000x128xf32>
    %add3A_79 = arith.addf %dot_general3A_74, %add3A_78 : vector<4000x128xf32>
    %swap3A_80 = arith.constant 0 : index
    %swap3A_81 = arith.constant 0 : index
    %swap3A_82 = vector.load %arg16[%swap3A_80, %swap3A_81] : memref<4000x128xf32, #tpu.memory_space<vmem>>, vector<4000x128xf32>
    tpu.vector_store %arg16[%swap3A_80, %swap3A_81], %add3A_79 {strides = array<i32>} : memref<4000x128xf32, #tpu.memory_space<vmem>>, vector<4000x128xf32>,
    return
  }
  func.func @transform_0(%arg0: i32) -> (i32, i32) {
    %c0_i32 = arith.constant 0 : i32
    %c0_i32_0 = arith.constant 0 : i32
    return %arg0, %c0_i32 : i32, i32
  }
  func.func @transform_1(%arg0: i32) -> (i32, i32) {
    %c0_i32 = arith.constant 0 : i32
    %c0_i32_0 = arith.constant 0 : i32
    %c0_i32_1 = arith.constant 0 : i32
    return %c0_i32, %c0_i32_0 : i32, i32
  }
  func.func @transform_2(%arg0: i32) -> (i32, i32) {
    %c0_i32 = arith.constant 0 : i32
    %c0_i32_0 = arith.constant 0 : i32
    %c0_i32_1 = arith.constant 0 : i32
    return %c0_i32, %c0_i32_0 : i32, i32
  }
  func.func @transform_3(%arg0: i32) -> (i32, i32) {
    %c0_i32 = arith.constant 0 : i32
    %c0_i32_0 = arith.constant 0 : i32
    %c0_i32_1 = arith.constant 0 : i32
    return %c0_i32, %c0_i32_0 : i32, i32
  }
  func.func @transform_4(%arg0: i32) -> (i32, i32) {
    %c0_i32 = arith.constant 0 : i32
    %c0_i32_0 = arith.constant 0 : i32
    %c0_i32_1 = arith.constant 0 : i32
    return %c0_i32, %c0_i32_0 : i32, i32
  }
  func.func @transform_5(%arg0: i32) -> (i32, i32) {
    %c0_i32 = arith.constant 0 : i32
    %c0_i32_0 = arith.constant 0 : i32
    %c0_i32_1 = arith.constant 0 : i32
    return %c0_i32, %c0_i32_0 : i32, i32
  }
  func.func @transform_6(%arg0: i32) -> (i32, i32) {
    %c0_i32 = arith.constant 0 : i32
    %c0_i32_0 = arith.constant 0 : i32
    %c0_i32_1 = arith.constant 0 : i32
    return %c0_i32, %c0_i32_0 : i32, i32
  }
  func.func @transform_7(%arg0: i32) -> (i32, i32) {
    %c0_i32 = arith.constant 0 : i32
    %c0_i32_0 = arith.constant 0 : i32
    %c0_i32_1 = arith.constant 0 : i32
    return %c0_i32, %c0_i32_0 : i32, i32
  }
  func.func @transform_8(%arg0: i32) -> (i32, i32) {
    %c0_i32 = arith.constant 0 : i32
    %c0_i32_0 = arith.constant 0 : i32
    %c0_i32_1 = arith.constant 0 : i32
    return %c0_i32, %c0_i32_0 : i32, i32
  }
  func.func @transform_9(%arg0: i32) -> (i32, i32) {
    %c0_i32 = arith.constant 0 : i32
    %c0_i32_0 = arith.constant 0 : i32
    return %arg0, %c0_i32 : i32, i32
  }
  func.func @transform_10(%arg0: i32) -> (i32, i32) {
    %c0_i32 = arith.constant 0 : i32
    %c0_i32_0 = arith.constant 0 : i32
    %c0_i32_1 = arith.constant 0 : i32
    return %c0_i32, %c0_i32_0 : i32, i32
  }
  func.func @transform_11(%arg0: i32) -> (i32, i32) {
    %c0_i32 = arith.constant 0 : i32
    %c0_i32_0 = arith.constant 0 : i32
    %c0_i32_1 = arith.constant 0 : i32
    return %c0_i32, %c0_i32_0 : i32, i32
  }
  func.func @transform_12(%arg0: i32) -> (i32, i32) {
    %c0_i32 = arith.constant 0 : i32
    %c0_i32_0 = arith.constant 0 : i32
    return %arg0, %c0_i32 : i32, i32
  }
  func.func @transform_13(%arg0: i32) -> (i32, i32) {
    %c0_i32 = arith.constant 0 : i32
    %c0_i32_0 = arith.constant 0 : i32
    return %arg0, %c0_i32 : i32, i32
  }
  func.func @transform_14(%arg0: i32) -> (i32, i32) {
    %c0_i32 = arith.constant 0 : i32
    %c0_i32_0 = arith.constant 0 : i32
    return %arg0, %c0_i32 : i32, i32
  }
  func.func @transform_15(%arg0: i32) -> (i32, i32) {
    %c0_i32 = arith.constant 0 : i32
    %c0_i32_0 = arith.constant 0 : i32
    return %arg0, %c0_i32 : i32, i32
  }
}

module attributes {stable_mosaic.version = 14 : i64} {
  func.func @_tc_post_body(%arg0: i32, %arg1: memref<1000x128xf32, #tpu.memory_space<vmem>>, %arg2: memref<2x1000x128xf32, #tpu.memory_space<vmem>>, %arg3: memref<2x1000x8xf32, #tpu.memory_space<vmem>>, %arg4: memref<128x128xf32, #tpu.memory_space<vmem>>, %arg5: memref<1x128xf32, #tpu.memory_space<vmem>>, %arg6: memref<512x128xf32, #tpu.memory_space<vmem>>, %arg7: memref<1x512xf32, #tpu.memory_space<vmem>>, %arg8: memref<128x512xf32, #tpu.memory_space<vmem>>, %arg9: memref<1x128xf32, #tpu.memory_space<vmem>>, %arg10: memref<1x128xf32, #tpu.memory_space<vmem>>, %arg11: memref<1x128xf32, #tpu.memory_space<vmem>>, %arg12: memref<1x2xf32, #tpu.memory_space<vmem>>, %arg13: memref<1000x128xf32, #tpu.memory_space<vmem>>, %arg14: memref<1000x8xf32, #tpu.memory_space<vmem>>) attributes {dimension_semantics = [#tpu.dimension_semantics<arbitrary>], iteration_bounds = array<i64: 10>, scalar_prefetch = 0 : i64, scratch_operands = 0 : i64, tpu.core_type = #tpu.core_type<tc>, window_params = [{transform_indices = @transform_0, window_bounds = array<i64: 1000, 128>}, {transform_indices = @transform_1, window_bounds = array<i64: 2, 1000, 128>}, {transform_indices = @transform_2, window_bounds = array<i64: 2, 1000, 8>}, {pipeline_mode = #tpu.pipeline_mode<synchronous>, transform_indices = @transform_3, window_bounds = array<i64: 128, 128>}, {pipeline_mode = #tpu.pipeline_mode<synchronous>, transform_indices = @transform_4, window_bounds = array<i64: 1, 128>}, {pipeline_mode = #tpu.pipeline_mode<synchronous>, transform_indices = @transform_5, window_bounds = array<i64: 512, 128>}, {pipeline_mode = #tpu.pipeline_mode<synchronous>, transform_indices = @transform_6, window_bounds = array<i64: 1, 512>}, {pipeline_mode = #tpu.pipeline_mode<synchronous>, transform_indices = @transform_7, window_bounds = array<i64: 128, 512>}, {pipeline_mode = #tpu.pipeline_mode<synchronous>, transform_indices = @transform_8, window_bounds = array<i64: 1, 128>}, {pipeline_mode = #tpu.pipeline_mode<synchronous>, transform_indices = @transform_9, window_bounds = array<i64: 1, 128>}, {pipeline_mode = #tpu.pipeline_mode<synchronous>, transform_indices = @transform_10, window_bounds = array<i64: 1, 128>}, {pipeline_mode = #tpu.pipeline_mode<synchronous>, transform_indices = @transform_11, window_bounds = array<i64: 1, 2>}, {transform_indices = @transform_12, window_bounds = array<i64: 1000, 128>}, {transform_indices = @transform_13, window_bounds = array<i64: 1000, 8>}]} {
    %get3A = arith.constant 0 : index
    %get3A_0 = arith.constant 0 : index
    %get3A_1 = vector.load %arg1[%get3A, %get3A_0] : memref<1000x128xf32, #tpu.memory_space<vmem>>, vector<1000x128xf32>
    %get3A_2 = arith.constant 0 : index
    %get3A_3 = arith.constant 0 : index
    %get3A_4 = arith.constant 0 : index
    %get3A_5 = vector.load %arg2[%get3A_2, %get3A_3, %get3A_4] : memref<2x1000x128xf32, #tpu.memory_space<vmem>>, vector<1x1000x128xf32>
    %get3A_6 = vector.shape_cast %get3A_5 : vector<1x1000x128xf32> to vector<1000x128xf32>
    %get3A_7 = arith.constant 1 : index
    %get3A_8 = arith.constant 0 : index
    %get3A_9 = arith.constant 0 : index
    %get3A_10 = vector.load %arg2[%get3A_7, %get3A_8, %get3A_9] : memref<2x1000x128xf32, #tpu.memory_space<vmem>>, vector<1x1000x128xf32>
    %get3A_11 = vector.shape_cast %get3A_10 : vector<1x1000x128xf32> to vector<1000x128xf32>
    %add3A = arith.addf %get3A_6, %get3A_11 : vector<1000x128xf32>
    %get3A_12 = arith.constant 0 : index
    %get3A_13 = arith.constant 0 : index
    %get3A_14 = arith.constant 0 : index
    %get3A_15 = vector.load %arg3[%get3A_12, %get3A_13, %get3A_14] : memref<2x1000x8xf32, #tpu.memory_space<vmem>>, vector<1x1000x8xf32>
    %get3A_16 = vector.shape_cast %get3A_15 : vector<1x1000x8xf32> to vector<1000x8xf32>
    %get3A_17 = arith.constant 1 : index
    %get3A_18 = arith.constant 0 : index
    %get3A_19 = arith.constant 0 : index
    %get3A_20 = vector.load %arg3[%get3A_17, %get3A_18, %get3A_19] : memref<2x1000x8xf32, #tpu.memory_space<vmem>>, vector<1x1000x8xf32>
    %get3A_21 = vector.shape_cast %get3A_20 : vector<1x1000x8xf32> to vector<1000x8xf32>
    %add3A_22 = arith.addf %get3A_16, %get3A_21 : vector<1000x8xf32>
    %iota3A = tpu.iota {dimensions = array<i32: 0>} : vector<8x128xi32>
    %iota3A_23 = tpu.iota {dimensions = array<i32: 1>} : vector<8x128xi32>
    %jit3A = arith.constant 16 : i32
    %div3A = vector.broadcast %jit3A : i32 to vector<8x128xi32>
    %div3A_24 = arith.divsi %iota3A_23, %div3A : vector<8x128xi32>
    %sign3A = arith.constant 0 : i32
    %sign3A_25 = vector.broadcast %sign3A : i32 to vector<8x128xi32>
    %sign3A_26 = arith.cmpi sgt, %iota3A_23, %sign3A_25 : vector<8x128xi32>
    %sign3A_27 = arith.extui %sign3A_26 : vector<8x128xi1> to vector<8x128xi32>
    %sign3A_28 = arith.constant 0 : i32
    %sign3A_29 = vector.broadcast %sign3A_28 : i32 to vector<8x128xi32>
    %sign3A_30 = arith.cmpi slt, %iota3A_23, %sign3A_29 : vector<8x128xi32>
    %sign3A_31 = arith.extui %sign3A_30 : vector<8x128xi1> to vector<8x128xi32>
    %sign3A_32 = arith.subi %sign3A_27, %sign3A_31 : vector<8x128xi32>
    %sign3A_33 = arith.constant 0 : i32
    %sign3A_34 = arith.cmpi sgt, %jit3A, %sign3A_33 : i32
    %sign3A_35 = arith.extui %sign3A_34 : i1 to i32
    %sign3A_36 = arith.constant 0 : i32
    %sign3A_37 = arith.cmpi slt, %jit3A, %sign3A_36 : i32
    %sign3A_38 = arith.extui %sign3A_37 : i1 to i32
    %sign3A_39 = arith.subi %sign3A_35, %sign3A_38 : i32
    %ne3A = vector.broadcast %sign3A_39 : i32 to vector<8x128xi32>
    %ne3A_40 = arith.cmpi ne, %sign3A_32, %ne3A : vector<8x128xi32>
    %rem3A = vector.broadcast %jit3A : i32 to vector<8x128xi32>
    %rem3A_41 = arith.remsi %iota3A_23, %rem3A : vector<8x128xi32>
    %ne3A_42 = arith.constant 0 : i32
    %ne3A_43 = vector.broadcast %ne3A_42 : i32 to vector<8x128xi32>
    %ne3A_44 = arith.cmpi ne, %rem3A_41, %ne3A_43 : vector<8x128xi32>
    %and3A = arith.andi %ne3A_40, %ne3A_44 : vector<8x128xi1>
    %sub3A = arith.constant 1 : i32
    %sub3A_45 = vector.broadcast %sub3A : i32 to vector<8x128xi32>
    %sub3A_46 = arith.subi %div3A_24, %sub3A_45 : vector<8x128xi32>
    %select_n3A = arith.select %and3A, %sub3A_46, %div3A_24 : vector<8x128xi1>, vector<8x128xi32>
    %eq3A = arith.cmpi eq, %select_n3A, %iota3A : vector<8x128xi32>
    %convert_element_type3A = arith.extui %eq3A : vector<8x128xi1> to vector<8x128xi32>
    %convert_element_type3A_47 = arith.sitofp %convert_element_type3A : vector<8x128xi32> to vector<8x128xf32>
    %dot_general3A = arith.constant dense<0.000000e+00> : vector<1000x128xf32>
    %dot_general3A_48 = tpu.matmul %add3A_22, %convert_element_type3A_47, %dot_general3A {dimension_numbers = #tpu.dot_dimension_numbers<[1], [0], [0], [1], [0, 0, 1, 1], [], []>, transpose_lhs_hint = false} : vector<1000x8xf32>, vector<8x128xf32>, vector<1000x128xf32> -> vector<1000x128xf32>
    %gt3A = arith.constant 0.000000e+00 : f32
    %gt3A_49 = vector.broadcast %gt3A : f32 to vector<1000x128xf32>
    %gt3A_50 = arith.cmpf ogt, %dot_general3A_48, %gt3A_49 : vector<1000x128xf32>
    %div3A_51 = arith.divf %add3A, %dot_general3A_48 : vector<1000x128xf32>
    %jit3A_52 = arith.constant 0.000000e+00 : f32
    %broadcast_in_dim3A = vector.broadcast %jit3A_52 : f32 to vector<1000x128xf32>
    %select_n3A_53 = arith.select %gt3A_50, %div3A_51, %broadcast_in_dim3A : vector<1000x128xi1>, vector<1000x128xf32>
    %get3A_54 = arith.constant 0 : index
    %get3A_55 = arith.constant 0 : index
    %get3A_56 = vector.load %arg4[%get3A_54, %get3A_55] : memref<128x128xf32, #tpu.memory_space<vmem>>, vector<128x128xf32>
    %dot_general3A_57 = arith.constant dense<0.000000e+00> : vector<1000x128xf32>
    %dot_general3A_58 = tpu.matmul %select_n3A_53, %get3A_56, %dot_general3A_57 {dimension_numbers = #tpu.dot_dimension_numbers<[1], [1], [0], [0], [0, 0, 1, 0], [], []>, transpose_lhs_hint = false} : vector<1000x128xf32>, vector<128x128xf32>, vector<1000x128xf32> -> vector<1000x128xf32>
    %get3A_59 = arith.constant 0 : index
    %get3A_60 = arith.constant 0 : index
    %get3A_61 = vector.load %arg5[%get3A_59, %get3A_60] : memref<1x128xf32, #tpu.memory_space<vmem>>, vector<1x128xf32>
    %add3A_62 = vector.broadcast %get3A_61 : vector<1x128xf32> to vector<1000x128xf32>
    %add3A_63 = arith.addf %dot_general3A_58, %add3A_62 : vector<1000x128xf32>
    %get3A_64 = arith.constant 0 : index
    %get3A_65 = arith.constant 0 : index
    %get3A_66 = vector.load %arg12[%get3A_64, %get3A_65] : memref<1x2xf32, #tpu.memory_space<vmem>>, vector<1x1xf32>
    %get3A_67 = vector.extract %get3A_66[0, 0] : f32 from vector<1x1xf32>
    %get3A_68 = arith.constant 0 : index
    %get3A_69 = arith.constant 1 : index
    %get3A_70 = vector.load %arg12[%get3A_68, %get3A_69] : memref<1x2xf32, #tpu.memory_space<vmem>>, vector<1x1xf32>
    %get3A_71 = vector.extract %get3A_70[0, 0] : f32 from vector<1x1xf32>
    %mul3A = vector.broadcast %get3A_67 : f32 to vector<1000x128xf32>
    %mul3A_72 = arith.mulf %mul3A, %add3A_63 : vector<1000x128xf32>
    %add3A_73 = arith.addf %get3A_1, %mul3A_72 : vector<1000x128xf32>
    %get3A_74 = arith.constant 0 : index
    %get3A_75 = arith.constant 0 : index
    %get3A_76 = vector.load %arg10[%get3A_74, %get3A_75] : memref<1x128xf32, #tpu.memory_space<vmem>>, vector<1x128xf32>
    %get3A_77 = arith.constant 0 : index
    %get3A_78 = arith.constant 0 : index
    %get3A_79 = vector.load %arg11[%get3A_77, %get3A_78] : memref<1x128xf32, #tpu.memory_space<vmem>>, vector<1x128xf32>
    %reduce_sum3A = arith.constant dense<0.000000e+00> : vector<1000xf32>
    %reduce_sum3A_80 = vector.multi_reduction <add>, %add3A_73, %reduce_sum3A [1] : vector<1000x128xf32> to vector<1000xf32>
    %broadcast_in_dim3A_81 = vector.shape_cast %reduce_sum3A_80 : vector<1000xf32> to vector<1000x1xf32>
    %div3A_82 = arith.constant 1.280000e+02 : f32
    %div3A_83 = vector.broadcast %div3A_82 : f32 to vector<1000x1xf32>
    %div3A_84 = arith.divf %broadcast_in_dim3A_81, %div3A_83 : vector<1000x1xf32>
    %sub3A_85 = vector.broadcast %div3A_84 : vector<1000x1xf32> to vector<1000x128xf32>
    %sub3A_86 = arith.subf %add3A_73, %sub3A_85 : vector<1000x128xf32>
    %integer_pow3A = arith.mulf %sub3A_86, %sub3A_86 : vector<1000x128xf32>
    %reduce_sum3A_87 = arith.constant dense<0.000000e+00> : vector<1000xf32>
    %reduce_sum3A_88 = vector.multi_reduction <add>, %integer_pow3A, %reduce_sum3A_87 [1] : vector<1000x128xf32> to vector<1000xf32>
    %broadcast_in_dim3A_89 = vector.shape_cast %reduce_sum3A_88 : vector<1000xf32> to vector<1000x1xf32>
    %div3A_90 = arith.constant 1.280000e+02 : f32
    %div3A_91 = vector.broadcast %div3A_90 : f32 to vector<1000x1xf32>
    %div3A_92 = arith.divf %broadcast_in_dim3A_89, %div3A_91 : vector<1000x1xf32>
    %sub3A_93 = vector.broadcast %div3A_84 : vector<1000x1xf32> to vector<1000x128xf32>
    %sub3A_94 = arith.subf %add3A_73, %sub3A_93 : vector<1000x128xf32>
    %add3A_95 = arith.constant 9.99999974E-6 : f32
    %add3A_96 = vector.broadcast %add3A_95 : f32 to vector<1000x1xf32>
    %add3A_97 = arith.addf %div3A_92, %add3A_96 : vector<1000x1xf32>
    %sqrt3A = math.sqrt %add3A_97 : vector<1000x1xf32>
    %div3A_98 = vector.broadcast %sqrt3A : vector<1000x1xf32> to vector<1000x128xf32>
    %div3A_99 = arith.divf %sub3A_94, %div3A_98 : vector<1000x128xf32>
    %mul3A_100 = vector.broadcast %get3A_76 : vector<1x128xf32> to vector<1000x128xf32>
    %mul3A_101 = arith.mulf %div3A_99, %mul3A_100 : vector<1000x128xf32>
    %add3A_102 = vector.broadcast %get3A_79 : vector<1x128xf32> to vector<1000x128xf32>
    %add3A_103 = arith.addf %mul3A_101, %add3A_102 : vector<1000x128xf32>
    %get3A_104 = arith.constant 0 : index
    %get3A_105 = arith.constant 0 : index
    %get3A_106 = vector.load %arg6[%get3A_104, %get3A_105] : memref<512x128xf32, #tpu.memory_space<vmem>>, vector<512x128xf32>
    %dot_general3A_107 = arith.constant dense<0.000000e+00> : vector<1000x512xf32>
    %dot_general3A_108 = tpu.matmul %add3A_103, %get3A_106, %dot_general3A_107 {dimension_numbers = #tpu.dot_dimension_numbers<[1], [1], [0], [0], [0, 0, 1, 0], [], []>, transpose_lhs_hint = false} : vector<1000x128xf32>, vector<512x128xf32>, vector<1000x512xf32> -> vector<1000x512xf32>
    %get3A_109 = arith.constant 0 : index
    %get3A_110 = arith.constant 0 : index
    %get3A_111 = vector.load %arg7[%get3A_109, %get3A_110] : memref<1x512xf32, #tpu.memory_space<vmem>>, vector<1x512xf32>
    %add3A_112 = vector.broadcast %get3A_111 : vector<1x512xf32> to vector<1000x512xf32>
    %add3A_113 = arith.addf %dot_general3A_108, %add3A_112 : vector<1000x512xf32>
    %mul3A_114 = arith.constant 5.000000e-01 : f32
    %mul3A_115 = vector.broadcast %mul3A_114 : f32 to vector<1000x512xf32>
    %mul3A_116 = arith.mulf %mul3A_115, %add3A_113 : vector<1000x512xf32>
    %mul3A_117 = arith.constant 0.707106769 : f32
    %mul3A_118 = vector.broadcast %mul3A_117 : f32 to vector<1000x512xf32>
    %mul3A_119 = arith.mulf %add3A_113, %mul3A_118 : vector<1000x512xf32>
    %erf3A = math.erf %mul3A_119 : vector<1000x512xf32>
    %add3A_120 = arith.constant 1.000000e+00 : f32
    %add3A_121 = vector.broadcast %add3A_120 : f32 to vector<1000x512xf32>
    %add3A_122 = arith.addf %add3A_121, %erf3A : vector<1000x512xf32>
    %mul3A_123 = arith.mulf %mul3A_116, %add3A_122 : vector<1000x512xf32>
    %get3A_124 = arith.constant 0 : index
    %get3A_125 = arith.constant 0 : index
    %get3A_126 = vector.load %arg8[%get3A_124, %get3A_125] : memref<128x512xf32, #tpu.memory_space<vmem>>, vector<128x512xf32>
    %dot_general3A_127 = arith.constant dense<0.000000e+00> : vector<1000x128xf32>
    %dot_general3A_128 = tpu.matmul %mul3A_123, %get3A_126, %dot_general3A_127 {dimension_numbers = #tpu.dot_dimension_numbers<[1], [1], [0], [0], [0, 0, 1, 0], [], []>, transpose_lhs_hint = false} : vector<1000x512xf32>, vector<128x512xf32>, vector<1000x128xf32> -> vector<1000x128xf32>
    %get3A_129 = arith.constant 0 : index
    %get3A_130 = arith.constant 0 : index
    %get3A_131 = vector.load %arg9[%get3A_129, %get3A_130] : memref<1x128xf32, #tpu.memory_space<vmem>>, vector<1x128xf32>
    %add3A_132 = vector.broadcast %get3A_131 : vector<1x128xf32> to vector<1000x128xf32>
    %add3A_133 = arith.addf %dot_general3A_128, %add3A_132 : vector<1000x128xf32>
    %mul3A_134 = vector.broadcast %get3A_71 : f32 to vector<1000x128xf32>
    %mul3A_135 = arith.mulf %mul3A_134, %add3A_133 : vector<1000x128xf32>
    %add3A_136 = arith.addf %add3A_73, %mul3A_135 : vector<1000x128xf32>
    %swap3A = arith.constant 0 : index
    %swap3A_137 = arith.constant 0 : index
    %swap3A_138 = vector.load %arg13[%swap3A, %swap3A_137] : memref<1000x128xf32, #tpu.memory_space<vmem>>, vector<1000x128xf32>
    tpu.vector_store %arg13[%swap3A, %swap3A_137], %add3A_136 {strides = array<i32>} : memref<1000x128xf32, #tpu.memory_space<vmem>>, vector<1000x128xf32>,
    %swap3A_139 = arith.constant 0 : index
    %swap3A_140 = arith.constant 0 : index
    %swap3A_141 = vector.load %arg14[%swap3A_139, %swap3A_140] : memref<1000x8xf32, #tpu.memory_space<vmem>>, vector<1000x8xf32>
    tpu.vector_store %arg14[%swap3A_139, %swap3A_140], %add3A_22 {strides = array<i32>} : memref<1000x8xf32, #tpu.memory_space<vmem>>, vector<1000x8xf32>,
    return
  }
  func.func @transform_0(%arg0: i32) -> (i32, i32) {
    %c0_i32 = arith.constant 0 : i32
    %c0_i32_0 = arith.constant 0 : i32
    return %arg0, %c0_i32 : i32, i32
  }
  func.func @transform_1(%arg0: i32) -> (i32, i32, i32) {
    %c0_i32 = arith.constant 0 : i32
    %c0_i32_0 = arith.constant 0 : i32
    %c0_i32_1 = arith.constant 0 : i32
    return %c0_i32, %arg0, %c0_i32_0 : i32, i32, i32
  }
  func.func @transform_2(%arg0: i32) -> (i32, i32, i32) {
    %c0_i32 = arith.constant 0 : i32
    %c0_i32_0 = arith.constant 0 : i32
    %c0_i32_1 = arith.constant 0 : i32
    return %c0_i32, %arg0, %c0_i32_0 : i32, i32, i32
  }
  func.func @transform_3(%arg0: i32) -> (i32, i32) {
    %c0_i32 = arith.constant 0 : i32
    %c0_i32_0 = arith.constant 0 : i32
    %c0_i32_1 = arith.constant 0 : i32
    return %c0_i32, %c0_i32_0 : i32, i32
  }
  func.func @transform_4(%arg0: i32) -> (i32, i32) {
    %c0_i32 = arith.constant 0 : i32
    %c0_i32_0 = arith.constant 0 : i32
    %c0_i32_1 = arith.constant 0 : i32
    return %c0_i32, %c0_i32_0 : i32, i32
  }
  func.func @transform_5(%arg0: i32) -> (i32, i32) {
    %c0_i32 = arith.constant 0 : i32
    %c0_i32_0 = arith.constant 0 : i32
    %c0_i32_1 = arith.constant 0 : i32
    return %c0_i32, %c0_i32_0 : i32, i32
  }
  func.func @transform_6(%arg0: i32) -> (i32, i32) {
    %c0_i32 = arith.constant 0 : i32
    %c0_i32_0 = arith.constant 0 : i32
    %c0_i32_1 = arith.constant 0 : i32
    return %c0_i32, %c0_i32_0 : i32, i32
  }
  func.func @transform_7(%arg0: i32) -> (i32, i32) {
    %c0_i32 = arith.constant 0 : i32
    %c0_i32_0 = arith.constant 0 : i32
    %c0_i32_1 = arith.constant 0 : i32
    return %c0_i32, %c0_i32_0 : i32, i32
  }
  func.func @transform_8(%arg0: i32) -> (i32, i32) {
    %c0_i32 = arith.constant 0 : i32
    %c0_i32_0 = arith.constant 0 : i32
    %c0_i32_1 = arith.constant 0 : i32
    return %c0_i32, %c0_i32_0 : i32, i32
  }
  func.func @transform_9(%arg0: i32) -> (i32, i32) {
    %c0_i32 = arith.constant 0 : i32
    %c0_i32_0 = arith.constant 0 : i32
    %c0_i32_1 = arith.constant 0 : i32
    return %c0_i32, %c0_i32_0 : i32, i32
  }
  func.func @transform_10(%arg0: i32) -> (i32, i32) {
    %c0_i32 = arith.constant 0 : i32
    %c0_i32_0 = arith.constant 0 : i32
    %c0_i32_1 = arith.constant 0 : i32
    return %c0_i32, %c0_i32_0 : i32, i32
  }
  func.func @transform_11(%arg0: i32) -> (i32, i32) {
    %c0_i32 = arith.constant 0 : i32
    %c0_i32_0 = arith.constant 0 : i32
    %c0_i32_1 = arith.constant 0 : i32
    return %c0_i32, %c0_i32_0 : i32, i32
  }
  func.func @transform_12(%arg0: i32) -> (i32, i32) {
    %c0_i32 = arith.constant 0 : i32
    %c0_i32_0 = arith.constant 0 : i32
    return %arg0, %c0_i32 : i32, i32
  }
  func.func @transform_13(%arg0: i32) -> (i32, i32) {
    %c0_i32 = arith.constant 0 : i32
    %c0_i32_0 = arith.constant 0 : i32
    return %arg0, %c0_i32 : i32, i32
  }
}

</mosaic_0001>

<sc_bundles>
// kernel: kernel.6.cloned.1.call-start
scs
__scs_entry_jumppad:
0x0: {  	(pc) =	sbr.rel $0x88, $3  }
0x1: {  	(tag) =	ssettag $0x0;
	lr =	simm.s32 $0x1  }
0x2: {  	[smem:$0x3F89] =	sst lr;
	_ =	strace $0xD0000000  }
0x3: {  	_ = 	snop  }
0x4: {  	_ = 	snop  }
0x5: {  	_ = 	snop  }
0x6: {  	_ = 	snop  }
0x7: {  	_ = 	snop  }
__scs_overlays_trampoline_lowered:
0x8: {  	[smem:$0x3F98] =	sst s0  }
0x9: {  	[smem:$0x3F99] =	sst s1  }
0xa: {  	[smem:$0x3F9A] =	sst s2  }
0xb: {  	[smem:$0x3F9B] =	sst s3  }
0xc: {  	[smem:$0x3F9C] =	sst s4  }
0xd: {  	[smem:$0x3F9D] =	sst s5  }
0xe: {  	[smem:$0x3F9E] =	sst s6  }
0xf: {  	[smem:$0x3F9F] =	sst s7  }
0x10: {  	[smem:$0x3FA0] =	sst s8  }
0x11: {  	[smem:$0x3FA1] =	sst s9;
	s0 =	simm.s32 @!p0 $0x0  }
0x12: {  	s1 =	sld [smem:$0x3F87];
	s0 =	simm.s32 @p0 $0x1  }
0x13: {  	[smem:$0x3FA2] =	sst s0;
	s0 =	simm.s32 @!p1 $0x0  }
0x14: {  	s2 =	sld [smem:$0x3F86];
	s0 =	simm.s32 @p1 $0x1  }
0x15: {  	[smem:$0x3FA3] =	sst s0;
	s0 =	simm.s32 @!p2 $0x0  }
0x16: {  	s3 =	sld [smem:$0x3FDB];
	s0 =	simm.s32 @p2 $0x1  }
0x17: {  	s4 =	simm.s32 $0x1BF5;
	[smem:$0x3FA5] =	sst s0  }
0x18: {  	s0 =	sld [smem:$0x3F88];
	_ =	swait.ge [sflag:s4], $0x0  }
0x19: {  	s7 =	sld [smem:$0x3F89]  }
0x1a: {  	s8 =	sadd.s32 $0xFFFFE003, lr  }
0x1b: {  	s9 =	sadd.s32 $0xFFFFFEF7, lr;
	s5 =	simm.s32 $0xFFFFFFFF;
	p2 =	slt.u32 s8, $0xFFFFF086  }
0x1c: {  	p1 =	slt.u32 s9, $0xF7A;
	s5 =	simm.s32 @!p2 $0x0  }
0x1d: {  	s5 =	simm.s32 @p1 $0x1;
	p0 =	seq.s32 s7, s2  }
0x1e: {  	s7 =	smul.u32 @!p0 $0xF7A, s2;
	p2 =	seq.s32 @!p0 s5, $0x0  }
0x1f: {  	s9 =	smul.u32 $0xF7A, s1;
	s8 =	simm.s32 @!p0 $0x1BF5;
	p2 =	por !p2, p0  }
0x20: {  	[sflag:s8] =	ssyncset.s32 @!p0 $0xFFFFF086;
	s6 =	sadd.s32 @!p0 s3, s7;
	s7 =	simm.s32 @!p0 $0x108  }
0x21: {  	s3 =	sadd.s32 s3, s9;
	s6 =	sadd.s32 @!p0 $0x88, s6;
	s7 =	simm.s32 @p2 $0x1082  }
0x22: {  	[simem:s7], [sflag:s8] =	dma.local @!p0 [hbm:s6], $0xF7A  }
0x23: {  	s9 =	sor.u32 $0xD0000000, s2;
	s6 =	simm.s32 $0x108;
	_ =	swait.ge @!p0 [sflag:s8], $0x0  }
0x24: {  	s3 =	sadd.s32 $0x88, s3;
	s6 =	simm.s32 @!p1 $0x1082;
	[sflag:s4] =	ssyncset.s32 $0xFFFFF086  }
0x25: {  	[simem:s6], [sflag:s4] =	dma.local [hbm:s3], $0xF7A  }
0x26: {  	[smem:$0x3F89] =	sst s1;
	(tag) =	ssettag s2;
	_ =	strace s9  }
0x27: {  	s1 =	sld [smem:$0x3F99]  }
0x28: {  	s2 =	sld [smem:$0x3F9A]  }
0x29: {  	s4 =	sld [smem:$0x3F9C]  }
0x2a: {  	p0 =	seq.s32 s5, $0x0;
	s5 =	sld [smem:$0x3F9D]  }
0x2b: {  	s6 =	sld [smem:$0x3F9E]  }
0x2c: {  	s7 =	sld [smem:$0x3F9F]  }
0x2d: {  	s3 =	simm.s32 $0x108;
	s8 =	sld [smem:$0x3FA0]  }
0x2e: {  	s3 =	simm.s32 @!p0 $0x1082;
	s9 =	sld [smem:$0x3FA1]  }
0x2f: {  	lr =	sadd.s32 s0, s3;
	s0 =	sld [smem:$0x3F98]  }
0x30: {  	s3 =	sld [smem:$0x3F9B]  }
0x31: {  	[smem:$0x3FA4] =	sst s10  }
0x32: {  	s10 =	sld [smem:$0x3FA2];
	_ =	sdelay $0x3  }
0x33: {  	p0 =	seq.s32 s10, $0x1;
	s10 =	sld [smem:$0x3FA4];
	_ =	sdelay $0x3  }
0x34: {  	[smem:$0x3FA4] =	sst s10  }
0x35: {  	s10 =	sld [smem:$0x3FA3];
	_ =	sdelay $0x3  }
0x36: {  	p1 =	seq.s32 s10, $0x1;
	s10 =	sld [smem:$0x3FA4];
	_ =	sdelay $0x3  }
0x37: {  	[smem:$0x3FA4] =	sst s10  }
0x38: {  	s10 =	sld [smem:$0x3FA5]  }
0x39: {  	_ = 	snop;
	(pc) =	sbr.ind lr, $3  }
0x3a: {  	_ = 	snop  }
0x3b: {  	_ = 	snop  }
0x3c: {  	p2 =	seq.s32 s10, $0x1;
	s10 =	sld [smem:$0x3FA4]  }
0x3d: {  	_ =	shalt  }
0x3e: {  	_ =	shalt  }
0x3f: {  	_ =	shalt  }
0x40: {  	_ =	shalt  }
0x41: {  	_ =	shalt  }
0x42: {  	_ =	shalt  }
0x43: {  	_ =	shalt  }
0x44: {  	_ =	shalt  }
0x45: {  	_ =	shalt  }
0x46: {  	_ =	shalt  }
0x47: {  	_ =	shalt  }
0x48: {  	_ =	shalt  }
0x49: {  	_ =	shalt  }
0x4a: {  	_ =	shalt  }
0x4b: {  	_ =	shalt  }
0x4c: {  	_ =	shalt  }
0x4d: {  	_ =	shalt  }
0x4e: {  	_ =	shalt  }
0x4f: {  	_ =	shalt  }
0x50: {  	_ =	shalt  }
0x51: {  	_ =	shalt  }
0x52: {  	_ =	shalt  }
0x53: {  	_ =	shalt  }
0x54: {  	_ =	shalt  }
0x55: {  	_ =	shalt  }
0x56: {  	_ =	shalt  }
0x57: {  	_ =	shalt  }
0x58: {  	_ =	shalt  }
0x59: {  	_ =	shalt  }
0x5a: {  	_ =	shalt  }
0x5b: {  	_ =	shalt  }
0x5c: {  	_ =	shalt  }
0x5d: {  	_ =	shalt  }
0x5e: {  	_ =	shalt  }
0x5f: {  	_ =	shalt  }
0x60: {  	_ =	shalt  }
0x61: {  	_ =	shalt  }
0x62: {  	_ =	shalt  }
0x63: {  	_ =	shalt  }
0x64: {  	_ =	shalt  }
0x65: {  	_ =	shalt  }
0x66: {  	_ =	shalt  }
0x67: {  	_ =	shalt  }
0x68: {  	_ =	shalt  }
0x69: {  	_ =	shalt  }
0x6a: {  	_ =	shalt  }
0x6b: {  	_ =	shalt  }
0x6c: {  	_ =	shalt  }
0x6d: {  	_ =	shalt  }
0x6e: {  	_ =	shalt  }
0x6f: {  	_ =	shalt  }
0x70: {  	_ =	shalt  }
0x71: {  	_ =	shalt  }
0x72: {  	_ =	shalt  }
0x73: {  	_ =	shalt  }
0x74: {  	_ =	shalt  }
0x75: {  	_ =	shalt  }
0x76: {  	_ =	shalt  }
0x77: {  	_ =	shalt  }
0x78: {  	_ =	shalt  }
0x79: {  	_ =	shalt  }
0x7a: {  	_ =	shalt  }
0x7b: {  	_ =	shalt  }
0x7c: {  	_ =	shalt  }
0x7d: {  	_ =	shalt  }
0x7e: {  	_ =	shalt  }
0x7f: {  	_ =	shalt  }
0x80: {  	_ =	shalt  }
0x81: {  	_ =	shalt  }
0x82: {  	_ =	shalt  }
0x83: {  	_ =	shalt  }
0x84: {  	_ =	shalt  }
0x85: {  	_ =	shalt  }
0x86: {  	_ =	shalt  }
0x87: {  	_ =	shalt  }
.Lfunc_end0:
.L_simem_size_0:
called_computation_lowered:
.L_overlay_start_0:
0x88: {  	s2 =	sld [smem:$0x3FD9]  }
0x89: {  	s3 =	sld [smem:$0x3FFE];
	_ =	sdelay $0x1  }
0x8a: {  	s1 =	srdreg.scid  }
0x8b: {  	s0 =	sand.u32 $0x1, s1  }
0x8c: {  	s14 =	sshll.u32 s0, $0xA;
	s2 =	sadd.s32 s3, s2  }
0x8d: {  	s2 =	sadd.s32 s2, s14  }
0x8e: {  	[smem:$0x3FB0] =	sst s2  }
0x8f: {  	_ = 	snop  }
0x90: {  	s2 =	sld [smem:$0x3FD0];
	_ =	sdelay $0x2  }
0x91: {  	s4 =	simm.s32 $0xA;
	s5 =	simm.s32 $0x10;
	s15 =	sld [smem:$0x3FC6]  }
0x92: {  	[smem:s5], [sflag:s4] =	dma.local [hbm:s2], $0x1  }
0x93: {  	_ =	swait.eq [sflag:s4], $0x1  }
0x94: {  	[sflag:s4] =	ssyncset.done $0x0  }
0x95: {  	s16 =	sld [smem:$0x10];
	[sflag:s4] =	ssyncadd.s32 $0xFFFFFFFF  }
0x96: {  	s17 =	sld [smem:$0x11];
	(tm) =	ssettm $0x1  }
0x97: {  	s18 =	sld [smem:$0x3FFB];
	_ =	sdelay $0x3  }
0x98: {  	_ =	strace s18  }
0x99: {  	s5 =	sld [smem:$0x3FFC];
	_ =	sdelay $0x3  }
0x9a: {  	_ =	strace s5  }
0x9b: {  	s5 =	sld [smem:$0x3FFD];
	_ =	sdelay $0x3  }
0x9c: {  	_ =	strace s5  }
0x9d: {  	_ =	strace $0x8FFFFFFF  }
0x9e: {  	s19 =	sld [smem:$0x3FDB];
	_ =	sdelay $0x1  }
0x9f: {  	s6 =	simm.s32 $_scs_section_size  }
0xa0: {  	s7 =	simm.s32 $_size__tile_overlayer_lowered;
	s8 =	simm.s32 $_tile_overlayer_lowered  }
0xa1: {  	s22 =	simm.s32 $0x1BFF;
	s21 =	sshll.u32 s8, $0x1;
	s5 =	sadd.s32 s6, s19  }
0xa2: {  	s9 =	simm.s32 $0x0;
	s20 =	sshll.u32 s7, $0x1;
	s7 =	sadd.s32 s21, s5  }
0xa3: {  	[timem:s9], [sflag:s22] =	dma.local [hbm:s7], s20  }
0xa4: {  	_ =	swait.ge [sflag:s22], s20  }
0xa5: {  	s6 =	ssub.s32 $0x0, s20;
	[sflag:s22] =	ssyncset.done $0x0  }
0xa6: {  	[sflag:s22] =	ssyncadd.s32 s6;
	_ =	sdelay $0x1  }
0xa7: {  	s23 =	simm.s32 $0x1B8B  }
0xa8: {  	_ =	swait.ge [sflag:s23], $0x1  }
0xa9: {  	[sflag:s23] =	ssyncset.done $0x0  }
0xaa: {  	s25 =	simm.s32 $0x1B8E;
	s24 =	sld [smem:$0x3FFE];
	[sflag:s23] =	ssyncadd.s32 $0xFFFFFFFF  }
0xab: {  	s26 =	simm.s32 $execute0_lowered;
	[smem:$0x3FD2] =	sst s25  }
0xac: {  	s7 =	sshll.u32 s26, $0x1;
	_ =	strace $0x80000046;
	[dreg:$0x1] =	wrdreg $0xFFFFFFFF  }
0xad: {  	s28 =	simm.s32 $_size_execute0_lowered;
	s5 =	sadd.s32 s5, s7;
	[dreg:$0x0] =	wrdreg $0x0  }
0xae: {  	s7 =	sshll.u32 s28, $0x1;
	[dreg:$0x2] =	wrdreg s5  }
0xaf: {  	[dreg:$0x3] =	wrdreg s7  }
0xb0: {  	[dreg:$0x4] =	wrdreg $0xC0  }
0xb1: {  	_ =	task [dreg:s9], $0x5FFFF  }
0xb2: {  	[dreg:$0x1] =	wrdreg $0xFFFFFFFF  }
0xb3: {  	[dreg:$0x0] =	wrdreg $0x60  }
0xb4: {  	[dreg:$0x2] =	wrdreg s16  }
0xb5: {  	[dreg:$0x3] =	wrdreg s17  }
0xb6: {  	[dreg:$0x4] =	wrdreg s24  }
0xb7: {  	[dreg:$0x5] =	wrdreg s15  }
0xb8: {  	[dreg:$0x6] =	wrdreg $0x98C00  }
0xb9: {  	[dreg:$0x7] =	wrdreg $0x1D1400  }
0xba: {  	[dreg:$0x8] =	wrdreg $0x9  }
0xbb: {  	_ =	task.clear_ibuf [dreg:s9], $0x9FFFF;
	_ =	strace $0x90000046  }
0xbc: {  	s29 =	simm.s32 $0x9;
	_ =	strace $0x80000048  }
0xbd: {  	_ =	swait.ge [sflag:s29], $0x1  }
0xbe: {  	[sflag:s29] =	ssyncadd.s32 $0xFFFFFFFF  }
0xbf: {  	_ =	strace $0x90000048  }
0xc0: {  	_ =	sfence  }
0xc1: {  	s30 =	sld [smem:$0x0];
	_ =	sdelay $0x2  }
0xc2: {  	s31 =	sshll.u32 s1, $0xD;
	s1 =	sshrl.u32 s1, $0x2  }
0xc3: {  	s3 =	sand.u32 $0x4000, s31;
	s1 =	sadd.s32 s1, s30  }
0xc4: {  	s0 =	sor.u32 s3, s0;
	s1 =	sshll.u32 s1, $0x11  }
0xc5: {  	s0 =	sor.u32 s1, s0  }
0xc6: {  	s0 =	sadd.s32 $0x8F2B, s0  }
0xc7: {  	[sflag:s0] =	ssyncadd.remote.s32 $0x1  }
0xc8: {  	_ =	sfence.sel $0xFFFF  }
0xc9: {  	[dreg:$0x0] =	wrdreg $0xFFFFFFFF;
	(pc) =	sbr.abs _section_cstart, $3  }
0xca: {  	[dreg:$0x1] =	wrdreg $0xFFFFFFFF  }
0xcb: {  	_ =	task.clear_ibuf [dreg:s9], $0x2FFFF;
	_ =	strace $0x9FFFFFFF  }
0xcc: {  	(tm) =	ssettm $0x7FFFFFFF  }
0xcd: {  	_ =	shalt  }
tec
execute0_lowered:
.L_overlay_start_1:
0x0: {  	(tag) =	ssettag $0x1  }
0x1: {  	s1 =	rddreg [dreg:$0x0]  }
0x2: {  	s5 =	rddreg [dreg:$0x1]  }
0x3: {  	s16 =	rddreg [dreg:$0x2]  }
0x4: {  	s22 =	rddreg [dreg:$0x3]  }
0x5: {  	s6 =	rddreg [dreg:$0x4];
	s21 =	stileid.u32  }
0x6: {  	s2 =	srdreg.scid;
	s18 =	smul.u32 $0x13880, s21  }
0x7: {  	s8 =	rddreg [dreg:$0x5];
	s19 =	smul.u32 $0x1388, s21  }
0x8: {  	s7 =	simm.s32 $0x0;
	s2 =	sand.u32 $0x1, s2;
	s12 =	smul.u32 $0x2710, s21  }
0x9: {  	[smem:$0x7FF] =	sst s7;
	s10 =	sadd.s32 $0x17A00, s16;
	s3 =	smul.u32 $0x138800, s2  }
0xa: {  	s25 =	sadd.s32 $0x3E00, s16;
	s9 =	sadd.s32 $0xDC00, s16;
	s4 =	smul.u32 $0x13880, s2  }
0xb: {  	s11 =	smul.u32 $0x27100, s2;
	s24 =	sshll.u32 s2, $0x4;
	s2 =	ssub.s32 $0x2, s2  }
0xc: {  	s29 =	sadd.s32 $0x12E200, s16;
	_ =	strace $0x80000047;
	s0 =	sshrl.u32 s2, $0x1  }
0xd: {  	s3 =	sadd.s32 s18, s3;
	s23 =	sadd.s32 s19, s4;
	s4 =	sor.u32 s21, s24  }
0xe: {  	s2 =	ssub.s32 s2, s0;
	s13 =	sshrl.u32 s3, $0x3;
	s26 =	smul.u32 $0x4E20, s4  }
0xf: {  	s14 =	sshrl.u32 s23, $0x3;
	s23 =	sadd.s32 s12, s11;
	s12 =	smul.u32 $0x2710, s4  }
0x10: {  	s2 =	smax.u32 s2, $0x1;
	s15 =	sadd.s32 $0x90, s23;
	[dreg:$0xa] =	wrdreg s23  }
0x11: {  	s0 =	sshll.u32 s23, $0x1;
	s13 =	sadd.s32 s13, s16;
	s14 =	sadd.s32 s14, s16  }
0x12: {  	[smem:$0x7FC] =	sst s2;
	s17 =	sshrl.u32 s15, $0x3;
	s3 =	sadd.s32 s10, s26  }
0x13: {  	s15 =	sshll.u32 s15, $0x1;
	[dreg:$0xb] =	wrdreg s3;
	s20 =	sadd.s32 s17, s22  }
0x14: {  	s11 =	sadd.s32 $0x30, s12;
	s15 =	sadd.s32 s15, s10;
	[dreg:$0x7] =	wrdreg s20  }
0x15: {  	s3 =	sadd.s32 $0x2700, s12;
	s20 =	sadd.s32 s17, s9;
	[dreg:$0xe] =	wrdreg s15  }
0x16: {  	s24 =	sshll.u32 s11, $0x1;
	s17 =	sadd.s32 s17, s25;
	[dreg:$0x8] =	wrdreg s20  }
0x17: {  	s26 =	sshll.u32 s3, $0x1;
	[dreg:$0x9] =	wrdreg s17;
	s20 =	sadd.s32 s10, s24  }
0x18: {  	s11 =	sshrl.u32 s11, $0x3;
	s17 =	sadd.s32 s10, s26;
	[dreg:$0xc] =	wrdreg s20  }
0x19: {  	s26 =	sadd.s32 s19, s8;
	[dreg:$0xd] =	wrdreg s17;
	s17 =	smul.u32 $0x271, s21  }
0x1a: {  	s15 =	sadd.s32 $0xB3E00, s16;
	s21 =	sadd.s32 s18, s6;
	[dreg:$0x10] =	wrdreg s26  }
0x1b: {  	s10 =	sadd.s32 s10, s0;
	[dreg:$0xf] =	wrdreg s21;
	s16 =	sadd.s32 $0x30, s17  }
0x1c: {  	s24 =	sadd.s32 $0x60, s17;
	s19 =	sshll.u32 s16, $0x7;
	s23 =	sshll.u32 s16, $0x3  }
0x1d: {  	s0 =	sshll.u32 s24, $0x7;
	s18 =	sadd.s32 s19, s6;
	s19 =	sshll.u32 s24, $0x3  }
0x1e: {  	[dreg:$0x11] =	wrdreg s18;
	s18 =	sadd.s32 s23, s8;
	s16 =	sadd.s32 s19, s8  }
0x1f: {  	s19 =	sadd.s32 $0x90, s17;
	s23 =	sadd.s32 $0xC0, s17;
	[dreg:$0x12] =	wrdreg s18  }
0x20: {  	s18 =	sadd.s32 s0, s6;
	[dreg:$0x14] =	wrdreg s16;
	s20 =	sshll.u32 s19, $0x7  }
0x21: {  	s24 =	sshll.u32 s23, $0x7;
	s0 =	sshll.u32 s23, $0x3;
	s16 =	sadd.s32 $0xF0, s17  }
0x22: {  	[dreg:$0x13] =	wrdreg s18;
	s18 =	sshll.u32 s19, $0x3;
	s19 =	sadd.s32 s20, s6  }
0x23: {  	s20 =	sshll.u32 s16, $0x7;
	[dreg:$0x15] =	wrdreg s19;
	s18 =	sadd.s32 s18, s8  }
0x24: {  	s19 =	sshll.u32 s16, $0x3;
	[dreg:$0x16] =	wrdreg s18;
	s18 =	sadd.s32 s24, s6  }
0x25: {  	s16 =	sadd.s32 $0x150, s17;
	s23 =	sadd.s32 s19, s8;
	[dreg:$0x17] =	wrdreg s18  }
0x26: {  	s24 =	sadd.s32 $0x120, s17;
	s18 =	sadd.s32 s0, s8;
	[dreg:$0x1a] =	wrdreg s23  }
0x27: {  	s0 =	sshll.u32 s24, $0x7;
	[dreg:$0x18] =	wrdreg s18;
	s18 =	sadd.s32 s20, s6  }
0x28: {  	s23 =	sshll.u32 s16, $0x3;
	s19 =	sadd.s32 s0, s6;
	[dreg:$0x19] =	wrdreg s18  }
0x29: {  	s18 =	sshll.u32 s24, $0x3;
	[dreg:$0x1b] =	wrdreg s19;
	s24 =	sadd.s32 $0x180, s17  }
0x2a: {  	s19 =	sshll.u32 s16, $0x7;
	s18 =	sadd.s32 s18, s8;
	s0 =	sshll.u32 s24, $0x7  }
0x2b: {  	[dreg:$0x1c] =	wrdreg s18;
	s18 =	sadd.s32 s19, s6;
	s19 =	sshll.u32 s24, $0x3  }
0x2c: {  	[dreg:$0x1d] =	wrdreg s18;
	s18 =	sadd.s32 s23, s8;
	s16 =	sadd.s32 s19, s8  }
0x2d: {  	s19 =	sadd.s32 $0x1B0, s17;
	s23 =	sadd.s32 $0x1E0, s17;
	[dreg:$0x1e] =	wrdreg s18  }
0x2e: {  	s18 =	sadd.s32 s0, s6;
	[smem:$0x7E3] =	sst s16;
	s20 =	sshll.u32 s19, $0x7  }
0x2f: {  	s24 =	sshll.u32 s23, $0x7;
	s0 =	sshll.u32 s23, $0x3;
	s16 =	sadd.s32 $0x210, s17  }
0x30: {  	[dreg:$0x1f] =	wrdreg s18;
	s18 =	sshll.u32 s19, $0x3;
	s19 =	sadd.s32 s20, s6  }
0x31: {  	s20 =	sshll.u32 s16, $0x7;
	[smem:$0x7E4] =	sst s19;
	s18 =	sadd.s32 s18, s8  }
0x32: {  	s19 =	sshll.u32 s16, $0x3;
	[smem:$0x7E5] =	sst s18;
	s18 =	sadd.s32 s24, s6  }
0x33: {  	s23 =	sadd.s32 s19, s8;
	s24 =	sadd.s32 $0x240, s17;
	[smem:$0x7E6] =	sst s18  }
0x34: {  	s17 =	sadd.s32 $0x270, s17;
	s18 =	sadd.s32 s0, s8;
	[smem:$0x7E9] =	sst s23  }
0x35: {  	s0 =	sshll.u32 s24, $0x7;
	s23 =	sadd.s32 s25, s11;
	[smem:$0x7E7] =	sst s18  }
0x36: {  	s16 =	sshll.u32 s17, $0x7;
	s18 =	sadd.s32 s20, s6;
	[smem:$0x7F1] =	sst s23  }
0x37: {  	s17 =	sshll.u32 s17, $0x3;
	s19 =	sadd.s32 s0, s6;
	[smem:$0x7E8] =	sst s18  }
0x38: {  	s12 =	sshrl.u32 s12, $0x3;
	s17 =	sadd.s32 s17, s8;
	[smem:$0x7EA] =	sst s19  }
0x39: {  	s28 =	simm.s32 $0x9740;
	s20 =	sadd.s32 s9, s12;
	[smem:$0x7ED] =	sst s17  }
0x3a: {  	s0 =	sshrl.u32 s3, $0x3;
	s3 =	sadd.s32 s29, s3;
	[smem:$0x7EF] =	sst s20  }
0x3b: {  	s30 =	simm.s32 $0x5;
	s23 =	sadd.s32 $0xDB000, s14;
	[smem:$0x7F9] =	sst s3  }
0x3c: {  	s31 =	simm.s32 $0x30;
	s19 =	sadd.s32 s25, s12;
	[smem:$0x7FB] =	sst s23  }
0x3d: {  	s4 =	smul.u32 $0x13880, s4;
	s12 =	sadd.s32 s22, s12;
	[smem:$0x7EE] =	sst s19  }
0x3e: {  	s18 =	sshll.u32 s24, $0x3;
	s24 =	sadd.s32 s9, s11;
	[smem:$0x7F0] =	sst s12  }
0x3f: {  	s4 =	sshrl.u32 s4, $0x3;
	s11 =	sadd.s32 s22, s11;
	[smem:$0x7F2] =	sst s24  }
0x40: {  	s4 =	sadd.s32 s29, s4;
	s17 =	sadd.s32 s25, s0;
	[smem:$0x7F3] =	sst s11  }
0x41: {  	s20 =	sadd.s32 $0xE0000, s13;
	s13 =	simm.s32 $0x4BF0;
	[smem:$0x7F6] =	sst s17  }
0x42: {  	s23 =	simm.s32 $0x3;
	s18 =	sadd.s32 s18, s8;
	[smem:$0x7FA] =	sst s20  }
0x43: {  	s3 =	simm.s32 $0x0;
	s19 =	sadd.s32 s22, s0;
	[smem:$0x7EB] =	sst s18  }
0x44: {  	s24 =	sadd.s32 $0xC0, s10;
	s11 =	simm.s32 $0x1;
	[smem:$0x7F8] =	sst s19  }
0x45: {  	s12 =	simm.s32 $0x3390;
	s18 =	sadd.s32 s16, s6;
	[smem:$0x7FD] =	sst s24  }
0x46: {  	s20 =	simm.s32 $0x4BC0;
	s16 =	sadd.s32 $0x26A0, s4;
	[smem:$0x7EC] =	sst s18  }
0x47: {  	s17 =	simm.s32 $0x4;
	s4 =	sadd.s32 $0x26D0, s4;
	[smem:$0x7F4] =	sst s16  }
0x48: {  	v2 =	vlaneseq.u32;
	s19 =	simm.s32 $0x4B90;
	s24 =	simm.s32 $0x2;
	[smem:$0x7F5] =	sst s4  }
0x49: {  	v1 =	vshrl.u32 v2, $0x3;
	s18 =	sadd.s32 s9, s0;
	s0 =	simm.s32 $0x60;
	s4 =	simm.s32 $0x90  }
0x4a: {  	v0 =	vimm.f32 $0.0e+00;
	v2 =	vand.u32 $0x7, v2;
	v1 =	vmul.u32 $0x8, v1;
	s16 =	simm.s32 $0x1B90;
	[smem:$0x7F7] =	sst s18;
	s18 =	simm.s32 $0x390  }
.LBB2_1:
0x4b: {  	[smem:$0x7E2] =	sst s3;
	s2 =	simm.s32 $0x0;
	s3 =	simm.s32 $0x200  }
.LBB2_2:
0x4c: {  	p0 =	sne.s32 s3, $0x5E00;
	[tilespmem:s2+$0x400] =	vst v0  }
0x4d: {  	[tilespmem:s2+$0x390] =	vst v0  }
0x4e: {  	[tilespmem:s2+$0x3A0] =	vst v0  }
.Ltmp0:
0x4f: {  	[tilespmem:s2+$0x3B0] =	vst v0;
	(pc) =	sbr.rel @p0 .LBB2_2-.Ltmp0, $4  }
0x50: {  	[tilespmem:s2+$0x3C0] =	vst v0  }
0x51: {  	[tilespmem:s2+$0x3D0] =	vst v0  }
0x52: {  	[tilespmem:s2+$0x3E0] =	vst v0  }
0x53: {  	[tilespmem:s2+$0x3F0] =	vst v0;
	s2 =	sshra.s32 s3, $0x2;
	s3 =	sadd.s32 $0x200, s3  }
0x54: {  	[tilespmem:s2+$0x400] =	vst v0  }
0x55: {  	[tilespmem:s2+$0x390] =	vst v0  }
0x56: {  	[tilespmem:s2+$0x3A0] =	vst v0  }
0x57: {  	[tilespmem:s2+$0x3B0] =	vst v0;
	s3 =	simm.s32 $0x0  }
0x58: {  	[tilespmem:s2+$0x3C0] =	vst v0;
	v3 =	vmov s3  }
0x59: {  	[tilespmem:s2+$0x3D0] =	vst v0;
	v3 =	vshll.u32 v3, $0x3  }
0x5a: {  	[tilespmem:s2+$0x3E0] =	vst v0;
	v3 =	vor.u32 v1, v3  }
0x5b: {  	[tilespmem:s2+$0x3F0] =	vst v0;
	s2 =	simm.s32 $0x2;
	s10 =	simm.s32 $0x4F20;
	s14 =	simm.s32 $0x6720;
	v3 =	vor.u32 v2, v3  }
.LBB2_4:
0x5c: {  	p0 =	sne.s32 s2, $0x2E  }
.Ltmp1:
0x5d: {  	_ = 	snop;
	(pc) =	sbr.rel @p0 .LBB2_4-.Ltmp1, $4  }
0x5e: {  	v4 =	vmov s2  }
0x5f: {  	v4 =	vshll.u32 v4, $0x3  }
0x60: {  	v4 =	vor.u32 v1, v4  }
0x61: {  	s2 =	sadd.s32 $0x2, s2;
	[tilespmem:v3+s28+$0x0] =	vst.idx.msk $0xffff, v0;
	v3 =	vor.u32 v2, v4  }
0x62: {  	_ =	sdelay $0x3  }
0x63: {  	[tilespmem:v3+s28+$0x0] =	vst.idx.msk $0xffff, v0  }
0x64: {  	[spmem:s21] =	stream.linear.scatter [tilespmem:s18], [sflag:$0x5], $0x1800, $0x38;
	[tilespmem:$0x1E4C8] =	vst v63  }
0x65: {  	_ =	swait.ge [sflag:s30], $0x1800  }
0x66: {  	[sflag:s30] =	ssyncset.done $0x0  }
0x67: {  	[sflag:s30] =	ssyncadd.s32 $0xFFFFE800  }
0x68: {  	[spmem:s26] =	stream.linear.scatter [tilespmem:s28], [sflag:$0x5], $0x180, $0x38;
	[tilespmem:$0x1E4C8] =	vst v63  }
0x69: {  	_ =	swait.ge [sflag:s30], $0x180  }
0x6a: {  	[sflag:s30] =	ssyncset.done $0x0  }
0x6b: {  	s2 =	rddreg [dreg:$0x11];
	[sflag:s30] =	ssyncadd.s32 $0xFFFFFE80  }
0x6c: {  	[spmem:s2] =	stream.linear.scatter [tilespmem:s18], [sflag:$0x5], $0x1800, $0x38;
	[tilespmem:$0x1E4C8] =	vst v63  }
0x6d: {  	_ =	swait.ge [sflag:s30], $0x1800  }
0x6e: {  	[sflag:s30] =	ssyncset.done $0x0  }
0x6f: {  	s3 =	rddreg [dreg:$0x12];
	[sflag:s30] =	ssyncadd.s32 $0xFFFFE800  }
0x70: {  	[spmem:s3] =	stream.linear.scatter [tilespmem:s28], [sflag:$0x5], $0x180, $0x38;
	[tilespmem:$0x1E4C8] =	vst v63  }
0x71: {  	_ =	swait.ge [sflag:s30], $0x180  }
0x72: {  	[sflag:s30] =	ssyncset.done $0x0  }
0x73: {  	s21 =	rddreg [dreg:$0x13];
	[sflag:s30] =	ssyncadd.s32 $0xFFFFFE80  }
0x74: {  	[spmem:s21] =	stream.linear.scatter [tilespmem:s18], [sflag:$0x5], $0x1800, $0x38;
	[tilespmem:$0x1E4C8] =	vst v63  }
0x75: {  	_ =	swait.ge [sflag:s30], $0x1800  }
0x76: {  	[sflag:s30] =	ssyncset.done $0x0  }
0x77: {  	s26 =	rddreg [dreg:$0x14];
	[sflag:s30] =	ssyncadd.s32 $0xFFFFE800  }
0x78: {  	[spmem:s26] =	stream.linear.scatter [tilespmem:s28], [sflag:$0x5], $0x180, $0x38;
	[tilespmem:$0x1E4C8] =	vst v63  }
0x79: {  	_ =	swait.ge [sflag:s30], $0x180  }
0x7a: {  	[sflag:s30] =	ssyncset.done $0x0  }
0x7b: {  	s3 =	rddreg [dreg:$0x15];
	[sflag:s30] =	ssyncadd.s32 $0xFFFFFE80  }
0x7c: {  	[spmem:s3] =	stream.linear.scatter [tilespmem:s18], [sflag:$0x5], $0x1800, $0x38;
	[tilespmem:$0x1E4C8] =	vst v63  }
0x7d: {  	_ =	swait.ge [sflag:s30], $0x1800  }
0x7e: {  	[sflag:s30] =	ssyncset.done $0x0  }
0x7f: {  	s21 =	rddreg [dreg:$0x16];
	[sflag:s30] =	ssyncadd.s32 $0xFFFFE800  }
0x80: {  	[spmem:s21] =	stream.linear.scatter [tilespmem:s28], [sflag:$0x5], $0x180, $0x38;
	[tilespmem:$0x1E4C8] =	vst v63  }
0x81: {  	_ =	swait.ge [sflag:s30], $0x180  }
0x82: {  	[sflag:s30] =	ssyncset.done $0x0  }
0x83: {  	s26 =	rddreg [dreg:$0x17];
	[sflag:s30] =	ssyncadd.s32 $0xFFFFFE80  }
0x84: {  	[spmem:s26] =	stream.linear.scatter [tilespmem:s18], [sflag:$0x5], $0x1800, $0x38;
	[tilespmem:$0x1E4C8] =	vst v63  }
0x85: {  	_ =	swait.ge [sflag:s30], $0x1800  }
0x86: {  	[sflag:s30] =	ssyncset.done $0x0  }
0x87: {  	s3 =	rddreg [dreg:$0x18];
	[sflag:s30] =	ssyncadd.s32 $0xFFFFE800  }
0x88: {  	[spmem:s3] =	stream.linear.scatter [tilespmem:s28], [sflag:$0x5], $0x180, $0x38;
	[tilespmem:$0x1E4C8] =	vst v63  }
0x89: {  	_ =	swait.ge [sflag:s30], $0x180  }
0x8a: {  	[sflag:s30] =	ssyncset.done $0x0  }
0x8b: {  	s21 =	rddreg [dreg:$0x19];
	[sflag:s30] =	ssyncadd.s32 $0xFFFFFE80  }
0x8c: {  	[spmem:s21] =	stream.linear.scatter [tilespmem:s18], [sflag:$0x5], $0x1800, $0x38;
	[tilespmem:$0x1E4C8] =	vst v63  }
0x8d: {  	_ =	swait.ge [sflag:s30], $0x1800  }
0x8e: {  	[sflag:s30] =	ssyncset.done $0x0  }
0x8f: {  	s26 =	rddreg [dreg:$0x1a];
	[sflag:s30] =	ssyncadd.s32 $0xFFFFE800  }
0x90: {  	[spmem:s26] =	stream.linear.scatter [tilespmem:s28], [sflag:$0x5], $0x180, $0x38;
	[tilespmem:$0x1E4C8] =	vst v63  }
0x91: {  	_ =	swait.ge [sflag:s30], $0x180  }
0x92: {  	[sflag:s30] =	ssyncset.done $0x0  }
0x93: {  	s3 =	rddreg [dreg:$0x1b];
	[sflag:s30] =	ssyncadd.s32 $0xFFFFFE80  }
0x94: {  	[spmem:s3] =	stream.linear.scatter [tilespmem:s18], [sflag:$0x5], $0x1800, $0x38;
	[tilespmem:$0x1E4C8] =	vst v63  }
0x95: {  	_ =	swait.ge [sflag:s30], $0x1800  }
0x96: {  	[sflag:s30] =	ssyncset.done $0x0  }
0x97: {  	s21 =	rddreg [dreg:$0x1c];
	[sflag:s30] =	ssyncadd.s32 $0xFFFFE800  }
0x98: {  	[spmem:s21] =	stream.linear.scatter [tilespmem:s28], [sflag:$0x5], $0x180, $0x38;
	[tilespmem:$0x1E4C8] =	vst v63  }
0x99: {  	_ =	swait.ge [sflag:s30], $0x180  }
0x9a: {  	[sflag:s30] =	ssyncset.done $0x0  }
0x9b: {  	s26 =	rddreg [dreg:$0x1d];
	[sflag:s30] =	ssyncadd.s32 $0xFFFFFE80  }
0x9c: {  	[spmem:s26] =	stream.linear.scatter [tilespmem:s18], [sflag:$0x5], $0x1800, $0x38;
	[tilespmem:$0x1E4C8] =	vst v63  }
0x9d: {  	_ =	swait.ge [sflag:s30], $0x1800  }
0x9e: {  	[sflag:s30] =	ssyncset.done $0x0  }
0x9f: {  	s3 =	rddreg [dreg:$0x1e];
	[sflag:s30] =	ssyncadd.s32 $0xFFFFE800  }
0xa0: {  	[spmem:s3] =	stream.linear.scatter [tilespmem:s28], [sflag:$0x5], $0x180, $0x38;
	[tilespmem:$0x1E4C8] =	vst v63  }
0xa1: {  	_ =	swait.ge [sflag:s30], $0x180  }
0xa2: {  	[sflag:s30] =	ssyncset.done $0x0  }
0xa3: {  	s21 =	rddreg [dreg:$0x1f];
	[sflag:s30] =	ssyncadd.s32 $0xFFFFFE80  }
0xa4: {  	[spmem:s21] =	stream.linear.scatter [tilespmem:s18], [sflag:$0x5], $0x1800, $0x38;
	[tilespmem:$0x1E4C8] =	vst v63  }
0xa5: {  	_ =	swait.ge [sflag:s30], $0x1800  }
0xa6: {  	s26 =	sld [smem:$0x7E3]  }
0xa7: {  	[sflag:s30] =	ssyncset.done $0x0  }
0xa8: {  	[sflag:s30] =	ssyncadd.s32 $0xFFFFE800  }
0xa9: {  	[spmem:s26] =	stream.linear.scatter [tilespmem:s28], [sflag:$0x5], $0x180, $0x38;
	[tilespmem:$0x1E4C8] =	vst v63  }
0xaa: {  	_ =	swait.ge [sflag:s30], $0x180  }
0xab: {  	s3 =	sld [smem:$0x7E4]  }
0xac: {  	[sflag:s30] =	ssyncset.done $0x0  }
0xad: {  	[sflag:s30] =	ssyncadd.s32 $0xFFFFFE80  }
0xae: {  	[spmem:s3] =	stream.linear.scatter [tilespmem:s18], [sflag:$0x5], $0x1800, $0x38;
	[tilespmem:$0x1E4C8] =	vst v63  }
0xaf: {  	_ =	swait.ge [sflag:s30], $0x1800  }
0xb0: {  	s21 =	sld [smem:$0x7E5]  }
0xb1: {  	[sflag:s30] =	ssyncset.done $0x0  }
0xb2: {  	[sflag:s30] =	ssyncadd.s32 $0xFFFFE800  }
0xb3: {  	[spmem:s21] =	stream.linear.scatter [tilespmem:s28], [sflag:$0x5], $0x180, $0x38;
	[tilespmem:$0x1E4C8] =	vst v63  }
0xb4: {  	_ =	swait.ge [sflag:s30], $0x180  }
0xb5: {  	s26 =	sld [smem:$0x7E6]  }
0xb6: {  	[sflag:s30] =	ssyncset.done $0x0  }
0xb7: {  	[sflag:s30] =	ssyncadd.s32 $0xFFFFFE80  }
0xb8: {  	[spmem:s26] =	stream.linear.scatter [tilespmem:s18], [sflag:$0x5], $0x1800, $0x38;
	[tilespmem:$0x1E4C8] =	vst v63  }
0xb9: {  	_ =	swait.ge [sflag:s30], $0x1800  }
0xba: {  	s3 =	sld [smem:$0x7E7]  }
0xbb: {  	[sflag:s30] =	ssyncset.done $0x0  }
0xbc: {  	[sflag:s30] =	ssyncadd.s32 $0xFFFFE800  }
0xbd: {  	[spmem:s3] =	stream.linear.scatter [tilespmem:s28], [sflag:$0x5], $0x180, $0x38;
	[tilespmem:$0x1E4C8] =	vst v63  }
0xbe: {  	_ =	swait.ge [sflag:s30], $0x180  }
0xbf: {  	s21 =	sld [smem:$0x7E8]  }
0xc0: {  	[sflag:s30] =	ssyncset.done $0x0  }
0xc1: {  	[sflag:s30] =	ssyncadd.s32 $0xFFFFFE80  }
0xc2: {  	[spmem:s21] =	stream.linear.scatter [tilespmem:s18], [sflag:$0x5], $0x1800, $0x38;
	[tilespmem:$0x1E4C8] =	vst v63  }
0xc3: {  	_ =	swait.ge [sflag:s30], $0x1800  }
0xc4: {  	s26 =	sld [smem:$0x7E9]  }
0xc5: {  	[sflag:s30] =	ssyncset.done $0x0  }
0xc6: {  	[sflag:s30] =	ssyncadd.s32 $0xFFFFE800  }
0xc7: {  	[spmem:s26] =	stream.linear.scatter [tilespmem:s28], [sflag:$0x5], $0x180, $0x38;
	[tilespmem:$0x1E4C8] =	vst v63  }
0xc8: {  	_ =	swait.ge [sflag:s30], $0x180  }
0xc9: {  	s3 =	sld [smem:$0x7EA]  }
0xca: {  	[sflag:s30] =	ssyncset.done $0x0  }
0xcb: {  	[sflag:s30] =	ssyncadd.s32 $0xFFFFFE80  }
0xcc: {  	[spmem:s3] =	stream.linear.scatter [tilespmem:s18], [sflag:$0x5], $0x1800, $0x38;
	[tilespmem:$0x1E4C8] =	vst v63  }
0xcd: {  	_ =	swait.ge [sflag:s30], $0x1800  }
0xce: {  	s21 =	sld [smem:$0x7EB]  }
0xcf: {  	[sflag:s30] =	ssyncset.done $0x0  }
0xd0: {  	[sflag:s30] =	ssyncadd.s32 $0xFFFFE800  }
0xd1: {  	[spmem:s21] =	stream.linear.scatter [tilespmem:s28], [sflag:$0x5], $0x180, $0x38;
	[tilespmem:$0x1E4C8] =	vst v63  }
0xd2: {  	_ =	swait.ge [sflag:s30], $0x180  }
0xd3: {  	s26 =	sld [smem:$0x7EC]  }
0xd4: {  	[sflag:s30] =	ssyncset.done $0x0  }
0xd5: {  	[sflag:s30] =	ssyncadd.s32 $0xFFFFFE80  }
0xd6: {  	[spmem:s26] =	stream.linear.scatter [tilespmem:s18], [sflag:$0x5], $0x80, $0x38;
	[tilespmem:$0x1E4C8] =	vst v63  }
0xd7: {  	_ =	swait.ge [sflag:s30], $0x80  }
0xd8: {  	s3 =	sld [smem:$0x7ED]  }
0xd9: {  	[sflag:s30] =	ssyncset.done $0x0  }
0xda: {  	[sflag:s30] =	ssyncadd.s32 $0xFFFFFF80  }
0xdb: {  	[spmem:s3] =	stream.linear.scatter [tilespmem:s28], [sflag:$0x5], $0x8, $0x38;
	[tilespmem:$0x1E4C8] =	vst v63  }
0xdc: {  	_ =	swait.ge [sflag:s30], $0x8  }
0xdd: {  	[sflag:s30] =	ssyncset.done $0x0  }
0xde: {  	[sflag:s30] =	ssyncadd.s32 $0xFFFFFFF8  }
0xdf: {  	[bflag:$0x0] =	sbarrier.arrive $0xFFFF  }
0xe0: {  	s3 =	sld [smem:$0x7EE];
	_ =	sdelay $0x1  }
0xe1: {  	s2 =	simm.s32 $0x0;
	s21 =	sld [smem:$0x7EF]  }
0xe2: {  	[tilespmem:s2], [sflag:$0x1] =	stream.linear.gather [hbm4b:s3+s2], $0x30, $0x38;
	[tilespmem:$0x1E4C8] =	vst v63  }
0xe3: {  	s26 =	sld [smem:$0x7F0]  }
0xe4: {  	[tilespmem:s31], [sflag:$0x1] =	stream.linear.gather [hbm4b:s21+s2], $0x30, $0x38;
	[tilespmem:$0x1E4C8] =	vst v63  }
0xe5: {  	_ = 	snop  }
0xe6: {  	[tilespmem:s0], [sflag:$0x1] =	stream.linear.gather [hbm4b:s26+s2], $0x30, $0x38;
	[tilespmem:$0x1E4C8] =	vst v63  }
0xe7: {  	s21 =	rddreg [dreg:$0xb]  }
0xe8: {  	[tilespmem:s4], [sflag:$0x1] =	stream.linear.gather [hbm4b:s21+s2], $0x300, $0x38;
	[tilespmem:$0x1E4C8] =	vst v63  }
0xe9: {  	_ =	swait.ge [sflag:s11], $0x30  }
0xea: {  	[sflag:s11] =	ssyncset.done $0x0  }
0xeb: {  	[sflag:s11] =	ssyncadd.s32 $0xFFFFFFD0  }
0xec: {  	_ =	swait.ge [sflag:s11], $0x30  }
0xed: {  	[sflag:s11] =	ssyncset.done $0x0  }
0xee: {  	[sflag:s11] =	ssyncadd.s32 $0xFFFFFFD0  }
0xef: {  	_ =	swait.ge [sflag:s11], $0x30  }
0xf0: {  	[sflag:s11] =	ssyncset.done $0x0  }
0xf1: {  	[sflag:s11] =	ssyncadd.s32 $0xFFFFFFD0  }
0xf2: {  	_ =	swait.ge [sflag:s11], $0x300  }
0xf3: {  	[sflag:s11] =	ssyncset.done $0x0  }
0xf4: {  	[sflag:s11] =	ssyncadd.s32 $0xFFFFFD00  }
0xf5: {  	[tilespmem:s18], [sflag:$0x3] =	stream.indirect.gather [hbm4b:s1+s31], $0x80, s31, s31, $0xb8;
	[tilespmem:$0x1E4C8] =	vst v63  }
0xf6: {  	_ = 	snop  }
0xf7: {  	[tilespmem:s16], [sflag:$0x3] =	stream.indirect.gather [hbm4b:s5+s31], $0x80, s2, s31, $0xb8;
	[tilespmem:$0x1E4C8] =	vst v63  }
0xf8: {  	s26 =	sld [smem:$0x7F1]  }
0xf9: {  	[tilespmem:s12], [sflag:$0x3] =	stream.indirect.gather [hbm4b:s15+s31], $0x80, s2, s31, $0xb8;
	[tilespmem:$0x1E4C8] =	vst v63  }
0xfa: {  	s4 =	sld [smem:$0x7F2]  }
0xfb: {  	[tilespmem:s19], [sflag:$0x2] =	stream.linear.gather [hbm4b:s26+s2], $0x30, $0x38;
	[tilespmem:$0x1E4C8] =	vst v63  }
0xfc: {  	s21 =	sld [smem:$0x7F3]  }
0xfd: {  	[tilespmem:s20], [sflag:$0x2] =	stream.linear.gather [hbm4b:s4+s2], $0x30, $0x38;
	[tilespmem:$0x1E4C8] =	vst v63  }
0xfe: {  	_ = 	snop  }
0xff: {  	[tilespmem:s13], [sflag:$0x2] =	stream.linear.gather [hbm4b:s21+s2], $0x30, $0x38;
	[tilespmem:$0x1E4C8] =	vst v63  }
0x100: {  	s26 =	rddreg [dreg:$0xc];
	s21 =	simm.s32 $0x4C20  }
0x101: {  	[tilespmem:s21], [sflag:$0x2] =	stream.linear.gather [hbm4b:s26+s2], $0x300, $0x38;
	[tilespmem:$0x1E4C8] =	vst v63  }
0x102: {  	_ =	swait.ge [sflag:s23], $0x1800  }
0x103: {  	[sflag:s23] =	ssyncset.done $0x0  }
0x104: {  	[sflag:s23] =	ssyncadd.s32 $0xFFFFE800  }
0x105: {  	_ =	swait.ge [sflag:s23], $0x1800  }
0x106: {  	[sflag:s23] =	ssyncset.done $0x0  }
0x107: {  	[sflag:s23] =	ssyncadd.s32 $0xFFFFE800  }
0x108: {  	_ =	swait.ge [sflag:s23], $0x1800  }
0x109: {  	[sflag:s23] =	ssyncset.done $0x0  }
0x10a: {  	[sflag:s23] =	ssyncadd.s32 $0xFFFFE800  }
0x10b: {  	_ =	swait.ge [sflag:s24], $0x30  }
0x10c: {  	[sflag:s24] =	ssyncset.done $0x0  }
0x10d: {  	[sflag:s24] =	ssyncadd.s32 $0xFFFFFFD0  }
0x10e: {  	_ =	swait.ge [sflag:s24], $0x30  }
0x10f: {  	[sflag:s24] =	ssyncset.done $0x0  }
0x110: {  	[sflag:s24] =	ssyncadd.s32 $0xFFFFFFD0  }
0x111: {  	_ =	swait.ge [sflag:s24], $0x30  }
0x112: {  	[sflag:s24] =	ssyncset.done $0x0  }
0x113: {  	[sflag:s24] =	ssyncadd.s32 $0xFFFFFFD0  }
0x114: {  	_ =	swait.ge [sflag:s24], $0x300  }
0x115: {  	[sflag:s24] =	ssyncset.done $0x0  }
0x116: {  	[sflag:s24] =	ssyncadd.s32 $0xFFFFFD00  }
0x117: {  	[tilespmem:s10], [sflag:$0x4] =	stream.indirect.gather [hbm4b:s1+s31], $0x80, s20, s31, $0xb8;
	[tilespmem:$0x1E4C8] =	vst v63  }
0x118: {  	_ = 	snop  }
0x119: {  	[tilespmem:s14], [sflag:$0x4] =	stream.indirect.gather [hbm4b:s5+s31], $0x80, s19, s31, $0xb8;
	[tilespmem:$0x1E4C8] =	vst v63  }
0x11a: {  	s10 =	simm.s32 $0x7F20  }
0x11b: {  	[tilespmem:s10], [sflag:$0x4] =	stream.indirect.gather [hbm4b:s15+s31], $0x80, s19, s31, $0xb8;
	[tilespmem:$0x1E4C8] =	vst v63  }
0x11c: {  	_ = 	snop  }
0x11d: {  	[spmem:s6] =	stream.indirect.scatter.add.f32 [tilespmem:s12], [sflag:$0x5], $0x80, s31, s31, $0xb8;
	[tilespmem:$0x1E4C8] =	vst v63  }
0x11e: {  	_ =	swait.ge [sflag:s30], $0x1800  }
0x11f: {  	[sflag:s30] =	ssyncset.done $0x0  }
0x120: {  	[sflag:s30] =	ssyncadd.s32 $0xFFFFE800  }
0x121: {  	[spmem:s8] =	stream.indirect.scatter.add.f32 [tilespmem:s28], [sflag:$0x5], $0x8, s31, s31, $0xb8;
	[tilespmem:$0x1E4C8] =	vst v63  }
0x122: {  	_ =	swait.ge [sflag:s30], $0x180  }
0x123: {  	[sflag:s30] =	ssyncset.done $0x0;
	s4 =	rddreg [dreg:$0xa]  }
0x124: {  	[sflag:s30] =	ssyncadd.s32 $0xFFFFFE80;
	s2 =	sadd.s32 s4, s29  }
0x125: {  	[hbm4b:s2+s7] =	stream.linear.scatter [tilespmem:s28], [sflag:$0x5], $0x180, $0x38;
	[tilespmem:$0x1E4C8] =	vst v63  }
0x126: {  	s26 =	sadd.s32 $0x60, s4;
	_ =	swait.ge [sflag:s30], $0x180  }
0x127: {  	s3 =	sshrl.u32 s26, $0x3;
	[sflag:s30] =	ssyncset.done $0x0  }
0x128: {  	s12 =	sadd.s32 s25, s3;
	[sflag:s30] =	ssyncadd.s32 $0xFFFFFE80  }
0x129: {  	[tilespmem:s7], [sflag:$0x1] =	stream.linear.gather [hbm4b:s12+s7], $0x30, $0x38;
	[tilespmem:$0x1E4C8] =	vst v63  }
0x12a: {  	s14 =	sadd.s32 s9, s3  }
0x12b: {  	[tilespmem:s31], [sflag:$0x1] =	stream.linear.gather [hbm4b:s14+s7], $0x30, $0x38;
	[tilespmem:$0x1E4C8] =	vst v63  }
0x12c: {  	s3 =	sadd.s32 s22, s3;
	s12 =	sld [smem:$0x7FD]  }
0x12d: {  	[tilespmem:s0], [sflag:$0x1] =	stream.linear.gather [hbm4b:s3+s7], $0x30, $0x38;
	[tilespmem:$0x1E4C8] =	vst v63  }
0x12e: {  	s4 =	simm.s32 $0x90  }
0x12f: {  	[tilespmem:s4], [sflag:$0x1] =	stream.linear.gather [hbm4b:s12+s7], $0x300, $0x38;
	[tilespmem:$0x1E4C8] =	vst v63  }
0x130: {  	_ =	swait.ge [sflag:s17], $0x1800  }
0x131: {  	[sflag:s17] =	ssyncset.done $0x0  }
0x132: {  	[sflag:s17] =	ssyncadd.s32 $0xFFFFE800  }
0x133: {  	_ =	swait.ge [sflag:s17], $0x1800  }
0x134: {  	[sflag:s17] =	ssyncset.done $0x0  }
0x135: {  	[sflag:s17] =	ssyncadd.s32 $0xFFFFE800  }
0x136: {  	_ =	swait.ge [sflag:s17], $0x1800  }
0x137: {  	[sflag:s17] =	ssyncset.done $0x0  }
0x138: {  	[sflag:s17] =	ssyncadd.s32 $0xFFFFE800  }
0x139: {  	_ =	swait.ge [sflag:s11], $0x30  }
0x13a: {  	[sflag:s11] =	ssyncset.done $0x0  }
0x13b: {  	[sflag:s11] =	ssyncadd.s32 $0xFFFFFFD0  }
0x13c: {  	_ =	swait.ge [sflag:s11], $0x30  }
0x13d: {  	[sflag:s11] =	ssyncset.done $0x0  }
0x13e: {  	[sflag:s11] =	ssyncadd.s32 $0xFFFFFFD0  }
0x13f: {  	_ =	swait.ge [sflag:s11], $0x30  }
0x140: {  	[sflag:s11] =	ssyncset.done $0x0  }
0x141: {  	[sflag:s11] =	ssyncadd.s32 $0xFFFFFFD0  }
0x142: {  	_ =	swait.ge [sflag:s11], $0x300  }
0x143: {  	[sflag:s11] =	ssyncset.done $0x0  }
0x144: {  	[sflag:s11] =	ssyncadd.s32 $0xFFFFFD00  }
0x145: {  	[tilespmem:s18], [sflag:$0x3] =	stream.indirect.gather [hbm4b:s1+s31], $0x80, s31, s31, $0xb8;
	[tilespmem:$0x1E4C8] =	vst v63  }
0x146: {  	_ = 	snop  }
0x147: {  	[tilespmem:s16], [sflag:$0x3] =	stream.indirect.gather [hbm4b:s5+s31], $0x80, s7, s31, $0xb8;
	[tilespmem:$0x1E4C8] =	vst v63  }
0x148: {  	s14 =	simm.s32 $0x3390  }
0x149: {  	[tilespmem:s14], [sflag:$0x3] =	stream.indirect.gather [hbm4b:s15+s31], $0x80, s7, s31, $0xb8;
	[tilespmem:$0x1E4C8] =	vst v63  }
0x14a: {  	_ = 	snop  }
0x14b: {  	[spmem:s6] =	stream.indirect.scatter.add.f32 [tilespmem:s10], [sflag:$0x5], $0x80, s20, s31, $0xb8;
	[tilespmem:$0x1E4C8] =	vst v63  }
0x14c: {  	_ =	swait.ge [sflag:s30], $0x1800  }
0x14d: {  	[sflag:s30] =	ssyncset.done $0x0  }
0x14e: {  	[sflag:s30] =	ssyncadd.s32 $0xFFFFE800  }
0x14f: {  	[spmem:s8] =	stream.indirect.scatter.add.f32 [tilespmem:s28], [sflag:$0x5], $0x8, s20, s31, $0xb8;
	[tilespmem:$0x1E4C8] =	vst v63  }
0x150: {  	_ =	swait.ge [sflag:s30], $0x180  }
0x151: {  	[sflag:s30] =	ssyncset.done $0x0  }
0x152: {  	s2 =	sadd.s32 $0x30, s2;
	[sflag:s30] =	ssyncadd.s32 $0xFFFFFE80  }
0x153: {  	[hbm4b:s2+s7] =	stream.linear.scatter [tilespmem:s28], [sflag:$0x5], $0x180, $0x38;
	[tilespmem:$0x1E4C8] =	vst v63  }
0x154: {  	_ =	swait.ge [sflag:s30], $0x180  }
0x155: {  	s16 =	rddreg [dreg:$0x9]  }
0x156: {  	s4 =	sadd.s32 $0xC0, s12;
	s18 =	rddreg [dreg:$0x8];
	[sflag:s30] =	ssyncset.done $0x0  }
0x157: {  	s0 =	rddreg [dreg:$0x7];
	[sflag:s30] =	ssyncadd.s32 $0xFFFFFE80;
	s2 =	sadd.s32 $0x0, s16  }
0x158: {  	[tilespmem:s19], [sflag:$0x2] =	stream.linear.gather [hbm4b:s2+s7], $0x30, $0x38;
	[tilespmem:$0x1E4C8] =	vst v63  }
0x159: {  	s16 =	sadd.s32 $0x0, s18;
	s18 =	sadd.s32 $0x0, s0;
	s2 =	rddreg [dreg:$0xe]  }
0x15a: {  	[tilespmem:s20], [sflag:$0x2] =	stream.linear.gather [hbm4b:s16+s7], $0x30, $0x38;
	[tilespmem:$0x1E4C8] =	vst v63  }
0x15b: {  	s3 =	sadd.s32 $0xC0, s2;
	s16 =	smov.u32 s9;
	s9 =	smov.u32 s25  }
0x15c: {  	[tilespmem:s13], [sflag:$0x2] =	stream.linear.gather [hbm4b:s18+s7], $0x30, $0x38;
	[tilespmem:$0x1E4C8] =	vst v63  }
0x15d: {  	s25 =	smov.u32 s22;
	s13 =	simm.s32 $0x4BF0;
	s18 =	simm.s32 $0xC  }
.LBB2_6:
0x15e: {  	[tilespmem:s21], [sflag:$0x2] =	stream.linear.gather [hbm4b:s2+s7], $0x300, $0x38;
	[tilespmem:$0x1E4C8] =	vst v63  }
0x15f: {  	_ =	swait.ge [sflag:s23], $0x1800  }
0x160: {  	[sflag:s23] =	ssyncset.done $0x0  }
0x161: {  	[sflag:s23] =	ssyncadd.s32 $0xFFFFE800  }
0x162: {  	_ =	swait.ge [sflag:s23], $0x1800  }
0x163: {  	[sflag:s23] =	ssyncset.done $0x0  }
0x164: {  	[sflag:s23] =	ssyncadd.s32 $0xFFFFE800  }
0x165: {  	_ =	swait.ge [sflag:s23], $0x1800  }
0x166: {  	[sflag:s23] =	ssyncset.done $0x0  }
0x167: {  	[sflag:s23] =	ssyncadd.s32 $0xFFFFE800  }
0x168: {  	_ =	swait.ge [sflag:s24], $0x30  }
0x169: {  	[sflag:s24] =	ssyncset.done $0x0  }
0x16a: {  	[sflag:s24] =	ssyncadd.s32 $0xFFFFFFD0  }
0x16b: {  	_ =	swait.ge [sflag:s24], $0x30  }
0x16c: {  	[sflag:s24] =	ssyncset.done $0x0  }
0x16d: {  	[sflag:s24] =	ssyncadd.s32 $0xFFFFFFD0  }
0x16e: {  	_ =	swait.ge [sflag:s24], $0x30  }
0x16f: {  	[sflag:s24] =	ssyncset.done $0x0  }
0x170: {  	[sflag:s24] =	ssyncadd.s32 $0xFFFFFFD0  }
0x171: {  	_ =	swait.ge [sflag:s24], $0x300  }
0x172: {  	[sflag:s24] =	ssyncset.done $0x0  }
0x173: {  	s0 =	simm.s32 $0x4F20;
	[sflag:s24] =	ssyncadd.s32 $0xFFFFFD00  }
0x174: {  	[tilespmem:s0], [sflag:$0x4] =	stream.indirect.gather [hbm4b:s1+s31], $0x80, s20, s31, $0xb8;
	[tilespmem:$0x1E4C8] =	vst v63  }
0x175: {  	s21 =	simm.s32 $0x6720  }
0x176: {  	[tilespmem:s21], [sflag:$0x4] =	stream.indirect.gather [hbm4b:s5+s31], $0x80, s19, s31, $0xb8;
	[tilespmem:$0x1E4C8] =	vst v63  }
0x177: {  	_ = 	snop  }
0x178: {  	[tilespmem:s10], [sflag:$0x4] =	stream.indirect.gather [hbm4b:s15+s31], $0x80, s19, s31, $0xb8;
	[tilespmem:$0x1E4C8] =	vst v63  }
0x179: {  	_ = 	snop  }
0x17a: {  	[spmem:s6] =	stream.indirect.scatter.add.f32 [tilespmem:s14], [sflag:$0x5], $0x80, s31, s31, $0xb8;
	[tilespmem:$0x1E4C8] =	vst v63  }
0x17b: {  	_ =	swait.ge [sflag:s30], $0x1800  }
0x17c: {  	[sflag:s30] =	ssyncset.done $0x0  }
0x17d: {  	[sflag:s30] =	ssyncadd.s32 $0xFFFFE800  }
0x17e: {  	[spmem:s8] =	stream.indirect.scatter.add.f32 [tilespmem:s28], [sflag:$0x5], $0x8, s31, s31, $0xb8;
	[tilespmem:$0x1E4C8] =	vst v63  }
0x17f: {  	_ =	swait.ge [sflag:s30], $0x180  }
0x180: {  	[sflag:s30] =	ssyncset.done $0x0  }
0x181: {  	s0 =	smov.u32 s29;
	s29 =	sadd.s32 s26, s29;
	[sflag:s30] =	ssyncadd.s32 $0xFFFFFE80  }
0x182: {  	[hbm4b:s29+s7] =	stream.linear.scatter [tilespmem:s28], [sflag:$0x5], $0x180, $0x38;
	[tilespmem:$0x1E4C8] =	vst v63  }
0x183: {  	s26 =	sadd.s32 $0x60, s26;
	_ =	swait.ge [sflag:s30], $0x180  }
0x184: {  	s21 =	sshrl.u32 s26, $0x3;
	[sflag:s30] =	ssyncset.done $0x0  }
0x185: {  	s22 =	sadd.s32 s9, s21;
	[sflag:s30] =	ssyncadd.s32 $0xFFFFFE80  }
0x186: {  	[tilespmem:s7], [sflag:$0x1] =	stream.linear.gather [hbm4b:s22+s7], $0x30, $0x38;
	[tilespmem:$0x1E4C8] =	vst v63  }
0x187: {  	s22 =	sadd.s32 s16, s21  }
0x188: {  	[tilespmem:s31], [sflag:$0x1] =	stream.linear.gather [hbm4b:s22+s7], $0x30, $0x38;
	[tilespmem:$0x1E4C8] =	vst v63  }
0x189: {  	s21 =	sadd.s32 s25, s21;
	s22 =	simm.s32 $0x60  }
0x18a: {  	[tilespmem:s22], [sflag:$0x1] =	stream.linear.gather [hbm4b:s21+s7], $0x30, $0x38;
	[tilespmem:$0x1E4C8] =	vst v63  }
0x18b: {  	s22 =	simm.s32 $0x90  }
0x18c: {  	[tilespmem:s22], [sflag:$0x1] =	stream.linear.gather [hbm4b:s4+s7], $0x300, $0x38;
	[tilespmem:$0x1E4C8] =	vst v63  }
0x18d: {  	_ =	swait.ge [sflag:s17], $0x1800  }
0x18e: {  	[sflag:s17] =	ssyncset.done $0x0  }
0x18f: {  	[sflag:s17] =	ssyncadd.s32 $0xFFFFE800  }
0x190: {  	_ =	swait.ge [sflag:s17], $0x1800  }
0x191: {  	[sflag:s17] =	ssyncset.done $0x0  }
0x192: {  	[sflag:s17] =	ssyncadd.s32 $0xFFFFE800  }
0x193: {  	_ =	swait.ge [sflag:s17], $0x1800  }
0x194: {  	[sflag:s17] =	ssyncset.done $0x0  }
0x195: {  	[sflag:s17] =	ssyncadd.s32 $0xFFFFE800  }
0x196: {  	_ =	swait.ge [sflag:s11], $0x30  }
0x197: {  	[sflag:s11] =	ssyncset.done $0x0  }
0x198: {  	[sflag:s11] =	ssyncadd.s32 $0xFFFFFFD0  }
0x199: {  	_ =	swait.ge [sflag:s11], $0x30  }
0x19a: {  	[sflag:s11] =	ssyncset.done $0x0  }
0x19b: {  	[sflag:s11] =	ssyncadd.s32 $0xFFFFFFD0  }
0x19c: {  	_ =	swait.ge [sflag:s11], $0x30  }
0x19d: {  	[sflag:s11] =	ssyncset.done $0x0  }
0x19e: {  	[sflag:s11] =	ssyncadd.s32 $0xFFFFFFD0  }
0x19f: {  	_ =	swait.ge [sflag:s11], $0x300  }
0x1a0: {  	[sflag:s11] =	ssyncset.done $0x0  }
0x1a1: {  	s22 =	simm.s32 $0x390;
	[sflag:s11] =	ssyncadd.s32 $0xFFFFFD00  }
0x1a2: {  	[tilespmem:s22], [sflag:$0x3] =	stream.indirect.gather [hbm4b:s1+s31], $0x80, s31, s31, $0xb8;
	[tilespmem:$0x1E4C8] =	vst v63  }
0x1a3: {  	s22 =	simm.s32 $0x1B90  }
0x1a4: {  	[tilespmem:s22], [sflag:$0x3] =	stream.indirect.gather [hbm4b:s5+s31], $0x80, s7, s31, $0xb8;
	[tilespmem:$0x1E4C8] =	vst v63  }
0x1a5: {  	_ = 	snop  }
0x1a6: {  	[tilespmem:s14], [sflag:$0x3] =	stream.indirect.gather [hbm4b:s15+s31], $0x80, s7, s31, $0xb8;
	[tilespmem:$0x1E4C8] =	vst v63  }
0x1a7: {  	_ = 	snop  }
0x1a8: {  	[spmem:s6] =	stream.indirect.scatter.add.f32 [tilespmem:s10], [sflag:$0x5], $0x80, s20, s31, $0xb8;
	[tilespmem:$0x1E4C8] =	vst v63  }
0x1a9: {  	_ =	swait.ge [sflag:s30], $0x1800  }
0x1aa: {  	[sflag:s30] =	ssyncset.done $0x0  }
0x1ab: {  	[sflag:s30] =	ssyncadd.s32 $0xFFFFE800  }
0x1ac: {  	[spmem:s8] =	stream.indirect.scatter.add.f32 [tilespmem:s28], [sflag:$0x5], $0x8, s20, s31, $0xb8;
	[tilespmem:$0x1E4C8] =	vst v63  }
0x1ad: {  	_ =	swait.ge [sflag:s30], $0x180  }
0x1ae: {  	[sflag:s30] =	ssyncset.done $0x0  }
0x1af: {  	s22 =	sadd.s32 $0x30, s29;
	[sflag:s30] =	ssyncadd.s32 $0xFFFFFE80  }
0x1b0: {  	[hbm4b:s22+s7] =	stream.linear.scatter [tilespmem:s28], [sflag:$0x5], $0x180, $0x38;
	[tilespmem:$0x1E4C8] =	vst v63  }
0x1b1: {  	s12 =	smov.u32 s18;
	s2 =	smov.u32 s3;
	_ =	swait.ge [sflag:s30], $0x180  }
0x1b2: {  	p0 =	sne.s32 s18, $0x4C8;
	s21 =	rddreg [dreg:$0x9];
	[sflag:s30] =	ssyncset.done $0x0  }
0x1b3: {  	s18 =	sadd.s32 $0xC, s18;
	[sflag:s30] =	ssyncadd.s32 $0xFFFFFE80;
	s21 =	sadd.s32 s12, s21  }
0x1b4: {  	[tilespmem:s19], [sflag:$0x2] =	stream.linear.gather [hbm4b:s21+s7], $0x30, $0x38;
	[tilespmem:$0x1E4C8] =	vst v63  }
.Ltmp2:
0x1b5: {  	s3 =	sadd.s32 $0xC0, s3;
	s22 =	rddreg [dreg:$0x8];
	(pc) =	sbr.rel @p0 .LBB2_6-.Ltmp2, $4  }
0x1b6: {  	s4 =	sadd.s32 $0xC0, s4;
	s29 =	rddreg [dreg:$0x7];
	s22 =	sadd.s32 s12, s22  }
0x1b7: {  	[tilespmem:s20], [sflag:$0x2] =	stream.linear.gather [hbm4b:s22+s7], $0x30, $0x38;
	[tilespmem:$0x1E4C8] =	vst v63  }
0x1b8: {  	s12 =	sadd.s32 s12, s29;
	s29 =	smov.u32 s0;
	s21 =	simm.s32 $0x4C20  }
0x1b9: {  	[tilespmem:s13], [sflag:$0x2] =	stream.linear.gather [hbm4b:s12+s7], $0x30, $0x38;
	[tilespmem:$0x1E4C8] =	vst v63  }
0x1ba: {  	[tilespmem:s21], [sflag:$0x2] =	stream.linear.gather [hbm4b:s2+s7], $0x300, $0x38;
	[tilespmem:$0x1E4C8] =	vst v63  }
0x1bb: {  	_ =	swait.ge [sflag:s23], $0x1800  }
0x1bc: {  	[sflag:s23] =	ssyncset.done $0x0  }
0x1bd: {  	[sflag:s23] =	ssyncadd.s32 $0xFFFFE800  }
0x1be: {  	_ =	swait.ge [sflag:s23], $0x1800  }
0x1bf: {  	[sflag:s23] =	ssyncset.done $0x0  }
0x1c0: {  	[sflag:s23] =	ssyncadd.s32 $0xFFFFE800  }
0x1c1: {  	_ =	swait.ge [sflag:s23], $0x1800  }
0x1c2: {  	[sflag:s23] =	ssyncset.done $0x0  }
0x1c3: {  	[sflag:s23] =	ssyncadd.s32 $0xFFFFE800  }
0x1c4: {  	_ =	swait.ge [sflag:s24], $0x30  }
0x1c5: {  	[sflag:s24] =	ssyncset.done $0x0  }
0x1c6: {  	[sflag:s24] =	ssyncadd.s32 $0xFFFFFFD0  }
0x1c7: {  	_ =	swait.ge [sflag:s24], $0x30  }
0x1c8: {  	[sflag:s24] =	ssyncset.done $0x0  }
0x1c9: {  	[sflag:s24] =	ssyncadd.s32 $0xFFFFFFD0  }
0x1ca: {  	_ =	swait.ge [sflag:s24], $0x30  }
0x1cb: {  	[sflag:s24] =	ssyncset.done $0x0  }
0x1cc: {  	[sflag:s24] =	ssyncadd.s32 $0xFFFFFFD0  }
0x1cd: {  	_ =	swait.ge [sflag:s24], $0x300  }
0x1ce: {  	[sflag:s24] =	ssyncset.done $0x0  }
0x1cf: {  	s0 =	simm.s32 $0x4F20;
	[sflag:s24] =	ssyncadd.s32 $0xFFFFFD00  }
0x1d0: {  	[tilespmem:s0], [sflag:$0x4] =	stream.indirect.gather [hbm4b:s1+s31], $0x80, s20, s31, $0xb8;
	[tilespmem:$0x1E4C8] =	vst v63  }
0x1d1: {  	s26 =	simm.s32 $0x6720  }
0x1d2: {  	[tilespmem:s26], [sflag:$0x4] =	stream.indirect.gather [hbm4b:s5+s31], $0x80, s19, s31, $0xb8;
	[tilespmem:$0x1E4C8] =	vst v63  }
0x1d3: {  	_ = 	snop  }
0x1d4: {  	[tilespmem:s10], [sflag:$0x4] =	stream.indirect.gather [hbm4b:s15+s31], $0x80, s19, s31, $0xb8;
	[tilespmem:$0x1E4C8] =	vst v63  }
0x1d5: {  	_ = 	snop  }
0x1d6: {  	[spmem:s6] =	stream.indirect.scatter.add.f32 [tilespmem:s14], [sflag:$0x5], $0x80, s31, s31, $0xb8;
	[tilespmem:$0x1E4C8] =	vst v63  }
0x1d7: {  	_ =	swait.ge [sflag:s30], $0x1800  }
0x1d8: {  	[sflag:s30] =	ssyncset.done $0x0  }
0x1d9: {  	[sflag:s30] =	ssyncadd.s32 $0xFFFFE800  }
0x1da: {  	[spmem:s8] =	stream.indirect.scatter.add.f32 [tilespmem:s28], [sflag:$0x5], $0x8, s31, s31, $0xb8;
	[tilespmem:$0x1E4C8] =	vst v63  }
0x1db: {  	_ =	swait.ge [sflag:s30], $0x180  }
0x1dc: {  	s0 =	sld [smem:$0x7F4]  }
0x1dd: {  	[sflag:s30] =	ssyncset.done $0x0  }
0x1de: {  	[sflag:s30] =	ssyncadd.s32 $0xFFFFFE80  }
0x1df: {  	[hbm4b:s0+s7] =	stream.linear.scatter [tilespmem:s28], [sflag:$0x5], $0x180, $0x38;
	[tilespmem:$0x1E4C8] =	vst v63  }
0x1e0: {  	_ =	swait.ge [sflag:s30], $0x180  }
0x1e1: {  	[sflag:s30] =	ssyncset.done $0x0  }
0x1e2: {  	[sflag:s30] =	ssyncadd.s32 $0xFFFFFE80  }
0x1e3: {  	_ =	swait.ge [sflag:s17], $0x1800  }
0x1e4: {  	[sflag:s17] =	ssyncset.done $0x0  }
0x1e5: {  	[sflag:s17] =	ssyncadd.s32 $0xFFFFE800  }
0x1e6: {  	_ =	swait.ge [sflag:s17], $0x1800  }
0x1e7: {  	[sflag:s17] =	ssyncset.done $0x0  }
0x1e8: {  	[sflag:s17] =	ssyncadd.s32 $0xFFFFE800  }
0x1e9: {  	_ =	swait.ge [sflag:s17], $0x1800  }
0x1ea: {  	[sflag:s17] =	ssyncset.done $0x0  }
0x1eb: {  	[sflag:s17] =	ssyncadd.s32 $0xFFFFE800  }
0x1ec: {  	[spmem:s6] =	stream.indirect.scatter.add.f32 [tilespmem:s10], [sflag:$0x5], $0x80, s20, s31, $0xb8;
	[tilespmem:$0x1E4C8] =	vst v63  }
0x1ed: {  	_ =	swait.ge [sflag:s30], $0x1800  }
0x1ee: {  	[sflag:s30] =	ssyncset.done $0x0  }
0x1ef: {  	[sflag:s30] =	ssyncadd.s32 $0xFFFFE800  }
0x1f0: {  	[spmem:s8] =	stream.indirect.scatter.add.f32 [tilespmem:s28], [sflag:$0x5], $0x8, s20, s31, $0xb8;
	[tilespmem:$0x1E4C8] =	vst v63  }
0x1f1: {  	_ =	swait.ge [sflag:s30], $0x180  }
0x1f2: {  	s3 =	sld [smem:$0x7F5]  }
0x1f3: {  	[sflag:s30] =	ssyncset.done $0x0  }
0x1f4: {  	[sflag:s30] =	ssyncadd.s32 $0xFFFFFE80  }
0x1f5: {  	[hbm4b:s3+s7] =	stream.linear.scatter [tilespmem:s28], [sflag:$0x5], $0x180, $0x38;
	[tilespmem:$0x1E4C8] =	vst v63  }
0x1f6: {  	_ =	swait.ge [sflag:s30], $0x180  }
0x1f7: {  	s4 =	sld [smem:$0x7F6]  }
0x1f8: {  	[sflag:s30] =	ssyncset.done $0x0  }
0x1f9: {  	s0 =	simm.s32 $0x9720;
	[sflag:s30] =	ssyncadd.s32 $0xFFFFFE80  }
0x1fa: {  	[tilespmem:s0], [sflag:$0x5] =	stream.linear.gather [hbm4b:s4+s7], $0x10, $0x38;
	[tilespmem:$0x1E4C8] =	vst v63  }
0x1fb: {  	_ =	swait.ge [sflag:s30], $0x10  }
0x1fc: {  	s10 =	sld [smem:$0x7F7]  }
0x1fd: {  	[sflag:s30] =	ssyncset.done $0x0  }
0x1fe: {  	s3 =	simm.s32 $0x9730;
	[sflag:s30] =	ssyncadd.s32 $0xFFFFFFF0  }
0x1ff: {  	[tilespmem:s3], [sflag:$0x5] =	stream.linear.gather [hbm4b:s10+s7], $0x10, $0x38;
	[tilespmem:$0x1E4C8] =	vst v63  }
0x200: {  	_ =	swait.ge [sflag:s30], $0x10  }
0x201: {  	s12 =	sld [smem:$0x7F8]  }
0x202: {  	[sflag:s30] =	ssyncset.done $0x0  }
0x203: {  	s4 =	simm.s32 $0x60;
	[sflag:s30] =	ssyncadd.s32 $0xFFFFFFF0  }
0x204: {  	[tilespmem:s4], [sflag:$0x5] =	stream.linear.gather [hbm4b:s12+s7], $0x10, $0x38;
	[tilespmem:$0x1E4C8] =	vst v63  }
0x205: {  	_ =	swait.ge [sflag:s30], $0x10  }
0x206: {  	[sflag:s30] =	ssyncset.done $0x0  }
0x207: {  	s18 =	simm.s32 $0x90;
	s13 =	rddreg [dreg:$0xd];
	[sflag:s30] =	ssyncadd.s32 $0xFFFFFFF0  }
0x208: {  	[tilespmem:s18], [sflag:$0x5] =	stream.linear.gather [hbm4b:s13+s7], $0x100, $0x38;
	[tilespmem:$0x1E4C8] =	vst v63  }
0x209: {  	_ =	swait.ge [sflag:s30], $0x100  }
0x20a: {  	[sflag:s30] =	ssyncset.done $0x0  }
0x20b: {  	s21 =	simm.s32 $0x10;
	s22 =	simm.s32 $0x390;
	[sflag:s30] =	ssyncadd.s32 $0xFFFFFF00  }
0x20c: {  	[tilespmem:s22], [sflag:$0x5] =	stream.indirect.gather [hbm4b:s1+s21], $0x80, s3, s21, $0xb8;
	[tilespmem:$0x1E4C8] =	vst v63  }
0x20d: {  	_ =	swait.ge [sflag:s30], $0x800  }
0x20e: {  	[sflag:s30] =	ssyncset.done $0x0  }
0x20f: {  	s26 =	simm.s32 $0x1B90;
	[sflag:s30] =	ssyncadd.s32 $0xFFFFF800  }
0x210: {  	[tilespmem:s26], [sflag:$0x5] =	stream.indirect.gather [hbm4b:s5+s21], $0x80, s0, s21, $0xb8;
	[tilespmem:$0x1E4C8] =	vst v63  }
0x211: {  	_ =	swait.ge [sflag:s30], $0x800  }
0x212: {  	[sflag:s30] =	ssyncset.done $0x0  }
0x213: {  	[sflag:s30] =	ssyncadd.s32 $0xFFFFF800  }
0x214: {  	[tilespmem:s14], [sflag:$0x5] =	stream.indirect.gather [hbm4b:s15+s21], $0x80, s0, s21, $0xb8;
	[tilespmem:$0x1E4C8] =	vst v63  }
0x215: {  	_ =	swait.ge [sflag:s30], $0x800  }
0x216: {  	[sflag:s30] =	ssyncset.done $0x0  }
0x217: {  	[sflag:s30] =	ssyncadd.s32 $0xFFFFF800  }
0x218: {  	[spmem:s6] =	stream.indirect.scatter.add.f32 [tilespmem:s14], [sflag:$0x5], $0x80, s3, s21, $0xb8;
	[tilespmem:$0x1E4C8] =	vst v63  }
0x219: {  	_ =	swait.ge [sflag:s30], $0x800  }
0x21a: {  	[sflag:s30] =	ssyncset.done $0x0  }
0x21b: {  	[sflag:s30] =	ssyncadd.s32 $0xFFFFF800  }
0x21c: {  	[spmem:s8] =	stream.indirect.scatter.add.f32 [tilespmem:s28], [sflag:$0x5], $0x8, s3, s21, $0xb8;
	[tilespmem:$0x1E4C8] =	vst v63  }
0x21d: {  	_ =	swait.ge [sflag:s30], $0x80  }
0x21e: {  	s3 =	sld [smem:$0x7F9]  }
0x21f: {  	[sflag:s30] =	ssyncset.done $0x0  }
0x220: {  	[sflag:s30] =	ssyncadd.s32 $0xFFFFFF80  }
0x221: {  	[hbm4b:s3+s7] =	stream.linear.scatter [tilespmem:s28], [sflag:$0x5], $0x80, $0x38;
	[tilespmem:$0x1E4C8] =	vst v63  }
0x222: {  	_ =	swait.ge [sflag:s30], $0x80  }
0x223: {  	[sflag:s30] =	ssyncset.done $0x0  }
0x224: {  	[sflag:s30] =	ssyncadd.s32 $0xFFFFFF80  }
0x225: {  	[bflag:$0x0] =	sbarrier.arrive $0xFFFF  }
0x226: {  	s4 =	stileid.u32;
	s12 =	sld [smem:$0x7FA]  }
0x227: {  	s2 =	sshll.u32 s4, $0x6;
	s21 =	rddreg [dreg:$0xf]  }
0x228: {  	s2 =	sor.u32 $0x1C05, s2;
	s10 =	sshrl.u32 s21, $0x3  }
0x229: {  	[hbm:s12], [sflag:s2] =	dma.local [spmem:s10], $0x2710  }
0x22a: {  	_ =	swait.ge [sflag:s30], $0x2710  }
0x22b: {  	s14 =	sld [smem:$0x7FB]  }
0x22c: {  	[sflag:s30] =	ssyncset.done $0x0;
	s26 =	rddreg [dreg:$0x10]  }
0x22d: {  	[sflag:s30] =	ssyncadd.s32 $0xFFFFD8F0;
	s13 =	sshrl.u32 s26, $0x3  }
0x22e: {  	[hbm:s14], [sflag:s2] =	dma.local [spmem:s13], $0x271  }
0x22f: {  	_ =	swait.ge [sflag:s30], $0x271  }
0x230: {  	s18 =	sld [smem:$0x7E2]  }
0x231: {  	s22 =	sld [smem:$0x7FC];
	_ =	sdelay $0x1  }
0x232: {  	s3 =	sadd.s32 $0x1, s18  }
0x233: {  	p0 =	sne.s32 s3, s22  }
.Ltmp3:
0x234: {  	_ = 	snop;
	(pc) =	sbr.rel @p0 .LBB2_1-.Ltmp3, $4  }
0x235: {  	s4 =	simm.s32 $0x90;
	s0 =	simm.s32 $0x60  }
0x236: {  	s12 =	simm.s32 $0x3390;
	s13 =	simm.s32 $0x4BF0;
	[sflag:s30] =	ssyncset.done $0x0  }
0x237: {  	[sflag:s30] =	ssyncadd.s32 $0xFFFFFD8F;
	s18 =	simm.s32 $0x390;
	s22 =	smov.u32 s25  }
0x238: {  	s25 =	smov.u32 s9;
	s9 =	smov.u32 s16;
	s16 =	simm.s32 $0x1B90  }
0x239: {  	_ =	sfence.sel $0x180000  }
0x23a: {  	[bflag:$0x0] =	sbarrier.arrive $0xFFFF  }
0x23b: {  	_ =	strace $0x90000047  }
0x23c: {  	s0 =	stileid.u32;
	[bflag:$0x2] =	sbarrier.arrive $0xFFFF  }
0x23d: {  	p0 =	sne.s32 s0, $0x0;
	s0 =	rddreg [dreg:$0x6]  }
0x23e: {  	s0 =	sadd.s32 @!p0 $0x100000, s0  }
0x23f: {  	[sflag:s0] =	ssyncadd.tile.s32 @!p0 $0x1;
	_ =	shalt  }
.Lfunc_end2:
_tile_overlayer_lowered:
.L_overlay_start_2:
0x240: {  	(tag) =	ssettag $0x2  }
0x241: {  	s0 =	rddreg [dreg:$0x0];
	s2 =	stileid.u32  }
0x242: {  	s1 =	rddreg [dreg:$0x1];
	p0 =	sne.s32 s2, $0x0  }
0x243: {  	s3 =	rddreg [dreg:$0x2];
	[bflag:$0x3] =	sbarrier.arrive $0xFFFF;
	s2 =	simm.s32 @!p0 $0x1C05  }
0x244: {  	[timem:s3], [sflag:s2] =	dma.local @!p0 [hbm:s0], s1  }
0x245: {  	s0 =	simm.s32 @!p0 $0x5  }
0x246: {  	_ =	swait.ge @!p0 [sflag:s0], s1  }
0x247: {  	s1 =	ssub.s32 @!p0 $0x0, s1;
	[sflag:s0] =	ssyncset.done @!p0 $0x0  }
0x248: {  	[sflag:s0] =	ssyncadd.s32 @!p0 s1  }
0x249: {  	[bflag:$0x3] =	sbarrier.arrive $0xFFFF  }
0x24a: {  	_ =	shalt  }

// kernel: kernel.9.cloned.1.call-start
scs
__scs_entry_jumppad:
0x0: {  	(pc) =	sbr.rel $0x88, $3  }
0x1: {  	(tag) =	ssettag $0x0;
	lr =	simm.s32 $0x1  }
0x2: {  	[smem:$0x3F89] =	sst lr;
	_ =	strace $0xD0000000  }
0x3: {  	_ = 	snop  }
0x4: {  	_ = 	snop  }
0x5: {  	_ = 	snop  }
0x6: {  	_ = 	snop  }
0x7: {  	_ = 	snop  }
__scs_overlays_trampoline_lowered:
0x8: {  	[smem:$0x3F98] =	sst s0  }
0x9: {  	[smem:$0x3F99] =	sst s1  }
0xa: {  	[smem:$0x3F9A] =	sst s2  }
0xb: {  	[smem:$0x3F9B] =	sst s3  }
0xc: {  	[smem:$0x3F9C] =	sst s4  }
0xd: {  	[smem:$0x3F9D] =	sst s5  }
0xe: {  	[smem:$0x3F9E] =	sst s6  }
0xf: {  	[smem:$0x3F9F] =	sst s7  }
0x10: {  	[smem:$0x3FA0] =	sst s8  }
0x11: {  	[smem:$0x3FA1] =	sst s9;
	s0 =	simm.s32 @!p0 $0x0  }
0x12: {  	s1 =	sld [smem:$0x3F87];
	s0 =	simm.s32 @p0 $0x1  }
0x13: {  	[smem:$0x3FA2] =	sst s0;
	s0 =	simm.s32 @!p1 $0x0  }
0x14: {  	s2 =	sld [smem:$0x3F86];
	s0 =	simm.s32 @p1 $0x1  }
0x15: {  	[smem:$0x3FA3] =	sst s0;
	s0 =	simm.s32 @!p2 $0x0  }
0x16: {  	s3 =	sld [smem:$0x3FDB];
	s0 =	simm.s32 @p2 $0x1  }
0x17: {  	s4 =	simm.s32 $0x1BF5;
	[smem:$0x3FA5] =	sst s0  }
0x18: {  	s0 =	sld [smem:$0x3F88];
	_ =	swait.ge [sflag:s4], $0x0  }
0x19: {  	s7 =	sld [smem:$0x3F89]  }
0x1a: {  	s8 =	sadd.s32 $0xFFFFE003, lr  }
0x1b: {  	s9 =	sadd.s32 $0xFFFFFEF7, lr;
	s5 =	simm.s32 $0xFFFFFFFF;
	p2 =	slt.u32 s8, $0xFFFFF086  }
0x1c: {  	p1 =	slt.u32 s9, $0xF7A;
	s5 =	simm.s32 @!p2 $0x0  }
0x1d: {  	s5 =	simm.s32 @p1 $0x1;
	p0 =	seq.s32 s7, s2  }
0x1e: {  	s7 =	smul.u32 @!p0 $0xF7A, s2;
	p2 =	seq.s32 @!p0 s5, $0x0  }
0x1f: {  	s9 =	smul.u32 $0xF7A, s1;
	s8 =	simm.s32 @!p0 $0x1BF5;
	p2 =	por !p2, p0  }
0x20: {  	[sflag:s8] =	ssyncset.s32 @!p0 $0xFFFFF086;
	s6 =	sadd.s32 @!p0 s3, s7;
	s7 =	simm.s32 @!p0 $0x108  }
0x21: {  	s3 =	sadd.s32 s3, s9;
	s6 =	sadd.s32 @!p0 $0x88, s6;
	s7 =	simm.s32 @p2 $0x1082  }
0x22: {  	[simem:s7], [sflag:s8] =	dma.local @!p0 [hbm:s6], $0xF7A  }
0x23: {  	s9 =	sor.u32 $0xD0000000, s2;
	s6 =	simm.s32 $0x108;
	_ =	swait.ge @!p0 [sflag:s8], $0x0  }
0x24: {  	s3 =	sadd.s32 $0x88, s3;
	s6 =	simm.s32 @!p1 $0x1082;
	[sflag:s4] =	ssyncset.s32 $0xFFFFF086  }
0x25: {  	[simem:s6], [sflag:s4] =	dma.local [hbm:s3], $0xF7A  }
0x26: {  	[smem:$0x3F89] =	sst s1;
	(tag) =	ssettag s2;
	_ =	strace s9  }
0x27: {  	s1 =	sld [smem:$0x3F99]  }
0x28: {  	s2 =	sld [smem:$0x3F9A]  }
0x29: {  	s4 =	sld [smem:$0x3F9C]  }
0x2a: {  	p0 =	seq.s32 s5, $0x0;
	s5 =	sld [smem:$0x3F9D]  }
0x2b: {  	s6 =	sld [smem:$0x3F9E]  }
0x2c: {  	s7 =	sld [smem:$0x3F9F]  }
0x2d: {  	s3 =	simm.s32 $0x108;
	s8 =	sld [smem:$0x3FA0]  }
0x2e: {  	s3 =	simm.s32 @!p0 $0x1082;
	s9 =	sld [smem:$0x3FA1]  }
0x2f: {  	lr =	sadd.s32 s0, s3;
	s0 =	sld [smem:$0x3F98]  }
0x30: {  	s3 =	sld [smem:$0x3F9B]  }
0x31: {  	[smem:$0x3FA4] =	sst s10  }
0x32: {  	s10 =	sld [smem:$0x3FA2];
	_ =	sdelay $0x3  }
0x33: {  	p0 =	seq.s32 s10, $0x1;
	s10 =	sld [smem:$0x3FA4];
	_ =	sdelay $0x3  }
0x34: {  	[smem:$0x3FA4] =	sst s10  }
0x35: {  	s10 =	sld [smem:$0x3FA3];
	_ =	sdelay $0x3  }
0x36: {  	p1 =	seq.s32 s10, $0x1;
	s10 =	sld [smem:$0x3FA4];
	_ =	sdelay $0x3  }
0x37: {  	[smem:$0x3FA4] =	sst s10  }
0x38: {  	s10 =	sld [smem:$0x3FA5]  }
0x39: {  	_ = 	snop;
	(pc) =	sbr.ind lr, $3  }
0x3a: {  	_ = 	snop  }
0x3b: {  	_ = 	snop  }
0x3c: {  	p2 =	seq.s32 s10, $0x1;
	s10 =	sld [smem:$0x3FA4]  }
0x3d: {  	_ =	shalt  }
0x3e: {  	_ =	shalt  }
0x3f: {  	_ =	shalt  }
0x40: {  	_ =	shalt  }
0x41: {  	_ =	shalt  }
0x42: {  	_ =	shalt  }
0x43: {  	_ =	shalt  }
0x44: {  	_ =	shalt  }
0x45: {  	_ =	shalt  }
0x46: {  	_ =	shalt  }
0x47: {  	_ =	shalt  }
0x48: {  	_ =	shalt  }
0x49: {  	_ =	shalt  }
0x4a: {  	_ =	shalt  }
0x4b: {  	_ =	shalt  }
0x4c: {  	_ =	shalt  }
0x4d: {  	_ =	shalt  }
0x4e: {  	_ =	shalt  }
0x4f: {  	_ =	shalt  }
0x50: {  	_ =	shalt  }
0x51: {  	_ =	shalt  }
0x52: {  	_ =	shalt  }
0x53: {  	_ =	shalt  }
0x54: {  	_ =	shalt  }
0x55: {  	_ =	shalt  }
0x56: {  	_ =	shalt  }
0x57: {  	_ =	shalt  }
0x58: {  	_ =	shalt  }
0x59: {  	_ =	shalt  }
0x5a: {  	_ =	shalt  }
0x5b: {  	_ =	shalt  }
0x5c: {  	_ =	shalt  }
0x5d: {  	_ =	shalt  }
0x5e: {  	_ =	shalt  }
0x5f: {  	_ =	shalt  }
0x60: {  	_ =	shalt  }
0x61: {  	_ =	shalt  }
0x62: {  	_ =	shalt  }
0x63: {  	_ =	shalt  }
0x64: {  	_ =	shalt  }
0x65: {  	_ =	shalt  }
0x66: {  	_ =	shalt  }
0x67: {  	_ =	shalt  }
0x68: {  	_ =	shalt  }
0x69: {  	_ =	shalt  }
0x6a: {  	_ =	shalt  }
0x6b: {  	_ =	shalt  }
0x6c: {  	_ =	shalt  }
0x6d: {  	_ =	shalt  }
0x6e: {  	_ =	shalt  }
0x6f: {  	_ =	shalt  }
0x70: {  	_ =	shalt  }
0x71: {  	_ =	shalt  }
0x72: {  	_ =	shalt  }
0x73: {  	_ =	shalt  }
0x74: {  	_ =	shalt  }
0x75: {  	_ =	shalt  }
0x76: {  	_ =	shalt  }
0x77: {  	_ =	shalt  }
0x78: {  	_ =	shalt  }
0x79: {  	_ =	shalt  }
0x7a: {  	_ =	shalt  }
0x7b: {  	_ =	shalt  }
0x7c: {  	_ =	shalt  }
0x7d: {  	_ =	shalt  }
0x7e: {  	_ =	shalt  }
0x7f: {  	_ =	shalt  }
0x80: {  	_ =	shalt  }
0x81: {  	_ =	shalt  }
0x82: {  	_ =	shalt  }
0x83: {  	_ =	shalt  }
0x84: {  	_ =	shalt  }
0x85: {  	_ =	shalt  }
0x86: {  	_ =	shalt  }
0x87: {  	_ =	shalt  }
.Lfunc_end0:
.L_simem_size_0:
called_computation.1_lowered:
.L_overlay_start_0:
0x88: {  	s2 =	sld [smem:$0x3FD9]  }
0x89: {  	s3 =	sld [smem:$0x3FFE];
	_ =	sdelay $0x1  }
0x8a: {  	s1 =	srdreg.scid  }
0x8b: {  	s0 =	sand.u32 $0x1, s1  }
0x8c: {  	s14 =	sshll.u32 s0, $0xA;
	s2 =	sadd.s32 s3, s2  }
0x8d: {  	s2 =	sadd.s32 s2, s14  }
0x8e: {  	[smem:$0x3FB0] =	sst s2  }
0x8f: {  	_ = 	snop  }
0x90: {  	s2 =	sld [smem:$0x3FD0];
	_ =	sdelay $0x2  }
0x91: {  	s15 =	simm.s32 $0xA;
	s4 =	simm.s32 $0x10  }
0x92: {  	[smem:s4], [sflag:s15] =	dma.local [hbm:s2], $0x1  }
0x93: {  	_ =	swait.eq [sflag:s15], $0x1  }
0x94: {  	[sflag:s15] =	ssyncset.done $0x0  }
0x95: {  	[sflag:s15] =	ssyncadd.s32 $0xFFFFFFFF  }
0x96: {  	s16 =	sld [smem:$0x11];
	(tm) =	ssettm $0x1  }
0x97: {  	s17 =	sld [smem:$0x3FFB];
	_ =	sdelay $0x3  }
0x98: {  	_ =	strace s17  }
0x99: {  	s3 =	sld [smem:$0x3FFC];
	_ =	sdelay $0x3  }
0x9a: {  	_ =	strace s3  }
0x9b: {  	s3 =	sld [smem:$0x3FFD];
	_ =	sdelay $0x3  }
0x9c: {  	_ =	strace s3  }
0x9d: {  	_ =	strace $0x8FFFFFFF  }
0x9e: {  	s18 =	sld [smem:$0x3FDB];
	_ =	sdelay $0x1  }
0x9f: {  	s19 =	simm.s32 $_scs_section_size  }
0xa0: {  	s5 =	simm.s32 $_size__tile_overlayer_lowered;
	s6 =	simm.s32 $_tile_overlayer_lowered  }
0xa1: {  	s22 =	simm.s32 $0x1BFF;
	s21 =	sshll.u32 s6, $0x1;
	s3 =	sadd.s32 s19, s18  }
0xa2: {  	s7 =	simm.s32 $0x0;
	s20 =	sshll.u32 s5, $0x1;
	s5 =	sadd.s32 s21, s3  }
0xa3: {  	[timem:s7], [sflag:s22] =	dma.local [hbm:s5], s20  }
0xa4: {  	_ =	swait.ge [sflag:s22], s20  }
0xa5: {  	s4 =	ssub.s32 $0x0, s20;
	[sflag:s22] =	ssyncset.done $0x0  }
0xa6: {  	[sflag:s22] =	ssyncadd.s32 s4;
	_ =	sdelay $0x1  }
0xa7: {  	s23 =	simm.s32 $0x1B8B  }
0xa8: {  	_ =	swait.ge [sflag:s23], $0x1  }
0xa9: {  	[sflag:s23] =	ssyncset.done $0x0  }
0xaa: {  	s25 =	simm.s32 $0x1B8E;
	s24 =	sld [smem:$0x3FFE];
	[sflag:s23] =	ssyncadd.s32 $0xFFFFFFFF  }
0xab: {  	s26 =	simm.s32 $execute0_lowered;
	[smem:$0x3FD2] =	sst s25  }
0xac: {  	s5 =	sshll.u32 s26, $0x1;
	_ =	strace $0x80000049;
	[dreg:$0x1] =	wrdreg $0xFFFFFFFF  }
0xad: {  	s28 =	simm.s32 $_size_execute0_lowered;
	s3 =	sadd.s32 s3, s5;
	[dreg:$0x0] =	wrdreg $0x0  }
0xae: {  	s5 =	sshll.u32 s28, $0x1;
	[dreg:$0x2] =	wrdreg s3  }
0xaf: {  	[dreg:$0x3] =	wrdreg s5  }
0xb0: {  	[dreg:$0x4] =	wrdreg $0xC0  }
0xb1: {  	_ =	task [dreg:s7], $0x5FFFF  }
0xb2: {  	[dreg:$0x1] =	wrdreg $0xFFFFFFFF  }
0xb3: {  	[dreg:$0x0] =	wrdreg $0x60  }
0xb4: {  	[dreg:$0x2] =	wrdreg s24  }
0xb5: {  	[dreg:$0x3] =	wrdreg s16  }
0xb6: {  	[dreg:$0x4] =	wrdreg $0x9  }
0xb7: {  	_ =	task.clear_ibuf [dreg:s7], $0x5FFFF;
	_ =	strace $0x90000049  }
0xb8: {  	s29 =	simm.s32 $0x9;
	_ =	strace $0x8000004B  }
0xb9: {  	_ =	swait.ge [sflag:s29], $0x1  }
0xba: {  	[sflag:s29] =	ssyncadd.s32 $0xFFFFFFFF  }
0xbb: {  	_ =	strace $0x9000004B  }
0xbc: {  	_ =	sfence  }
0xbd: {  	s30 =	sld [smem:$0x0];
	_ =	sdelay $0x2  }
0xbe: {  	s31 =	sshll.u32 s1, $0xD;
	s1 =	sshrl.u32 s1, $0x2  }
0xbf: {  	s3 =	sand.u32 $0x4000, s31;
	s1 =	sadd.s32 s1, s30  }
0xc0: {  	s0 =	sor.u32 s3, s0;
	s1 =	sshll.u32 s1, $0x11  }
0xc1: {  	s0 =	sor.u32 s1, s0  }
0xc2: {  	s0 =	sadd.s32 $0x8F2B, s0  }
0xc3: {  	[sflag:s0] =	ssyncadd.remote.s32 $0x1  }
0xc4: {  	_ =	sfence.sel $0xFFFF  }
0xc5: {  	[dreg:$0x0] =	wrdreg $0xFFFFFFFF;
	(pc) =	sbr.abs _section_cstart, $3  }
0xc6: {  	[dreg:$0x1] =	wrdreg $0xFFFFFFFF  }
0xc7: {  	_ =	task.clear_ibuf [dreg:s7], $0x2FFFF;
	_ =	strace $0x9FFFFFFF  }
0xc8: {  	(tm) =	ssettm $0x7FFFFFFF  }
0xc9: {  	_ =	shalt  }
tec
execute0_lowered:
.L_overlay_start_1:
0x0: {  	(tag) =	ssettag $0x1  }
0x1: {  	s6 =	rddreg [dreg:$0x0]  }
0x2: {  	s1 =	rddreg [dreg:$0x1]  }
0x3: {  	s0 =	rddreg [dreg:$0x2];
	s2 =	simm.s32 $0x0  }
0x4: {  	s3 =	srdreg.scid;
	s10 =	simm.s32 $0x7D0;
	s11 =	simm.s32 $0x4650  }
0x5: {  	s12 =	simm.s32 $0x84D0;
	s13 =	simm.s32 $0x0;
	s17 =	simm.s32 $0x0  }
0x6: {  	[smem:$0x7FF] =	sst s2;
	s4 =	sadd.s32 $0x12E200, s6;
	s5 =	sand.u32 $0x1, s3  }
0x7: {  	s3 =	stileid.u32;
	_ =	strace $0x8000004A;
	s7 =	ssub.s32 $0x2, s5  }
0x8: {  	v1 =	vlaneseq.u32;
	s8 =	sshll.u32 s5, $0x4;
	s5 =	sadd.s32 $0xDC00, s6;
	s9 =	sshrl.u32 s7, $0x1  }
0x9: {  	v0 =	vshrl.u32 v1, $0x3;
	s6 =	sadd.s32 $0x3E00, s6;
	s8 =	sor.u32 s3, s8;
	s9 =	ssub.s32 s7, s9  }
0xa: {  	v1 =	vand.u32 $0x7, v1;
	v0 =	vmul.u32 $0x8, v0;
	s7 =	smul.u32 $0x2710, s8;
	s8 =	smax.u32 s9, $0x1;
	s9 =	simm.s32 $0x1  }
.LBB2_1:
0xb: {  	s14 =	simm.s32 $0x0  }
.LBB2_2:
0xc: {  	s15 =	smul.u32 $0x7D0, s14;
	_ =	sdelay $0x1  }
0xd: {  	s15 =	sadd.s32 s7, s15  }
0xe: {  	s16 =	sshrl.u32 s15, $0x3  }
0xf: {  	s16 =	sadd.s32 s5, s16  }
0x10: {  	[tilespmem:s17], [sflag:$0x1] =	stream.linear.gather [hbm4b:s16+s17], $0x7D0, $0x38;
	[tilespmem:$0xC350] =	vst v63  }
0x11: {  	_ =	swait.ge [sflag:s9], $0x7D0  }
0x12: {  	[sflag:s9] =	ssyncset.done $0x0  }
0x13: {  	s30 =	sadd.s32 s4, s15;
	[sflag:s9] =	ssyncadd.s32 $0xFFFFF830  }
0x14: {  	v2 =	vmov s17;
	[tilespmem:s10], [sflag:$0x1] =	stream.linear.gather [hbm4b:s30+s17], $0x3E80, $0x38;
	[tilespmem:$0xC350] =	vst v63  }
0x15: {  	v2 =	vshll.u32 v2, $0x3;
	_ =	swait.ge [sflag:s9], $0x3E80  }
0x16: {  	v2 =	vor.u32 v0, v2;
	[sflag:s9] =	ssyncset.done $0x0  }
0x17: {  	v2 =	vor.u32 v1, v2;
	[sflag:s9] =	ssyncadd.s32 $0xFFFFC180  }
0x18: {  	[tilespmem:s11], [sflag:$0x1] =	stream.indirect.gather [hbm4b:s6+s10], $0x8, s17, s10, $0xb8;
	[tilespmem:$0xC350] =	vst v63  }
0x19: {  	_ =	swait.ge [sflag:s9], $0x3E80  }
0x1a: {  	[sflag:s9] =	ssyncset.done $0x0  }
0x1b: {  	[sflag:s9] =	ssyncadd.s32 $0xFFFFC180  }
0x1c: {  	v3 =	vld.idx.msk [tilespmem:v2+s11+$0x0], $0xffff;
	_ =	sdelay $0x4  }
0x1d: {  	(erf) = vrcp.f32 v3;
	_ =	sdelay $0x3  }
0x1e: {  	s31 =	simm.s32 $0x2  }
0x1f: {  	v4 =	vmov s31;
	s16 =	simm.s32 $0x4;
	v3 =	vld.idx.msk [tilespmem:v2+s10+$0x0], $0xffff  }
.LBB2_3:
0x20: {  	p0 =	sne.s32 s16, $0x7CE;
	v4 =	vshll.u32 v4, $0x3  }
0x21: {  	v4 =	vor.u32 v0, v4  }
0x22: {  	v4 =	vor.u32 v1, v4  }
0x23: {  	v5 =	vpop (erf)  }
0x24: {  	v3 =	vmul.f32 v5, v3;
	_ =	sdelay $0x1  }
0x25: {  	[tilespmem:v2+s12+$0x0] =	vst.idx.msk $0xffff, v3;
	v2 =	vmov v4  }
0x26: {  	v3 =	vld.idx.msk [tilespmem:v4+s11+$0x0], $0xffff;
	_ =	sdelay $0x5  }
0x27: {  	(erf) = vrcp.f32 v3  }
.Ltmp0:
0x28: {  	(pc) =	sbr.rel @p0 .LBB2_3-.Ltmp0, $3  }
0x29: {  	_ =	sdelay $0x1  }
0x2a: {  	v3 =	vld.idx.msk [tilespmem:v4+s10+$0x0], $0xffff  }
0x2b: {  	v4 =	vmov s16;
	s16 =	sadd.s32 $0x2, s16  }
0x2c: {  	v4 =	vshll.u32 v4, $0x3  }
0x2d: {  	v4 =	vor.u32 v0, v4  }
0x2e: {  	v4 =	vor.u32 v1, v4  }
0x2f: {  	v5 =	vpop (erf)  }
0x30: {  	v3 =	vmul.f32 v5, v3;
	_ =	sdelay $0x1  }
0x31: {  	[tilespmem:v2+s12+$0x0] =	vst.idx.msk $0xffff, v3  }
0x32: {  	v2 =	vld.idx.msk [tilespmem:v4+s11+$0x0], $0xffff;
	_ =	sdelay $0x4  }
0x33: {  	(erf) = vrcp.f32 v2;
	_ =	sdelay $0x4  }
0x34: {  	v2 =	vld.idx.msk [tilespmem:v4+s10+$0x0], $0xffff;
	_ =	sdelay $0x3  }
0x35: {  	v3 =	vpop (erf)  }
0x36: {  	s14 =	sadd.s32 $0x1, s14;
	v2 =	vmul.f32 v3, v2  }
0x37: {  	p0 =	sne.s32 s14, $0x5  }
.Ltmp1:
0x38: {  	s15 =	sadd.s32 s1, s15;
	[tilespmem:v4+s12+$0x0] =	vst.idx.msk $0xffff, v2;
	(pc) =	sbr.rel @p0 .LBB2_2-.Ltmp1, $4  }
0x39: {  	[hbm4b:s15+s2] =	stream.linear.scatter [tilespmem:s12], [sflag:$0x1], $0x3E80, $0x38;
	[tilespmem:$0xC350] =	vst v63  }
0x3a: {  	_ =	swait.ge [sflag:s9], $0x3E80  }
0x3b: {  	[sflag:s9] =	ssyncset.done $0x0  }
0x3c: {  	[sflag:s9] =	ssyncadd.s32 $0xFFFFC180  }
0x3d: {  	s13 =	sadd.s32 $0x1, s13  }
0x3e: {  	p0 =	sne.s32 s13, s8  }
.Ltmp2:
0x3f: {  	_ = 	snop;
	(pc) =	sbr.rel @p0 .LBB2_1-.Ltmp2, $1  }
0x40: {  	_ =	sdelay $0x3  }
0x41: {  	_ =	sfence.sel $0x180000  }
0x42: {  	[bflag:$0x0] =	sbarrier.arrive $0xFFFF  }
0x43: {  	p0 =	sne.s32 s3, $0x0;
	_ =	strace $0x9000004A  }
0x44: {  	s0 =	sadd.s32 @!p0 $0x100000, s0;
	[bflag:$0x2] =	sbarrier.arrive $0xFFFF  }
0x45: {  	[sflag:s0] =	ssyncadd.tile.s32 @!p0 $0x1;
	_ =	shalt  }
.Lfunc_end2:
_tile_overlayer_lowered:
.L_overlay_start_2:
0x46: {  	(tag) =	ssettag $0x2  }
0x47: {  	s0 =	rddreg [dreg:$0x0];
	s2 =	stileid.u32  }
0x48: {  	s1 =	rddreg [dreg:$0x1];
	p0 =	sne.s32 s2, $0x0  }
0x49: {  	s3 =	rddreg [dreg:$0x2];
	[bflag:$0x3] =	sbarrier.arrive $0xFFFF;
	s2 =	simm.s32 @!p0 $0x1C01  }
0x4a: {  	[timem:s3], [sflag:s2] =	dma.local @!p0 [hbm:s0], s1  }
0x4b: {  	s0 =	simm.s32 @!p0 $0x1  }
0x4c: {  	_ =	swait.ge @!p0 [sflag:s0], s1  }
0x4d: {  	s1 =	ssub.s32 @!p0 $0x0, s1;
	[sflag:s0] =	ssyncset.done @!p0 $0x0  }
0x4e: {  	[sflag:s0] =	ssyncadd.s32 @!p0 s1  }
0x4f: {  	[bflag:$0x3] =	sbarrier.arrive $0xFFFF  }
0x50: {  	_ =	shalt  }

</sc_bundles>
